<compile_context>
chip_gen: v7x
topology: tpu7x:2x2x1
jax: 0.10.2.dev20260603
libtpu: 0.0.44.dev20260713+nightly
codegen_flags: <defaults>
</compile_context>

<pallas_src>
import functools

import jax
import jax.numpy as jnp
from jax import lax
from jax.experimental import pallas as pl
from jax.experimental.pallas import tpu as pltpu
from jax.experimental.pallas import tpu_sc as plsc

_N = 10000
_E = 320000
_D = 128

_NC = 2
_NS = 16
_NW = _NC * _NS
_C = 128
_CW = 16
_NP = 10112
_RPS = _NP // _NS

_TOTAL_CHUNKS = _E // _C
_NPW = _TOTAL_CHUNKS // _NW
_REM = _TOTAL_CHUNKS % _NW

_MESH = dict(core_axis_name="c", subcore_axis_name="s",
             num_cores=_NC, num_subcores=_NS)

_PIECES = [(0, _C), (_C, _C), (2 * _C, _C), (3 * _C, _C), (4 * _C, _RPS - 4 * _C)]


def _zero_acc(zsrc_hbm, buf, acc, row0):
    pltpu.sync_copy(zsrc_hbm, buf)
    for off, n in _PIECES:
        pltpu.sync_copy(buf.at[pl.ds(0, n)], acc.at[pl.ds(row0 + off, n)])


def _copy_out(acc, buf, out_hbm, row0, out0):
    for off, n in _PIECES:
        pltpu.sync_copy(acc.at[pl.ds(row0 + off, n)], buf.at[pl.ds(0, n)])
        pltpu.sync_copy(buf.at[pl.ds(0, n)], out_hbm.at[pl.ds(out0 + off, n)])


def _sums_body(x_hbm, src_hbm, dst_hbm, zrows_hbm, sums_hbm,
               is0, is1, id0, id1, r0, r1, acc, s0, s1):
    cid = lax.axis_index("c")
    sid = lax.axis_index("s")
    w = cid * _NS + sid
    row0 = sid * _RPS

    _zero_acc(zrows_hbm, r0, acc, row0)
    plsc.subcore_barrier()

    step = _NW * _C

    @pl.loop(0, _NPW // 2)
    def _(t):
        base = (w + t * 2 * _NW) * _C
        pltpu.sync_copy(src_hbm.at[pl.ds(base, _C)], is0)
        h0 = pltpu.async_copy(x_hbm.at[is0], r0, s0)
        pltpu.sync_copy(src_hbm.at[pl.ds(base + step, _C)], is1)
        h1 = pltpu.async_copy(x_hbm.at[is1], r1, s1)
        pltpu.sync_copy(dst_hbm.at[pl.ds(base, _C)], id0)
        pltpu.sync_copy(dst_hbm.at[pl.ds(base + step, _C)], id1)
        h0.wait()
        pltpu.sync_copy(r0, acc.at[id0], add=True)
        h1.wait()
        pltpu.sync_copy(r1, acc.at[id1], add=True)

    @pl.when(w < _REM)
    def _():
        base = (w + _NPW * _NW) * _C
        pltpu.sync_copy(src_hbm.at[pl.ds(base, _C)], is0)
        h = pltpu.async_copy(x_hbm.at[is0], r0, s0)
        pltpu.sync_copy(dst_hbm.at[pl.ds(base, _C)], id0)
        h.wait()
        pltpu.sync_copy(r0, acc.at[id0], add=True)

    plsc.subcore_barrier()
    _copy_out(acc, r0, sums_hbm, row0, cid * _NP + row0)


def _sc_sums(t, src, dst, zrows):
    fn = pl.kernel(
        _sums_body,
        out_type=jax.ShapeDtypeStruct((_NC * _NP, _D), jnp.float32),
        mesh=plsc.VectorSubcoreMesh(**_MESH),
        scratch_types=[
            pltpu.VMEM((_C,), jnp.int32),
            pltpu.VMEM((_C,), jnp.int32),
            pltpu.VMEM((_C,), jnp.int32),
            pltpu.VMEM((_C,), jnp.int32),
            pltpu.VMEM((_C, _D), jnp.float32),
            pltpu.VMEM((_C, _D), jnp.float32),
            pltpu.VMEM_SHARED((_NP, _D), jnp.float32),
            pltpu.SemaphoreType.DMA,
            pltpu.SemaphoreType.DMA,
        ])
    return fn(t, src, dst, zrows)


def _cnts_body(dst_hbm, zrows_hbm, ones_hbm, cnts_hbm,
               id0, id1, ones_v, acc, s0, s1):
    cid = lax.axis_index("c")
    sid = lax.axis_index("s")
    w = cid * _NS + sid
    row0 = sid * _RPS

    _zero_acc(zrows_hbm, ones_v, acc, row0)
    pltpu.sync_copy(ones_hbm, ones_v)
    plsc.subcore_barrier()

    step = _NW * _C

    @pl.loop(0, _NPW // 2)
    def _(t):
        base = (w + t * 2 * _NW) * _C
        h0 = pltpu.async_copy(dst_hbm.at[pl.ds(base, _C)], id0, s0)
        h1 = pltpu.async_copy(dst_hbm.at[pl.ds(base + step, _C)], id1, s1)
        h0.wait()
        pltpu.sync_copy(ones_v, acc.at[id0], add=True)
        h1.wait()
        pltpu.sync_copy(ones_v, acc.at[id1], add=True)

    @pl.when(w < _REM)
    def _():
        base = (w + _NPW * _NW) * _C
        pltpu.sync_copy(dst_hbm.at[pl.ds(base, _C)], id0)
        pltpu.sync_copy(ones_v, acc.at[id0], add=True)

    plsc.subcore_barrier()
    _copy_out(acc, ones_v, cnts_hbm, row0, cid * _NP + row0)


def _sc_cnts(dst, zrows, ones):
    fn = pl.kernel(
        _cnts_body,
        out_type=jax.ShapeDtypeStruct((_NC * _NP, _D), jnp.float32),
        mesh=plsc.VectorSubcoreMesh(**_MESH),
        scratch_types=[
            pltpu.VMEM((_C,), jnp.int32),
            pltpu.VMEM((_C,), jnp.int32),
            pltpu.VMEM((_C, _D), jnp.float32),
            pltpu.VMEM_SHARED((_NP, _D), jnp.float32),
            pltpu.SemaphoreType.DMA,
            pltpu.SemaphoreType.DMA,
        ])
    return fn(dst, zrows, ones)


def _tc_layer_body(last, sums_ref, cnts_ref, t_ref, wl_ref, bl_ref, wr_ref, o_ref):
    s = sums_ref[0] + sums_ref[1]
    c = cnts_ref[0, :, 0:1] + cnts_ref[1, :, 0:1]
    c = jnp.maximum(c, 1.0)
    aggr = s / c
    z = (jnp.dot(aggr, wl_ref[...], preferred_element_type=jnp.float32)
         + bl_ref[...]
         + jnp.dot(t_ref[...], wr_ref[...], preferred_element_type=jnp.float32))
    if last:
        m = jnp.max(z, axis=-1, keepdims=True)
        e = jnp.exp(z - m)
        lse = jnp.log(jnp.sum(e, axis=-1, keepdims=True)) + m
        o_ref[...] = z - lse
    else:
        o_ref[...] = jnp.maximum(z, 0.0)


def _tc_layer(sums, cnts, t, W_l, b_l, W_r, last):
    R = 1264
    return pl.pallas_call(
        functools.partial(_tc_layer_body, last),
        grid=(_NP // R,),
        in_specs=[
            pl.BlockSpec((_NC, R, _D), lambda i: (0, i, 0)),
            pl.BlockSpec((_NC, R, _D), lambda i: (0, i, 0)),
            pl.BlockSpec((R, _D), lambda i: (i, 0)),
            pl.BlockSpec((_D, _D), lambda i: (0, 0)),
            pl.BlockSpec((1, _D), lambda i: (0, 0)),
            pl.BlockSpec((_D, _D), lambda i: (0, 0)),
        ],
        out_specs=pl.BlockSpec((R, _D), lambda i: (i, 0)),
        out_shape=jax.ShapeDtypeStruct((_NP, _D), jnp.float32),
    )(sums, cnts, t, W_l, b_l, W_r)


def kernel(x, edge_index, W_l1, b_l1, W_r1, W_l2, b_l2, W_r2):
    src = edge_index[0]
    dst = edge_index[1]
    x_pad = jnp.concatenate(
        [x, jnp.zeros((_NP - _N, _D), jnp.float32)], axis=0)
    zrows = jnp.zeros((_C, _D), jnp.float32)
    ones = jnp.ones((_C, _D), jnp.float32)
    b1 = b_l1.reshape(1, _D)
    b2 = b_l2.reshape(1, _D)

    cnts = _sc_cnts(dst, zrows, ones).reshape(_NC, _NP, _D)
    sums1 = _sc_sums(x, src, dst, zrows).reshape(_NC, _NP, _D)
    h = _tc_layer(sums1, cnts, x_pad, W_l1, b1, W_r1, last=False)

    sums2 = _sc_sums(h, src, dst, zrows).reshape(_NC, _NP, _D)
    out = _tc_layer(sums2, cnts, h, W_l2, b2, W_r2, last=True)
    return out[:_N]

# --- scband reference (transcript-rebuilt; emitter-appended) ---
"""Pipeline reference for scband-sage-20469814133287 (READ-ONLY COPY).

The authoritative reference and input builder live on the scoring server;
editing this copy changes nothing except your own understanding.
"""

import jax, jax.numpy as jnp
import numpy as np

N = 10000
E = 320000
D_IN = 128
D_H = 128
D_OUT = 128


def _sage_conv(x, edge_index, W_l, b_l, W_r, num_nodes):
    # PyG SAGEConv with mean aggregation:
    #   out = lin_l(mean_{j in N(i)} x_j) + lin_r(x_i)
    src = edge_index[0]
    dst = edge_index[1]
    msgs = jnp.take(x, src, axis=0)
    summed = jax.ops.segment_sum(msgs, dst, num_segments=num_nodes)
    cnt = jax.ops.segment_sum(jnp.ones((edge_index.shape[1],), dtype=x.dtype), dst, num_segments=num_nodes)
    cnt = jnp.clip(cnt, 1.0, None)[:, None]
    aggr = summed / cnt
    return aggr @ W_l + b_l + x @ W_r


def setup_inputs(seed: int = 0) -> dict:
    key = jax.random.key(seed)
    ks = jax.random.split(key, 10)
    x = jax.random.normal(ks[0], (N, D_IN), dtype=jnp.float32)
    edge_index = jax.random.randint(ks[1], (2, E), 0, N, dtype=jnp.int32)
    s1 = 1.0 / np.sqrt(D_IN)
    s2 = 1.0 / np.sqrt(D_H)
    W_l1 = jax.random.uniform(ks[2], (D_IN, D_H), dtype=jnp.float32, minval=-s1, maxval=s1)
    b_l1 = jnp.zeros((D_H,), dtype=jnp.float32)
    W_r1 = jax.random.uniform(ks[3], (D_IN, D_H), dtype=jnp.float32, minval=-s1, maxval=s1)
    W_l2 = jax.random.uniform(ks[4], (D_H, D_OUT), dtype=jnp.float32, minval=-s2, maxval=s2)
    b_l2 = jnp.zeros((D_OUT,), dtype=jnp.float32)
    W_r2 = jax.random.uniform(ks[5], (D_H, D_OUT), dtype=jnp.float32, minval=-s2, maxval=s2)
    return {"x": x, "edge_index": edge_index, "W_l1": W_l1, "b_l1": b_l1, "W_r1": W_r1, "W_l2": W_l2, "b_l2": b_l2, "W_r2": W_r2}


def reference(x, edge_index, W_l1, b_l1, W_r1, W_l2, b_l2, W_r2):
    num_nodes = x.shape[0]
    h = _sage_conv(x, edge_index, W_l1, b_l1, W_r1, num_nodes)
    h = jax.nn.relu(h)
    # dropout p=0.0 in eval -> identity
    h = _sage_conv(h, edge_index, W_l2, b_l2, W_r2, num_nodes)
    return jax.nn.log_softmax(h, axis=-1)

if __name__ == "__main__":
    import jax
    _d = setup_inputs()
    print(jax.jit(kernel)(*tuple(_d.values())))

</pallas_src>

<mosaic_0001>
#map = affine_map<(d0, d1) -> (0)>
#map1 = affine_map<(d0, d1) -> (0, 0)>
module attributes {stable_mosaic.version = 14 : i64} {
  func.func @_cnts_body(%arg0: i32, %arg1: i32, %arg2: memref<320000xi32, #tpu.memory_space<hbm>>, %arg3: memref<128x128xf32, #tpu.memory_space<hbm>>, %arg4: memref<128x128xf32, #tpu.memory_space<hbm>>, %arg5: memref<20224x128xf32, #tpu.memory_space<hbm>>, %arg6: memref<128xi32, #tpu.memory_space<vmem>>, %arg7: memref<128xi32, #tpu.memory_space<vmem>>, %arg8: memref<128x128xf32, #tpu.memory_space<vmem>>, %arg9: memref<10112x128xf32, #tpu.memory_space<vmem_shared>>, %arg10: memref<!tpu.dma_semaphore, #tpu.memory_space<semaphore_mem>>, %arg11: memref<!tpu.dma_semaphore, #tpu.memory_space<semaphore_mem>>) attributes {dimension_semantics = [#tpu.dimension_semantics<core_parallel>, #tpu.dimension_semantics<subcore_parallel>], iteration_bounds = array<i64: 2, 16>, scalar_prefetch = 0 : i64, scratch_operands = 6 : i64, tpu.core_type = #tpu.core_type<sc_vector_subcore>, window_params = [{transform_indices = #map}, {transform_indices = #map1}, {transform_indices = #map1}, {transform_indices = #map1}]} {
    %mul3A = arith.constant 16 : i32
    %mul3A_0 = arith.muli %arg0, %mul3A : i32
    %add3A = arith.addi %mul3A_0, %arg1 : i32
    %mul3A_1 = arith.constant 632 : i32
    %mul3A_2 = arith.muli %arg1, %mul3A_1 : i32
    "tpu.region"() ({
      %run_scoped3A = tpu.sem_alloc : memref<!tpu.dma_semaphore, #tpu.memory_space<semaphore_mem>>
      tpu.enqueue_dma source(%arg3 : memref<128x128xf32, #tpu.memory_space<hbm>>) target(%arg8 : memref<128x128xf32, #tpu.memory_space<vmem>>) target_semaphore(%run_scoped3A : memref<!tpu.dma_semaphore, #tpu.memory_space<semaphore_mem>>)
      tpu.wait_dma2 semaphore(%run_scoped3A : memref<!tpu.dma_semaphore, #tpu.memory_space<semaphore_mem>>) src(%arg3 : memref<128x128xf32, #tpu.memory_space<hbm>>) dst(%arg8 : memref<128x128xf32, #tpu.memory_space<vmem>>)
      tpu.yield
    }) : () -> ()
    %add3A_3 = arith.constant 0 : i32
    %add3A_4 = arith.addi %mul3A_2, %add3A_3 : i32
    "tpu.region"() ({
      %run_scoped3A = tpu.sem_alloc : memref<!tpu.dma_semaphore, #tpu.memory_space<semaphore_mem>>
      %dma_start3A = arith.constant 0 : i32
      %dma_start3A_43 = arith.constant 0 : i32
      %dma_start3A_44 = tpu.memref_slice %arg8[%dma_start3A, %dma_start3A_43] : memref<128x128xf32, #tpu.memory_space<vmem>> -> memref<128x128xf32, #tpu.memory_space<vmem>>
      %dma_start3A_45 = arith.constant 0 : i32
      %dma_start3A_46 = tpu.memref_slice %arg9[%add3A_4, %dma_start3A_45] : memref<10112x128xf32, #tpu.memory_space<vmem_shared>> -> memref<128x128xf32, #tpu.memory_space<vmem_shared>>
      %dma_start3A_47 = arith.constant 0 : i32
      %dma_start3A_48 = tpu.memref_slice %arg9[%add3A_4, %dma_start3A_47] : memref<10112x128xf32, #tpu.memory_space<vmem_shared>> -> memref<128x128xf32, #tpu.memory_space<vmem_shared>>
      %dma_start3A_49 = arith.constant 0 : i32
      %dma_start3A_50 = arith.constant 0 : i32
      %dma_start3A_51 = tpu.memref_slice %arg8[%dma_start3A_49, %dma_start3A_50] : memref<128x128xf32, #tpu.memory_space<vmem>> -> memref<128x128xf32, #tpu.memory_space<vmem>>
      tpu.enqueue_dma source(%dma_start3A_51 : memref<128x128xf32, #tpu.memory_space<vmem>>) target(%dma_start3A_48 : memref<128x128xf32, #tpu.memory_space<vmem_shared>>) target_semaphore(%run_scoped3A : memref<!tpu.dma_semaphore, #tpu.memory_space<semaphore_mem>>)
      %dma_wait3A = arith.constant 0 : i32
      %dma_wait3A_52 = arith.constant 0 : i32
      %dma_wait3A_53 = tpu.memref_slice %arg8[%dma_wait3A, %dma_wait3A_52] : memref<128x128xf32, #tpu.memory_space<vmem>> -> memref<128x128xf32, #tpu.memory_space<vmem>>
      %dma_wait3A_54 = arith.constant 0 : i32
      %dma_wait3A_55 = tpu.memref_slice %arg9[%add3A_4, %dma_wait3A_54] : memref<10112x128xf32, #tpu.memory_space<vmem_shared>> -> memref<128x128xf32, #tpu.memory_space<vmem_shared>>
      %dma_wait3A_56 = arith.constant 0 : i32
      %dma_wait3A_57 = tpu.memref_slice %arg9[%add3A_4, %dma_wait3A_56] : memref<10112x128xf32, #tpu.memory_space<vmem_shared>> -> memref<128x128xf32, #tpu.memory_space<vmem_shared>>
      %dma_wait3A_58 = arith.constant 0 : i32
      %dma_wait3A_59 = arith.constant 0 : i32
      %dma_wait3A_60 = tpu.memref_slice %arg8[%dma_wait3A_58, %dma_wait3A_59] : memref<128x128xf32, #tpu.memory_space<vmem>> -> memref<128x128xf32, #tpu.memory_space<vmem>>
      tpu.wait_dma2 semaphore(%run_scoped3A : memref<!tpu.dma_semaphore, #tpu.memory_space<semaphore_mem>>) src(%dma_wait3A_60 : memref<128x128xf32, #tpu.memory_space<vmem>>) dst(%dma_wait3A_57 : memref<128x128xf32, #tpu.memory_space<vmem_shared>>)
      tpu.yield
    }) : () -> ()
    %add3A_5 = arith.constant 128 : i32
    %add3A_6 = arith.addi %mul3A_2, %add3A_5 : i32
    "tpu.region"() ({
      %run_scoped3A = tpu.sem_alloc : memref<!tpu.dma_semaphore, #tpu.memory_space<semaphore_mem>>
      %dma_start3A = arith.constant 0 : i32
      %dma_start3A_43 = arith.constant 0 : i32
      %dma_start3A_44 = tpu.memref_slice %arg8[%dma_start3A, %dma_start3A_43] : memref<128x128xf32, #tpu.memory_space<vmem>> -> memref<128x128xf32, #tpu.memory_space<vmem>>
      %dma_start3A_45 = arith.constant 0 : i32
      %dma_start3A_46 = tpu.memref_slice %arg9[%add3A_6, %dma_start3A_45] : memref<10112x128xf32, #tpu.memory_space<vmem_shared>> -> memref<128x128xf32, #tpu.memory_space<vmem_shared>>
      %dma_start3A_47 = arith.constant 0 : i32
      %dma_start3A_48 = tpu.memref_slice %arg9[%add3A_6, %dma_start3A_47] : memref<10112x128xf32, #tpu.memory_space<vmem_shared>> -> memref<128x128xf32, #tpu.memory_space<vmem_shared>>
      %dma_start3A_49 = arith.constant 0 : i32
      %dma_start3A_50 = arith.constant 0 : i32
      %dma_start3A_51 = tpu.memref_slice %arg8[%dma_start3A_49, %dma_start3A_50] : memref<128x128xf32, #tpu.memory_space<vmem>> -> memref<128x128xf32, #tpu.memory_space<vmem>>
      tpu.enqueue_dma source(%dma_start3A_51 : memref<128x128xf32, #tpu.memory_space<vmem>>) target(%dma_start3A_48 : memref<128x128xf32, #tpu.memory_space<vmem_shared>>) target_semaphore(%run_scoped3A : memref<!tpu.dma_semaphore, #tpu.memory_space<semaphore_mem>>)
      %dma_wait3A = arith.constant 0 : i32
      %dma_wait3A_52 = arith.constant 0 : i32
      %dma_wait3A_53 = tpu.memref_slice %arg8[%dma_wait3A, %dma_wait3A_52] : memref<128x128xf32, #tpu.memory_space<vmem>> -> memref<128x128xf32, #tpu.memory_space<vmem>>
      %dma_wait3A_54 = arith.constant 0 : i32
      %dma_wait3A_55 = tpu.memref_slice %arg9[%add3A_6, %dma_wait3A_54] : memref<10112x128xf32, #tpu.memory_space<vmem_shared>> -> memref<128x128xf32, #tpu.memory_space<vmem_shared>>
      %dma_wait3A_56 = arith.constant 0 : i32
      %dma_wait3A_57 = tpu.memref_slice %arg9[%add3A_6, %dma_wait3A_56] : memref<10112x128xf32, #tpu.memory_space<vmem_shared>> -> memref<128x128xf32, #tpu.memory_space<vmem_shared>>
      %dma_wait3A_58 = arith.constant 0 : i32
      %dma_wait3A_59 = arith.constant 0 : i32
      %dma_wait3A_60 = tpu.memref_slice %arg8[%dma_wait3A_58, %dma_wait3A_59] : memref<128x128xf32, #tpu.memory_space<vmem>> -> memref<128x128xf32, #tpu.memory_space<vmem>>
      tpu.wait_dma2 semaphore(%run_scoped3A : memref<!tpu.dma_semaphore, #tpu.memory_space<semaphore_mem>>) src(%dma_wait3A_60 : memref<128x128xf32, #tpu.memory_space<vmem>>) dst(%dma_wait3A_57 : memref<128x128xf32, #tpu.memory_space<vmem_shared>>)
      tpu.yield
    }) : () -> ()
    %add3A_7 = arith.constant 256 : i32
    %add3A_8 = arith.addi %mul3A_2, %add3A_7 : i32
    "tpu.region"() ({
      %run_scoped3A = tpu.sem_alloc : memref<!tpu.dma_semaphore, #tpu.memory_space<semaphore_mem>>
      %dma_start3A = arith.constant 0 : i32
      %dma_start3A_43 = arith.constant 0 : i32
      %dma_start3A_44 = tpu.memref_slice %arg8[%dma_start3A, %dma_start3A_43] : memref<128x128xf32, #tpu.memory_space<vmem>> -> memref<128x128xf32, #tpu.memory_space<vmem>>
      %dma_start3A_45 = arith.constant 0 : i32
      %dma_start3A_46 = tpu.memref_slice %arg9[%add3A_8, %dma_start3A_45] : memref<10112x128xf32, #tpu.memory_space<vmem_shared>> -> memref<128x128xf32, #tpu.memory_space<vmem_shared>>
      %dma_start3A_47 = arith.constant 0 : i32
      %dma_start3A_48 = tpu.memref_slice %arg9[%add3A_8, %dma_start3A_47] : memref<10112x128xf32, #tpu.memory_space<vmem_shared>> -> memref<128x128xf32, #tpu.memory_space<vmem_shared>>
      %dma_start3A_49 = arith.constant 0 : i32
      %dma_start3A_50 = arith.constant 0 : i32
      %dma_start3A_51 = tpu.memref_slice %arg8[%dma_start3A_49, %dma_start3A_50] : memref<128x128xf32, #tpu.memory_space<vmem>> -> memref<128x128xf32, #tpu.memory_space<vmem>>
      tpu.enqueue_dma source(%dma_start3A_51 : memref<128x128xf32, #tpu.memory_space<vmem>>) target(%dma_start3A_48 : memref<128x128xf32, #tpu.memory_space<vmem_shared>>) target_semaphore(%run_scoped3A : memref<!tpu.dma_semaphore, #tpu.memory_space<semaphore_mem>>)
      %dma_wait3A = arith.constant 0 : i32
      %dma_wait3A_52 = arith.constant 0 : i32
      %dma_wait3A_53 = tpu.memref_slice %arg8[%dma_wait3A, %dma_wait3A_52] : memref<128x128xf32, #tpu.memory_space<vmem>> -> memref<128x128xf32, #tpu.memory_space<vmem>>
      %dma_wait3A_54 = arith.constant 0 : i32
      %dma_wait3A_55 = tpu.memref_slice %arg9[%add3A_8, %dma_wait3A_54] : memref<10112x128xf32, #tpu.memory_space<vmem_shared>> -> memref<128x128xf32, #tpu.memory_space<vmem_shared>>
      %dma_wait3A_56 = arith.constant 0 : i32
      %dma_wait3A_57 = tpu.memref_slice %arg9[%add3A_8, %dma_wait3A_56] : memref<10112x128xf32, #tpu.memory_space<vmem_shared>> -> memref<128x128xf32, #tpu.memory_space<vmem_shared>>
      %dma_wait3A_58 = arith.constant 0 : i32
      %dma_wait3A_59 = arith.constant 0 : i32
      %dma_wait3A_60 = tpu.memref_slice %arg8[%dma_wait3A_58, %dma_wait3A_59] : memref<128x128xf32, #tpu.memory_space<vmem>> -> memref<128x128xf32, #tpu.memory_space<vmem>>
      tpu.wait_dma2 semaphore(%run_scoped3A : memref<!tpu.dma_semaphore, #tpu.memory_space<semaphore_mem>>) src(%dma_wait3A_60 : memref<128x128xf32, #tpu.memory_space<vmem>>) dst(%dma_wait3A_57 : memref<128x128xf32, #tpu.memory_space<vmem_shared>>)
      tpu.yield
    }) : () -> ()
    %add3A_9 = arith.constant 384 : i32
    %add3A_10 = arith.addi %mul3A_2, %add3A_9 : i32
    "tpu.region"() ({
      %run_scoped3A = tpu.sem_alloc : memref<!tpu.dma_semaphore, #tpu.memory_space<semaphore_mem>>
      %dma_start3A = arith.constant 0 : i32
      %dma_start3A_43 = arith.constant 0 : i32
      %dma_start3A_44 = tpu.memref_slice %arg8[%dma_start3A, %dma_start3A_43] : memref<128x128xf32, #tpu.memory_space<vmem>> -> memref<128x128xf32, #tpu.memory_space<vmem>>
      %dma_start3A_45 = arith.constant 0 : i32
      %dma_start3A_46 = tpu.memref_slice %arg9[%add3A_10, %dma_start3A_45] : memref<10112x128xf32, #tpu.memory_space<vmem_shared>> -> memref<128x128xf32, #tpu.memory_space<vmem_shared>>
      %dma_start3A_47 = arith.constant 0 : i32
      %dma_start3A_48 = tpu.memref_slice %arg9[%add3A_10, %dma_start3A_47] : memref<10112x128xf32, #tpu.memory_space<vmem_shared>> -> memref<128x128xf32, #tpu.memory_space<vmem_shared>>
      %dma_start3A_49 = arith.constant 0 : i32
      %dma_start3A_50 = arith.constant 0 : i32
      %dma_start3A_51 = tpu.memref_slice %arg8[%dma_start3A_49, %dma_start3A_50] : memref<128x128xf32, #tpu.memory_space<vmem>> -> memref<128x128xf32, #tpu.memory_space<vmem>>
      tpu.enqueue_dma source(%dma_start3A_51 : memref<128x128xf32, #tpu.memory_space<vmem>>) target(%dma_start3A_48 : memref<128x128xf32, #tpu.memory_space<vmem_shared>>) target_semaphore(%run_scoped3A : memref<!tpu.dma_semaphore, #tpu.memory_space<semaphore_mem>>)
      %dma_wait3A = arith.constant 0 : i32
      %dma_wait3A_52 = arith.constant 0 : i32
      %dma_wait3A_53 = tpu.memref_slice %arg8[%dma_wait3A, %dma_wait3A_52] : memref<128x128xf32, #tpu.memory_space<vmem>> -> memref<128x128xf32, #tpu.memory_space<vmem>>
      %dma_wait3A_54 = arith.constant 0 : i32
      %dma_wait3A_55 = tpu.memref_slice %arg9[%add3A_10, %dma_wait3A_54] : memref<10112x128xf32, #tpu.memory_space<vmem_shared>> -> memref<128x128xf32, #tpu.memory_space<vmem_shared>>
      %dma_wait3A_56 = arith.constant 0 : i32
      %dma_wait3A_57 = tpu.memref_slice %arg9[%add3A_10, %dma_wait3A_56] : memref<10112x128xf32, #tpu.memory_space<vmem_shared>> -> memref<128x128xf32, #tpu.memory_space<vmem_shared>>
      %dma_wait3A_58 = arith.constant 0 : i32
      %dma_wait3A_59 = arith.constant 0 : i32
      %dma_wait3A_60 = tpu.memref_slice %arg8[%dma_wait3A_58, %dma_wait3A_59] : memref<128x128xf32, #tpu.memory_space<vmem>> -> memref<128x128xf32, #tpu.memory_space<vmem>>
      tpu.wait_dma2 semaphore(%run_scoped3A : memref<!tpu.dma_semaphore, #tpu.memory_space<semaphore_mem>>) src(%dma_wait3A_60 : memref<128x128xf32, #tpu.memory_space<vmem>>) dst(%dma_wait3A_57 : memref<128x128xf32, #tpu.memory_space<vmem_shared>>)
      tpu.yield
    }) : () -> ()
    %add3A_11 = arith.constant 512 : i32
    %add3A_12 = arith.addi %mul3A_2, %add3A_11 : i32
    "tpu.region"() ({
      %run_scoped3A = tpu.sem_alloc : memref<!tpu.dma_semaphore, #tpu.memory_space<semaphore_mem>>
      %dma_start3A = arith.constant 0 : i32
      %dma_start3A_43 = arith.constant 0 : i32
      %dma_start3A_44 = tpu.memref_slice %arg8[%dma_start3A, %dma_start3A_43] : memref<128x128xf32, #tpu.memory_space<vmem>> -> memref<120x128xf32, #tpu.memory_space<vmem>>
      %dma_start3A_45 = arith.constant 0 : i32
      %dma_start3A_46 = tpu.memref_slice %arg9[%add3A_12, %dma_start3A_45] : memref<10112x128xf32, #tpu.memory_space<vmem_shared>> -> memref<120x128xf32, #tpu.memory_space<vmem_shared>>
      %dma_start3A_47 = arith.constant 0 : i32
      %dma_start3A_48 = tpu.memref_slice %arg9[%add3A_12, %dma_start3A_47] : memref<10112x128xf32, #tpu.memory_space<vmem_shared>> -> memref<120x128xf32, #tpu.memory_space<vmem_shared>>
      %dma_start3A_49 = arith.constant 0 : i32
      %dma_start3A_50 = arith.constant 0 : i32
      %dma_start3A_51 = tpu.memref_slice %arg8[%dma_start3A_49, %dma_start3A_50] : memref<128x128xf32, #tpu.memory_space<vmem>> -> memref<120x128xf32, #tpu.memory_space<vmem>>
      tpu.enqueue_dma source(%dma_start3A_51 : memref<120x128xf32, #tpu.memory_space<vmem>>) target(%dma_start3A_48 : memref<120x128xf32, #tpu.memory_space<vmem_shared>>) target_semaphore(%run_scoped3A : memref<!tpu.dma_semaphore, #tpu.memory_space<semaphore_mem>>)
      %dma_wait3A = arith.constant 0 : i32
      %dma_wait3A_52 = arith.constant 0 : i32
      %dma_wait3A_53 = tpu.memref_slice %arg8[%dma_wait3A, %dma_wait3A_52] : memref<128x128xf32, #tpu.memory_space<vmem>> -> memref<120x128xf32, #tpu.memory_space<vmem>>
      %dma_wait3A_54 = arith.constant 0 : i32
      %dma_wait3A_55 = tpu.memref_slice %arg9[%add3A_12, %dma_wait3A_54] : memref<10112x128xf32, #tpu.memory_space<vmem_shared>> -> memref<120x128xf32, #tpu.memory_space<vmem_shared>>
      %dma_wait3A_56 = arith.constant 0 : i32
      %dma_wait3A_57 = tpu.memref_slice %arg9[%add3A_12, %dma_wait3A_56] : memref<10112x128xf32, #tpu.memory_space<vmem_shared>> -> memref<120x128xf32, #tpu.memory_space<vmem_shared>>
      %dma_wait3A_58 = arith.constant 0 : i32
      %dma_wait3A_59 = arith.constant 0 : i32
      %dma_wait3A_60 = tpu.memref_slice %arg8[%dma_wait3A_58, %dma_wait3A_59] : memref<128x128xf32, #tpu.memory_space<vmem>> -> memref<120x128xf32, #tpu.memory_space<vmem>>
      tpu.wait_dma2 semaphore(%run_scoped3A : memref<!tpu.dma_semaphore, #tpu.memory_space<semaphore_mem>>) src(%dma_wait3A_60 : memref<120x128xf32, #tpu.memory_space<vmem>>) dst(%dma_wait3A_57 : memref<120x128xf32, #tpu.memory_space<vmem_shared>>)
      tpu.yield
    }) : () -> ()
    "tpu.region"() ({
      %run_scoped3A = tpu.sem_alloc : memref<!tpu.dma_semaphore, #tpu.memory_space<semaphore_mem>>
      tpu.enqueue_dma source(%arg4 : memref<128x128xf32, #tpu.memory_space<hbm>>) target(%arg8 : memref<128x128xf32, #tpu.memory_space<vmem>>) target_semaphore(%run_scoped3A : memref<!tpu.dma_semaphore, #tpu.memory_space<semaphore_mem>>)
      tpu.wait_dma2 semaphore(%run_scoped3A : memref<!tpu.dma_semaphore, #tpu.memory_space<semaphore_mem>>) src(%arg4 : memref<128x128xf32, #tpu.memory_space<hbm>>) dst(%arg8 : memref<128x128xf32, #tpu.memory_space<vmem>>)
      tpu.yield
    }) : () -> ()
    %barrier3A = arith.constant 0 : index
    tpu.barrier barrier_id(%barrier3A)
    %scan3A = arith.constant 0 : i32
    %scan3A_13 = arith.constant 39 : i32
    %scan3A_14 = arith.addi %scan3A, %scan3A_13 : i32
    %scan3A_15 = arith.constant 1 : i32
    scf.for %scan3A_43 = %scan3A to %scan3A_14 step %scan3A_15  : i32 {
      %mul3A_44 = arith.constant 1 : i32
      %mul3A_45 = arith.muli %scan3A_43, %mul3A_44 : i32
      %add3A_46 = arith.constant 0 : i32
      %add3A_47 = arith.addi %add3A_46, %mul3A_45 : i32
      %mul3A_48 = arith.constant 2 : i32
      %mul3A_49 = arith.muli %add3A_47, %mul3A_48 : i32
      %mul3A_50 = arith.constant 32 : i32
      %mul3A_51 = arith.muli %mul3A_49, %mul3A_50 : i32
      %add3A_52 = arith.addi %add3A, %mul3A_51 : i32
      %mul3A_53 = arith.constant 128 : i32
      %mul3A_54 = arith.muli %add3A_52, %mul3A_53 : i32
      %dma_start3A = tpu.memref_slice %arg2[%mul3A_54] : memref<320000xi32, #tpu.memory_space<hbm>> -> memref<128xi32, #tpu.memory_space<hbm>>
      %dma_start3A_55 = tpu.memref_slice %arg2[%mul3A_54] : memref<320000xi32, #tpu.memory_space<hbm>> -> memref<128xi32, #tpu.memory_space<hbm>>
      tpu.enqueue_dma source(%dma_start3A_55 : memref<128xi32, #tpu.memory_space<hbm>>) target(%arg6 : memref<128xi32, #tpu.memory_space<vmem>>) target_semaphore(%arg10 : memref<!tpu.dma_semaphore, #tpu.memory_space<semaphore_mem>>)
      %add3A_56 = arith.constant 4096 : i32
      %add3A_57 = arith.addi %mul3A_54, %add3A_56 : i32
      %dma_start3A_58 = tpu.memref_slice %arg2[%add3A_57] : memref<320000xi32, #tpu.memory_space<hbm>> -> memref<128xi32, #tpu.memory_space<hbm>>
      %dma_start3A_59 = tpu.memref_slice %arg2[%add3A_57] : memref<320000xi32, #tpu.memory_space<hbm>> -> memref<128xi32, #tpu.memory_space<hbm>>
      tpu.enqueue_dma source(%dma_start3A_59 : memref<128xi32, #tpu.memory_space<hbm>>) target(%arg7 : memref<128xi32, #tpu.memory_space<vmem>>) target_semaphore(%arg11 : memref<!tpu.dma_semaphore, #tpu.memory_space<semaphore_mem>>)
      %dma_wait3A = tpu.memref_slice %arg2[%mul3A_54] : memref<320000xi32, #tpu.memory_space<hbm>> -> memref<128xi32, #tpu.memory_space<hbm>>
      %dma_wait3A_60 = tpu.memref_slice %arg2[%mul3A_54] : memref<320000xi32, #tpu.memory_space<hbm>> -> memref<128xi32, #tpu.memory_space<hbm>>
      tpu.wait_dma2 semaphore(%arg10 : memref<!tpu.dma_semaphore, #tpu.memory_space<semaphore_mem>>) src(%dma_wait3A_60 : memref<128xi32, #tpu.memory_space<hbm>>) dst(%arg6 : memref<128xi32, #tpu.memory_space<vmem>>)
      "tpu.region"() ({
        %run_scoped3A = tpu.sem_alloc : memref<!tpu.dma_semaphore, #tpu.memory_space<semaphore_mem>>
        %dma_start3A_63 = arith.constant 0 : i32
        %dma_start3A_64 = arith.constant 0 : i32
        %dma_start3A_65 = tpu.memref_slice %arg9[%dma_start3A_63, %dma_start3A_64] : memref<10112x128xf32, #tpu.memory_space<vmem_shared>> -> memref<10112x128xf32, #tpu.memory_space<vmem_shared>>
        tpu.enqueue_indirect_dma source(%arg8 : memref<128x128xf32, #tpu.memory_space<vmem>>) target(%dma_start3A_65 : memref<10112x128xf32, #tpu.memory_space<vmem_shared>>) offsets(%arg6 : memref<128xi32, #tpu.memory_space<vmem>>) semaphore(%run_scoped3A : memref<!tpu.dma_semaphore, #tpu.memory_space<semaphore_mem>>) {add = true}
        %dma_wait3A_66 = arith.constant 0 : i32
        %dma_wait3A_67 = arith.constant 0 : i32
        %dma_wait3A_68 = tpu.memref_slice %arg9[%dma_wait3A_66, %dma_wait3A_67] : memref<10112x128xf32, #tpu.memory_space<vmem_shared>> -> memref<10112x128xf32, #tpu.memory_space<vmem_shared>>
        tpu.wait_indirect_dma semaphore(%run_scoped3A : memref<!tpu.dma_semaphore, #tpu.memory_space<semaphore_mem>>) src(%arg8 : memref<128x128xf32, #tpu.memory_space<vmem>>) dst(%dma_wait3A_68 : memref<10112x128xf32, #tpu.memory_space<vmem_shared>>)
        tpu.yield
      }) : () -> ()
      %dma_wait3A_61 = tpu.memref_slice %arg2[%add3A_57] : memref<320000xi32, #tpu.memory_space<hbm>> -> memref<128xi32, #tpu.memory_space<hbm>>
      %dma_wait3A_62 = tpu.memref_slice %arg2[%add3A_57] : memref<320000xi32, #tpu.memory_space<hbm>> -> memref<128xi32, #tpu.memory_space<hbm>>
      tpu.wait_dma2 semaphore(%arg11 : memref<!tpu.dma_semaphore, #tpu.memory_space<semaphore_mem>>) src(%dma_wait3A_62 : memref<128xi32, #tpu.memory_space<hbm>>) dst(%arg7 : memref<128xi32, #tpu.memory_space<vmem>>)
      "tpu.region"() ({
        %run_scoped3A = tpu.sem_alloc : memref<!tpu.dma_semaphore, #tpu.memory_space<semaphore_mem>>
        %dma_start3A_63 = arith.constant 0 : i32
        %dma_start3A_64 = arith.constant 0 : i32
        %dma_start3A_65 = tpu.memref_slice %arg9[%dma_start3A_63, %dma_start3A_64] : memref<10112x128xf32, #tpu.memory_space<vmem_shared>> -> memref<10112x128xf32, #tpu.memory_space<vmem_shared>>
        tpu.enqueue_indirect_dma source(%arg8 : memref<128x128xf32, #tpu.memory_space<vmem>>) target(%dma_start3A_65 : memref<10112x128xf32, #tpu.memory_space<vmem_shared>>) offsets(%arg7 : memref<128xi32, #tpu.memory_space<vmem>>) semaphore(%run_scoped3A : memref<!tpu.dma_semaphore, #tpu.memory_space<semaphore_mem>>) {add = true}
        %dma_wait3A_66 = arith.constant 0 : i32
        %dma_wait3A_67 = arith.constant 0 : i32
        %dma_wait3A_68 = tpu.memref_slice %arg9[%dma_wait3A_66, %dma_wait3A_67] : memref<10112x128xf32, #tpu.memory_space<vmem_shared>> -> memref<10112x128xf32, #tpu.memory_space<vmem_shared>>
        tpu.wait_indirect_dma semaphore(%run_scoped3A : memref<!tpu.dma_semaphore, #tpu.memory_space<semaphore_mem>>) src(%arg8 : memref<128x128xf32, #tpu.memory_space<vmem>>) dst(%dma_wait3A_68 : memref<10112x128xf32, #tpu.memory_space<vmem_shared>>)
        tpu.yield
      }) : () -> ()
    }
    %scan3A_16 = arith.constant 39 : i32
    %lt3A = arith.constant 4 : i32
    %lt3A_17 = arith.cmpi slt, %add3A, %lt3A : i32
    %convert_element_type3A = arith.extui %lt3A_17 : i1 to i32
    %cond3A = arith.constant 0 : i32
    %cond3A_18 = arith.cmpi ne, %convert_element_type3A, %cond3A : i32
    scf.if %cond3A_18 {
      %add3A_43 = arith.constant 2496 : i32
      %add3A_44 = arith.addi %add3A, %add3A_43 : i32
      %mul3A_45 = arith.constant 128 : i32
      %mul3A_46 = arith.muli %add3A_44, %mul3A_45 : i32
      "tpu.region"() ({
        %run_scoped3A = tpu.sem_alloc : memref<!tpu.dma_semaphore, #tpu.memory_space<semaphore_mem>>
        %dma_start3A = tpu.memref_slice %arg2[%mul3A_46] : memref<320000xi32, #tpu.memory_space<hbm>> -> memref<128xi32, #tpu.memory_space<hbm>>
        %dma_start3A_47 = tpu.memref_slice %arg2[%mul3A_46] : memref<320000xi32, #tpu.memory_space<hbm>> -> memref<128xi32, #tpu.memory_space<hbm>>
        tpu.enqueue_dma source(%dma_start3A_47 : memref<128xi32, #tpu.memory_space<hbm>>) target(%arg6 : memref<128xi32, #tpu.memory_space<vmem>>) target_semaphore(%run_scoped3A : memref<!tpu.dma_semaphore, #tpu.memory_space<semaphore_mem>>)
        %dma_wait3A = tpu.memref_slice %arg2[%mul3A_46] : memref<320000xi32, #tpu.memory_space<hbm>> -> memref<128xi32, #tpu.memory_space<hbm>>
        %dma_wait3A_48 = tpu.memref_slice %arg2[%mul3A_46] : memref<320000xi32, #tpu.memory_space<hbm>> -> memref<128xi32, #tpu.memory_space<hbm>>
        tpu.wait_dma2 semaphore(%run_scoped3A : memref<!tpu.dma_semaphore, #tpu.memory_space<semaphore_mem>>) src(%dma_wait3A_48 : memref<128xi32, #tpu.memory_space<hbm>>) dst(%arg6 : memref<128xi32, #tpu.memory_space<vmem>>)
        tpu.yield
      }) : () -> ()
      "tpu.region"() ({
        %run_scoped3A = tpu.sem_alloc : memref<!tpu.dma_semaphore, #tpu.memory_space<semaphore_mem>>
        %dma_start3A = arith.constant 0 : i32
        %dma_start3A_47 = arith.constant 0 : i32
        %dma_start3A_48 = tpu.memref_slice %arg9[%dma_start3A, %dma_start3A_47] : memref<10112x128xf32, #tpu.memory_space<vmem_shared>> -> memref<10112x128xf32, #tpu.memory_space<vmem_shared>>
        tpu.enqueue_indirect_dma source(%arg8 : memref<128x128xf32, #tpu.memory_space<vmem>>) target(%dma_start3A_48 : memref<10112x128xf32, #tpu.memory_space<vmem_shared>>) offsets(%arg6 : memref<128xi32, #tpu.memory_space<vmem>>) semaphore(%run_scoped3A : memref<!tpu.dma_semaphore, #tpu.memory_space<semaphore_mem>>) {add = true}
        %dma_wait3A = arith.constant 0 : i32
        %dma_wait3A_49 = arith.constant 0 : i32
        %dma_wait3A_50 = tpu.memref_slice %arg9[%dma_wait3A, %dma_wait3A_49] : memref<10112x128xf32, #tpu.memory_space<vmem_shared>> -> memref<10112x128xf32, #tpu.memory_space<vmem_shared>>
        tpu.wait_indirect_dma semaphore(%run_scoped3A : memref<!tpu.dma_semaphore, #tpu.memory_space<semaphore_mem>>) src(%arg8 : memref<128x128xf32, #tpu.memory_space<vmem>>) dst(%dma_wait3A_50 : memref<10112x128xf32, #tpu.memory_space<vmem_shared>>)
        tpu.yield
      }) : () -> ()
    } else {
    }
    %barrier3A_19 = arith.constant 0 : index
    tpu.barrier barrier_id(%barrier3A_19)
    %mul3A_20 = arith.constant 10112 : i32
    %mul3A_21 = arith.muli %arg0, %mul3A_20 : i32
    %add3A_22 = arith.addi %mul3A_21, %mul3A_2 : i32
    %add3A_23 = arith.constant 0 : i32
    %add3A_24 = arith.addi %mul3A_2, %add3A_23 : i32
    "tpu.region"() ({
      %run_scoped3A = tpu.sem_alloc : memref<!tpu.dma_semaphore, #tpu.memory_space<semaphore_mem>>
      %dma_start3A = arith.constant 0 : i32
      %dma_start3A_43 = arith.constant 0 : i32
      %dma_start3A_44 = tpu.memref_slice %arg8[%dma_start3A, %dma_start3A_43] : memref<128x128xf32, #tpu.memory_space<vmem>> -> memref<128x128xf32, #tpu.memory_space<vmem>>
      %dma_start3A_45 = arith.constant 0 : i32
      %dma_start3A_46 = tpu.memref_slice %arg9[%add3A_24, %dma_start3A_45] : memref<10112x128xf32, #tpu.memory_space<vmem_shared>> -> memref<128x128xf32, #tpu.memory_space<vmem_shared>>
      %dma_start3A_47 = arith.constant 0 : i32
      %dma_start3A_48 = arith.constant 0 : i32
      %dma_start3A_49 = tpu.memref_slice %arg8[%dma_start3A_47, %dma_start3A_48] : memref<128x128xf32, #tpu.memory_space<vmem>> -> memref<128x128xf32, #tpu.memory_space<vmem>>
      %dma_start3A_50 = arith.constant 0 : i32
      %dma_start3A_51 = tpu.memref_slice %arg9[%add3A_24, %dma_start3A_50] : memref<10112x128xf32, #tpu.memory_space<vmem_shared>> -> memref<128x128xf32, #tpu.memory_space<vmem_shared>>
      tpu.enqueue_dma source(%dma_start3A_51 : memref<128x128xf32, #tpu.memory_space<vmem_shared>>) target(%dma_start3A_49 : memref<128x128xf32, #tpu.memory_space<vmem>>) target_semaphore(%run_scoped3A : memref<!tpu.dma_semaphore, #tpu.memory_space<semaphore_mem>>)
      %dma_wait3A = arith.constant 0 : i32
      %dma_wait3A_52 = arith.constant 0 : i32
      %dma_wait3A_53 = tpu.memref_slice %arg8[%dma_wait3A, %dma_wait3A_52] : memref<128x128xf32, #tpu.memory_space<vmem>> -> memref<128x128xf32, #tpu.memory_space<vmem>>
      %dma_wait3A_54 = arith.constant 0 : i32
      %dma_wait3A_55 = tpu.memref_slice %arg9[%add3A_24, %dma_wait3A_54] : memref<10112x128xf32, #tpu.memory_space<vmem_shared>> -> memref<128x128xf32, #tpu.memory_space<vmem_shared>>
      %dma_wait3A_56 = arith.constant 0 : i32
      %dma_wait3A_57 = arith.constant 0 : i32
      %dma_wait3A_58 = tpu.memref_slice %arg8[%dma_wait3A_56, %dma_wait3A_57] : memref<128x128xf32, #tpu.memory_space<vmem>> -> memref<128x128xf32, #tpu.memory_space<vmem>>
      %dma_wait3A_59 = arith.constant 0 : i32
      %dma_wait3A_60 = tpu.memref_slice %arg9[%add3A_24, %dma_wait3A_59] : memref<10112x128xf32, #tpu.memory_space<vmem_shared>> -> memref<128x128xf32, #tpu.memory_space<vmem_shared>>
      tpu.wait_dma2 semaphore(%run_scoped3A : memref<!tpu.dma_semaphore, #tpu.memory_space<semaphore_mem>>) src(%dma_wait3A_60 : memref<128x128xf32, #tpu.memory_space<vmem_shared>>) dst(%dma_wait3A_58 : memref<128x128xf32, #tpu.memory_space<vmem>>)
      tpu.yield
    }) : () -> ()
    %add3A_25 = arith.constant 0 : i32
    %add3A_26 = arith.addi %add3A_22, %add3A_25 : i32
    "tpu.region"() ({
      %run_scoped3A = tpu.sem_alloc : memref<!tpu.dma_semaphore, #tpu.memory_space<semaphore_mem>>
      %dma_start3A = arith.constant 0 : i32
      %dma_start3A_43 = arith.constant 0 : i32
      %dma_start3A_44 = tpu.memref_slice %arg8[%dma_start3A, %dma_start3A_43] : memref<128x128xf32, #tpu.memory_space<vmem>> -> memref<128x128xf32, #tpu.memory_space<vmem>>
      %dma_start3A_45 = arith.constant 0 : i32
      %dma_start3A_46 = tpu.memref_slice %arg5[%add3A_26, %dma_start3A_45] : memref<20224x128xf32, #tpu.memory_space<hbm>> -> memref<128x128xf32, #tpu.memory_space<hbm>>
      %dma_start3A_47 = arith.constant 0 : i32
      %dma_start3A_48 = tpu.memref_slice %arg5[%add3A_26, %dma_start3A_47] : memref<20224x128xf32, #tpu.memory_space<hbm>> -> memref<128x128xf32, #tpu.memory_space<hbm>>
      %dma_start3A_49 = arith.constant 0 : i32
      %dma_start3A_50 = arith.constant 0 : i32
      %dma_start3A_51 = tpu.memref_slice %arg8[%dma_start3A_49, %dma_start3A_50] : memref<128x128xf32, #tpu.memory_space<vmem>> -> memref<128x128xf32, #tpu.memory_space<vmem>>
      tpu.enqueue_dma source(%dma_start3A_51 : memref<128x128xf32, #tpu.memory_space<vmem>>) target(%dma_start3A_48 : memref<128x128xf32, #tpu.memory_space<hbm>>) target_semaphore(%run_scoped3A : memref<!tpu.dma_semaphore, #tpu.memory_space<semaphore_mem>>)
      %dma_wait3A = arith.constant 0 : i32
      %dma_wait3A_52 = arith.constant 0 : i32
      %dma_wait3A_53 = tpu.memref_slice %arg8[%dma_wait3A, %dma_wait3A_52] : memref<128x128xf32, #tpu.memory_space<vmem>> -> memref<128x128xf32, #tpu.memory_space<vmem>>
      %dma_wait3A_54 = arith.constant 0 : i32
      %dma_wait3A_55 = tpu.memref_slice %arg5[%add3A_26, %dma_wait3A_54] : memref<20224x128xf32, #tpu.memory_space<hbm>> -> memref<128x128xf32, #tpu.memory_space<hbm>>
      %dma_wait3A_56 = arith.constant 0 : i32
      %dma_wait3A_57 = tpu.memref_slice %arg5[%add3A_26, %dma_wait3A_56] : memref<20224x128xf32, #tpu.memory_space<hbm>> -> memref<128x128xf32, #tpu.memory_space<hbm>>
      %dma_wait3A_58 = arith.constant 0 : i32
      %dma_wait3A_59 = arith.constant 0 : i32
      %dma_wait3A_60 = tpu.memref_slice %arg8[%dma_wait3A_58, %dma_wait3A_59] : memref<128x128xf32, #tpu.memory_space<vmem>> -> memref<128x128xf32, #tpu.memory_space<vmem>>
      tpu.wait_dma2 semaphore(%run_scoped3A : memref<!tpu.dma_semaphore, #tpu.memory_space<semaphore_mem>>) src(%dma_wait3A_60 : memref<128x128xf32, #tpu.memory_space<vmem>>) dst(%dma_wait3A_57 : memref<128x128xf32, #tpu.memory_space<hbm>>)
      tpu.yield
    }) : () -> ()
    %add3A_27 = arith.constant 128 : i32
    %add3A_28 = arith.addi %mul3A_2, %add3A_27 : i32
    "tpu.region"() ({
      %run_scoped3A = tpu.sem_alloc : memref<!tpu.dma_semaphore, #tpu.memory_space<semaphore_mem>>
      %dma_start3A = arith.constant 0 : i32
      %dma_start3A_43 = arith.constant 0 : i32
      %dma_start3A_44 = tpu.memref_slice %arg8[%dma_start3A, %dma_start3A_43] : memref<128x128xf32, #tpu.memory_space<vmem>> -> memref<128x128xf32, #tpu.memory_space<vmem>>
      %dma_start3A_45 = arith.constant 0 : i32
      %dma_start3A_46 = tpu.memref_slice %arg9[%add3A_28, %dma_start3A_45] : memref<10112x128xf32, #tpu.memory_space<vmem_shared>> -> memref<128x128xf32, #tpu.memory_space<vmem_shared>>
      %dma_start3A_47 = arith.constant 0 : i32
      %dma_start3A_48 = arith.constant 0 : i32
      %dma_start3A_49 = tpu.memref_slice %arg8[%dma_start3A_47, %dma_start3A_48] : memref<128x128xf32, #tpu.memory_space<vmem>> -> memref<128x128xf32, #tpu.memory_space<vmem>>
      %dma_start3A_50 = arith.constant 0 : i32
      %dma_start3A_51 = tpu.memref_slice %arg9[%add3A_28, %dma_start3A_50] : memref<10112x128xf32, #tpu.memory_space<vmem_shared>> -> memref<128x128xf32, #tpu.memory_space<vmem_shared>>
      tpu.enqueue_dma source(%dma_start3A_51 : memref<128x128xf32, #tpu.memory_space<vmem_shared>>) target(%dma_start3A_49 : memref<128x128xf32, #tpu.memory_space<vmem>>) target_semaphore(%run_scoped3A : memref<!tpu.dma_semaphore, #tpu.memory_space<semaphore_mem>>)
      %dma_wait3A = arith.constant 0 : i32
      %dma_wait3A_52 = arith.constant 0 : i32
      %dma_wait3A_53 = tpu.memref_slice %arg8[%dma_wait3A, %dma_wait3A_52] : memref<128x128xf32, #tpu.memory_space<vmem>> -> memref<128x128xf32, #tpu.memory_space<vmem>>
      %dma_wait3A_54 = arith.constant 0 : i32
      %dma_wait3A_55 = tpu.memref_slice %arg9[%add3A_28, %dma_wait3A_54] : memref<10112x128xf32, #tpu.memory_space<vmem_shared>> -> memref<128x128xf32, #tpu.memory_space<vmem_shared>>
      %dma_wait3A_56 = arith.constant 0 : i32
      %dma_wait3A_57 = arith.constant 0 : i32
      %dma_wait3A_58 = tpu.memref_slice %arg8[%dma_wait3A_56, %dma_wait3A_57] : memref<128x128xf32, #tpu.memory_space<vmem>> -> memref<128x128xf32, #tpu.memory_space<vmem>>
      %dma_wait3A_59 = arith.constant 0 : i32
      %dma_wait3A_60 = tpu.memref_slice %arg9[%add3A_28, %dma_wait3A_59] : memref<10112x128xf32, #tpu.memory_space<vmem_shared>> -> memref<128x128xf32, #tpu.memory_space<vmem_shared>>
      tpu.wait_dma2 semaphore(%run_scoped3A : memref<!tpu.dma_semaphore, #tpu.memory_space<semaphore_mem>>) src(%dma_wait3A_60 : memref<128x128xf32, #tpu.memory_space<vmem_shared>>) dst(%dma_wait3A_58 : memref<128x128xf32, #tpu.memory_space<vmem>>)
      tpu.yield
    }) : () -> ()
    %add3A_29 = arith.constant 128 : i32
    %add3A_30 = arith.addi %add3A_22, %add3A_29 : i32
    "tpu.region"() ({
      %run_scoped3A = tpu.sem_alloc : memref<!tpu.dma_semaphore, #tpu.memory_space<semaphore_mem>>
      %dma_start3A = arith.constant 0 : i32
      %dma_start3A_43 = arith.constant 0 : i32
      %dma_start3A_44 = tpu.memref_slice %arg8[%dma_start3A, %dma_start3A_43] : memref<128x128xf32, #tpu.memory_space<vmem>> -> memref<128x128xf32, #tpu.memory_space<vmem>>
      %dma_start3A_45 = arith.constant 0 : i32
      %dma_start3A_46 = tpu.memref_slice %arg5[%add3A_30, %dma_start3A_45] : memref<20224x128xf32, #tpu.memory_space<hbm>> -> memref<128x128xf32, #tpu.memory_space<hbm>>
      %dma_start3A_47 = arith.constant 0 : i32
      %dma_start3A_48 = tpu.memref_slice %arg5[%add3A_30, %dma_start3A_47] : memref<20224x128xf32, #tpu.memory_space<hbm>> -> memref<128x128xf32, #tpu.memory_space<hbm>>
      %dma_start3A_49 = arith.constant 0 : i32
      %dma_start3A_50 = arith.constant 0 : i32
      %dma_start3A_51 = tpu.memref_slice %arg8[%dma_start3A_49, %dma_start3A_50] : memref<128x128xf32, #tpu.memory_space<vmem>> -> memref<128x128xf32, #tpu.memory_space<vmem>>
      tpu.enqueue_dma source(%dma_start3A_51 : memref<128x128xf32, #tpu.memory_space<vmem>>) target(%dma_start3A_48 : memref<128x128xf32, #tpu.memory_space<hbm>>) target_semaphore(%run_scoped3A : memref<!tpu.dma_semaphore, #tpu.memory_space<semaphore_mem>>)
      %dma_wait3A = arith.constant 0 : i32
      %dma_wait3A_52 = arith.constant 0 : i32
      %dma_wait3A_53 = tpu.memref_slice %arg8[%dma_wait3A, %dma_wait3A_52] : memref<128x128xf32, #tpu.memory_space<vmem>> -> memref<128x128xf32, #tpu.memory_space<vmem>>
      %dma_wait3A_54 = arith.constant 0 : i32
      %dma_wait3A_55 = tpu.memref_slice %arg5[%add3A_30, %dma_wait3A_54] : memref<20224x128xf32, #tpu.memory_space<hbm>> -> memref<128x128xf32, #tpu.memory_space<hbm>>
      %dma_wait3A_56 = arith.constant 0 : i32
      %dma_wait3A_57 = tpu.memref_slice %arg5[%add3A_30, %dma_wait3A_56] : memref<20224x128xf32, #tpu.memory_space<hbm>> -> memref<128x128xf32, #tpu.memory_space<hbm>>
      %dma_wait3A_58 = arith.constant 0 : i32
      %dma_wait3A_59 = arith.constant 0 : i32
      %dma_wait3A_60 = tpu.memref_slice %arg8[%dma_wait3A_58, %dma_wait3A_59] : memref<128x128xf32, #tpu.memory_space<vmem>> -> memref<128x128xf32, #tpu.memory_space<vmem>>
      tpu.wait_dma2 semaphore(%run_scoped3A : memref<!tpu.dma_semaphore, #tpu.memory_space<semaphore_mem>>) src(%dma_wait3A_60 : memref<128x128xf32, #tpu.memory_space<vmem>>) dst(%dma_wait3A_57 : memref<128x128xf32, #tpu.memory_space<hbm>>)
      tpu.yield
    }) : () -> ()
    %add3A_31 = arith.constant 256 : i32
    %add3A_32 = arith.addi %mul3A_2, %add3A_31 : i32
    "tpu.region"() ({
      %run_scoped3A = tpu.sem_alloc : memref<!tpu.dma_semaphore, #tpu.memory_space<semaphore_mem>>
      %dma_start3A = arith.constant 0 : i32
      %dma_start3A_43 = arith.constant 0 : i32
      %dma_start3A_44 = tpu.memref_slice %arg8[%dma_start3A, %dma_start3A_43] : memref<128x128xf32, #tpu.memory_space<vmem>> -> memref<128x128xf32, #tpu.memory_space<vmem>>
      %dma_start3A_45 = arith.constant 0 : i32
      %dma_start3A_46 = tpu.memref_slice %arg9[%add3A_32, %dma_start3A_45] : memref<10112x128xf32, #tpu.memory_space<vmem_shared>> -> memref<128x128xf32, #tpu.memory_space<vmem_shared>>
      %dma_start3A_47 = arith.constant 0 : i32
      %dma_start3A_48 = arith.constant 0 : i32
      %dma_start3A_49 = tpu.memref_slice %arg8[%dma_start3A_47, %dma_start3A_48] : memref<128x128xf32, #tpu.memory_space<vmem>> -> memref<128x128xf32, #tpu.memory_space<vmem>>
      %dma_start3A_50 = arith.constant 0 : i32
      %dma_start3A_51 = tpu.memref_slice %arg9[%add3A_32, %dma_start3A_50] : memref<10112x128xf32, #tpu.memory_space<vmem_shared>> -> memref<128x128xf32, #tpu.memory_space<vmem_shared>>
      tpu.enqueue_dma source(%dma_start3A_51 : memref<128x128xf32, #tpu.memory_space<vmem_shared>>) target(%dma_start3A_49 : memref<128x128xf32, #tpu.memory_space<vmem>>) target_semaphore(%run_scoped3A : memref<!tpu.dma_semaphore, #tpu.memory_space<semaphore_mem>>)
      %dma_wait3A = arith.constant 0 : i32
      %dma_wait3A_52 = arith.constant 0 : i32
      %dma_wait3A_53 = tpu.memref_slice %arg8[%dma_wait3A, %dma_wait3A_52] : memref<128x128xf32, #tpu.memory_space<vmem>> -> memref<128x128xf32, #tpu.memory_space<vmem>>
      %dma_wait3A_54 = arith.constant 0 : i32
      %dma_wait3A_55 = tpu.memref_slice %arg9[%add3A_32, %dma_wait3A_54] : memref<10112x128xf32, #tpu.memory_space<vmem_shared>> -> memref<128x128xf32, #tpu.memory_space<vmem_shared>>
      %dma_wait3A_56 = arith.constant 0 : i32
      %dma_wait3A_57 = arith.constant 0 : i32
      %dma_wait3A_58 = tpu.memref_slice %arg8[%dma_wait3A_56, %dma_wait3A_57] : memref<128x128xf32, #tpu.memory_space<vmem>> -> memref<128x128xf32, #tpu.memory_space<vmem>>
      %dma_wait3A_59 = arith.constant 0 : i32
      %dma_wait3A_60 = tpu.memref_slice %arg9[%add3A_32, %dma_wait3A_59] : memref<10112x128xf32, #tpu.memory_space<vmem_shared>> -> memref<128x128xf32, #tpu.memory_space<vmem_shared>>
      tpu.wait_dma2 semaphore(%run_scoped3A : memref<!tpu.dma_semaphore, #tpu.memory_space<semaphore_mem>>) src(%dma_wait3A_60 : memref<128x128xf32, #tpu.memory_space<vmem_shared>>) dst(%dma_wait3A_58 : memref<128x128xf32, #tpu.memory_space<vmem>>)
      tpu.yield
    }) : () -> ()
    %add3A_33 = arith.constant 256 : i32
    %add3A_34 = arith.addi %add3A_22, %add3A_33 : i32
    "tpu.region"() ({
      %run_scoped3A = tpu.sem_alloc : memref<!tpu.dma_semaphore, #tpu.memory_space<semaphore_mem>>
      %dma_start3A = arith.constant 0 : i32
      %dma_start3A_43 = arith.constant 0 : i32
      %dma_start3A_44 = tpu.memref_slice %arg8[%dma_start3A, %dma_start3A_43] : memref<128x128xf32, #tpu.memory_space<vmem>> -> memref<128x128xf32, #tpu.memory_space<vmem>>
      %dma_start3A_45 = arith.constant 0 : i32
      %dma_start3A_46 = tpu.memref_slice %arg5[%add3A_34, %dma_start3A_45] : memref<20224x128xf32, #tpu.memory_space<hbm>> -> memref<128x128xf32, #tpu.memory_space<hbm>>
      %dma_start3A_47 = arith.constant 0 : i32
      %dma_start3A_48 = tpu.memref_slice %arg5[%add3A_34, %dma_start3A_47] : memref<20224x128xf32, #tpu.memory_space<hbm>> -> memref<128x128xf32, #tpu.memory_space<hbm>>
      %dma_start3A_49 = arith.constant 0 : i32
      %dma_start3A_50 = arith.constant 0 : i32
      %dma_start3A_51 = tpu.memref_slice %arg8[%dma_start3A_49, %dma_start3A_50] : memref<128x128xf32, #tpu.memory_space<vmem>> -> memref<128x128xf32, #tpu.memory_space<vmem>>
      tpu.enqueue_dma source(%dma_start3A_51 : memref<128x128xf32, #tpu.memory_space<vmem>>) target(%dma_start3A_48 : memref<128x128xf32, #tpu.memory_space<hbm>>) target_semaphore(%run_scoped3A : memref<!tpu.dma_semaphore, #tpu.memory_space<semaphore_mem>>)
      %dma_wait3A = arith.constant 0 : i32
      %dma_wait3A_52 = arith.constant 0 : i32
      %dma_wait3A_53 = tpu.memref_slice %arg8[%dma_wait3A, %dma_wait3A_52] : memref<128x128xf32, #tpu.memory_space<vmem>> -> memref<128x128xf32, #tpu.memory_space<vmem>>
      %dma_wait3A_54 = arith.constant 0 : i32
      %dma_wait3A_55 = tpu.memref_slice %arg5[%add3A_34, %dma_wait3A_54] : memref<20224x128xf32, #tpu.memory_space<hbm>> -> memref<128x128xf32, #tpu.memory_space<hbm>>
      %dma_wait3A_56 = arith.constant 0 : i32
      %dma_wait3A_57 = tpu.memref_slice %arg5[%add3A_34, %dma_wait3A_56] : memref<20224x128xf32, #tpu.memory_space<hbm>> -> memref<128x128xf32, #tpu.memory_space<hbm>>
      %dma_wait3A_58 = arith.constant 0 : i32
      %dma_wait3A_59 = arith.constant 0 : i32
      %dma_wait3A_60 = tpu.memref_slice %arg8[%dma_wait3A_58, %dma_wait3A_59] : memref<128x128xf32, #tpu.memory_space<vmem>> -> memref<128x128xf32, #tpu.memory_space<vmem>>
      tpu.wait_dma2 semaphore(%run_scoped3A : memref<!tpu.dma_semaphore, #tpu.memory_space<semaphore_mem>>) src(%dma_wait3A_60 : memref<128x128xf32, #tpu.memory_space<vmem>>) dst(%dma_wait3A_57 : memref<128x128xf32, #tpu.memory_space<hbm>>)
      tpu.yield
    }) : () -> ()
    %add3A_35 = arith.constant 384 : i32
    %add3A_36 = arith.addi %mul3A_2, %add3A_35 : i32
    "tpu.region"() ({
      %run_scoped3A = tpu.sem_alloc : memref<!tpu.dma_semaphore, #tpu.memory_space<semaphore_mem>>
      %dma_start3A = arith.constant 0 : i32
      %dma_start3A_43 = arith.constant 0 : i32
      %dma_start3A_44 = tpu.memref_slice %arg8[%dma_start3A, %dma_start3A_43] : memref<128x128xf32, #tpu.memory_space<vmem>> -> memref<128x128xf32, #tpu.memory_space<vmem>>
      %dma_start3A_45 = arith.constant 0 : i32
      %dma_start3A_46 = tpu.memref_slice %arg9[%add3A_36, %dma_start3A_45] : memref<10112x128xf32, #tpu.memory_space<vmem_shared>> -> memref<128x128xf32, #tpu.memory_space<vmem_shared>>
      %dma_start3A_47 = arith.constant 0 : i32
      %dma_start3A_48 = arith.constant 0 : i32
      %dma_start3A_49 = tpu.memref_slice %arg8[%dma_start3A_47, %dma_start3A_48] : memref<128x128xf32, #tpu.memory_space<vmem>> -> memref<128x128xf32, #tpu.memory_space<vmem>>
      %dma_start3A_50 = arith.constant 0 : i32
      %dma_start3A_51 = tpu.memref_slice %arg9[%add3A_36, %dma_start3A_50] : memref<10112x128xf32, #tpu.memory_space<vmem_shared>> -> memref<128x128xf32, #tpu.memory_space<vmem_shared>>
      tpu.enqueue_dma source(%dma_start3A_51 : memref<128x128xf32, #tpu.memory_space<vmem_shared>>) target(%dma_start3A_49 : memref<128x128xf32, #tpu.memory_space<vmem>>) target_semaphore(%run_scoped3A : memref<!tpu.dma_semaphore, #tpu.memory_space<semaphore_mem>>)
      %dma_wait3A = arith.constant 0 : i32
      %dma_wait3A_52 = arith.constant 0 : i32
      %dma_wait3A_53 = tpu.memref_slice %arg8[%dma_wait3A, %dma_wait3A_52] : memref<128x128xf32, #tpu.memory_space<vmem>> -> memref<128x128xf32, #tpu.memory_space<vmem>>
      %dma_wait3A_54 = arith.constant 0 : i32
      %dma_wait3A_55 = tpu.memref_slice %arg9[%add3A_36, %dma_wait3A_54] : memref<10112x128xf32, #tpu.memory_space<vmem_shared>> -> memref<128x128xf32, #tpu.memory_space<vmem_shared>>
      %dma_wait3A_56 = arith.constant 0 : i32
      %dma_wait3A_57 = arith.constant 0 : i32
      %dma_wait3A_58 = tpu.memref_slice %arg8[%dma_wait3A_56, %dma_wait3A_57] : memref<128x128xf32, #tpu.memory_space<vmem>> -> memref<128x128xf32, #tpu.memory_space<vmem>>
      %dma_wait3A_59 = arith.constant 0 : i32
      %dma_wait3A_60 = tpu.memref_slice %arg9[%add3A_36, %dma_wait3A_59] : memref<10112x128xf32, #tpu.memory_space<vmem_shared>> -> memref<128x128xf32, #tpu.memory_space<vmem_shared>>
      tpu.wait_dma2 semaphore(%run_scoped3A : memref<!tpu.dma_semaphore, #tpu.memory_space<semaphore_mem>>) src(%dma_wait3A_60 : memref<128x128xf32, #tpu.memory_space<vmem_shared>>) dst(%dma_wait3A_58 : memref<128x128xf32, #tpu.memory_space<vmem>>)
      tpu.yield
    }) : () -> ()
    %add3A_37 = arith.constant 384 : i32
    %add3A_38 = arith.addi %add3A_22, %add3A_37 : i32
    "tpu.region"() ({
      %run_scoped3A = tpu.sem_alloc : memref<!tpu.dma_semaphore, #tpu.memory_space<semaphore_mem>>
      %dma_start3A = arith.constant 0 : i32
      %dma_start3A_43 = arith.constant 0 : i32
      %dma_start3A_44 = tpu.memref_slice %arg8[%dma_start3A, %dma_start3A_43] : memref<128x128xf32, #tpu.memory_space<vmem>> -> memref<128x128xf32, #tpu.memory_space<vmem>>
      %dma_start3A_45 = arith.constant 0 : i32
      %dma_start3A_46 = tpu.memref_slice %arg5[%add3A_38, %dma_start3A_45] : memref<20224x128xf32, #tpu.memory_space<hbm>> -> memref<128x128xf32, #tpu.memory_space<hbm>>
      %dma_start3A_47 = arith.constant 0 : i32
      %dma_start3A_48 = tpu.memref_slice %arg5[%add3A_38, %dma_start3A_47] : memref<20224x128xf32, #tpu.memory_space<hbm>> -> memref<128x128xf32, #tpu.memory_space<hbm>>
      %dma_start3A_49 = arith.constant 0 : i32
      %dma_start3A_50 = arith.constant 0 : i32
      %dma_start3A_51 = tpu.memref_slice %arg8[%dma_start3A_49, %dma_start3A_50] : memref<128x128xf32, #tpu.memory_space<vmem>> -> memref<128x128xf32, #tpu.memory_space<vmem>>
      tpu.enqueue_dma source(%dma_start3A_51 : memref<128x128xf32, #tpu.memory_space<vmem>>) target(%dma_start3A_48 : memref<128x128xf32, #tpu.memory_space<hbm>>) target_semaphore(%run_scoped3A : memref<!tpu.dma_semaphore, #tpu.memory_space<semaphore_mem>>)
      %dma_wait3A = arith.constant 0 : i32
      %dma_wait3A_52 = arith.constant 0 : i32
      %dma_wait3A_53 = tpu.memref_slice %arg8[%dma_wait3A, %dma_wait3A_52] : memref<128x128xf32, #tpu.memory_space<vmem>> -> memref<128x128xf32, #tpu.memory_space<vmem>>
      %dma_wait3A_54 = arith.constant 0 : i32
      %dma_wait3A_55 = tpu.memref_slice %arg5[%add3A_38, %dma_wait3A_54] : memref<20224x128xf32, #tpu.memory_space<hbm>> -> memref<128x128xf32, #tpu.memory_space<hbm>>
      %dma_wait3A_56 = arith.constant 0 : i32
      %dma_wait3A_57 = tpu.memref_slice %arg5[%add3A_38, %dma_wait3A_56] : memref<20224x128xf32, #tpu.memory_space<hbm>> -> memref<128x128xf32, #tpu.memory_space<hbm>>
      %dma_wait3A_58 = arith.constant 0 : i32
      %dma_wait3A_59 = arith.constant 0 : i32
      %dma_wait3A_60 = tpu.memref_slice %arg8[%dma_wait3A_58, %dma_wait3A_59] : memref<128x128xf32, #tpu.memory_space<vmem>> -> memref<128x128xf32, #tpu.memory_space<vmem>>
      tpu.wait_dma2 semaphore(%run_scoped3A : memref<!tpu.dma_semaphore, #tpu.memory_space<semaphore_mem>>) src(%dma_wait3A_60 : memref<128x128xf32, #tpu.memory_space<vmem>>) dst(%dma_wait3A_57 : memref<128x128xf32, #tpu.memory_space<hbm>>)
      tpu.yield
    }) : () -> ()
    %add3A_39 = arith.constant 512 : i32
    %add3A_40 = arith.addi %mul3A_2, %add3A_39 : i32
    "tpu.region"() ({
      %run_scoped3A = tpu.sem_alloc : memref<!tpu.dma_semaphore, #tpu.memory_space<semaphore_mem>>
      %dma_start3A = arith.constant 0 : i32
      %dma_start3A_43 = arith.constant 0 : i32
      %dma_start3A_44 = tpu.memref_slice %arg8[%dma_start3A, %dma_start3A_43] : memref<128x128xf32, #tpu.memory_space<vmem>> -> memref<120x128xf32, #tpu.memory_space<vmem>>
      %dma_start3A_45 = arith.constant 0 : i32
      %dma_start3A_46 = tpu.memref_slice %arg9[%add3A_40, %dma_start3A_45] : memref<10112x128xf32, #tpu.memory_space<vmem_shared>> -> memref<120x128xf32, #tpu.memory_space<vmem_shared>>
      %dma_start3A_47 = arith.constant 0 : i32
      %dma_start3A_48 = arith.constant 0 : i32
      %dma_start3A_49 = tpu.memref_slice %arg8[%dma_start3A_47, %dma_start3A_48] : memref<128x128xf32, #tpu.memory_space<vmem>> -> memref<120x128xf32, #tpu.memory_space<vmem>>
      %dma_start3A_50 = arith.constant 0 : i32
      %dma_start3A_51 = tpu.memref_slice %arg9[%add3A_40, %dma_start3A_50] : memref<10112x128xf32, #tpu.memory_space<vmem_shared>> -> memref<120x128xf32, #tpu.memory_space<vmem_shared>>
      tpu.enqueue_dma source(%dma_start3A_51 : memref<120x128xf32, #tpu.memory_space<vmem_shared>>) target(%dma_start3A_49 : memref<120x128xf32, #tpu.memory_space<vmem>>) target_semaphore(%run_scoped3A : memref<!tpu.dma_semaphore, #tpu.memory_space<semaphore_mem>>)
      %dma_wait3A = arith.constant 0 : i32
      %dma_wait3A_52 = arith.constant 0 : i32
      %dma_wait3A_53 = tpu.memref_slice %arg8[%dma_wait3A, %dma_wait3A_52] : memref<128x128xf32, #tpu.memory_space<vmem>> -> memref<120x128xf32, #tpu.memory_space<vmem>>
      %dma_wait3A_54 = arith.constant 0 : i32
      %dma_wait3A_55 = tpu.memref_slice %arg9[%add3A_40, %dma_wait3A_54] : memref<10112x128xf32, #tpu.memory_space<vmem_shared>> -> memref<120x128xf32, #tpu.memory_space<vmem_shared>>
      %dma_wait3A_56 = arith.constant 0 : i32
      %dma_wait3A_57 = arith.constant 0 : i32
      %dma_wait3A_58 = tpu.memref_slice %arg8[%dma_wait3A_56, %dma_wait3A_57] : memref<128x128xf32, #tpu.memory_space<vmem>> -> memref<120x128xf32, #tpu.memory_space<vmem>>
      %dma_wait3A_59 = arith.constant 0 : i32
      %dma_wait3A_60 = tpu.memref_slice %arg9[%add3A_40, %dma_wait3A_59] : memref<10112x128xf32, #tpu.memory_space<vmem_shared>> -> memref<120x128xf32, #tpu.memory_space<vmem_shared>>
      tpu.wait_dma2 semaphore(%run_scoped3A : memref<!tpu.dma_semaphore, #tpu.memory_space<semaphore_mem>>) src(%dma_wait3A_60 : memref<120x128xf32, #tpu.memory_space<vmem_shared>>) dst(%dma_wait3A_58 : memref<120x128xf32, #tpu.memory_space<vmem>>)
      tpu.yield
    }) : () -> ()
    %add3A_41 = arith.constant 512 : i32
    %add3A_42 = arith.addi %add3A_22, %add3A_41 : i32
    "tpu.region"() ({
      %run_scoped3A = tpu.sem_alloc : memref<!tpu.dma_semaphore, #tpu.memory_space<semaphore_mem>>
      %dma_start3A = arith.constant 0 : i32
      %dma_start3A_43 = arith.constant 0 : i32
      %dma_start3A_44 = tpu.memref_slice %arg8[%dma_start3A, %dma_start3A_43] : memref<128x128xf32, #tpu.memory_space<vmem>> -> memref<120x128xf32, #tpu.memory_space<vmem>>
      %dma_start3A_45 = arith.constant 0 : i32
      %dma_start3A_46 = tpu.memref_slice %arg5[%add3A_42, %dma_start3A_45] : memref<20224x128xf32, #tpu.memory_space<hbm>> -> memref<120x128xf32, #tpu.memory_space<hbm>>
      %dma_start3A_47 = arith.constant 0 : i32
      %dma_start3A_48 = tpu.memref_slice %arg5[%add3A_42, %dma_start3A_47] : memref<20224x128xf32, #tpu.memory_space<hbm>> -> memref<120x128xf32, #tpu.memory_space<hbm>>
      %dma_start3A_49 = arith.constant 0 : i32
      %dma_start3A_50 = arith.constant 0 : i32
      %dma_start3A_51 = tpu.memref_slice %arg8[%dma_start3A_49, %dma_start3A_50] : memref<128x128xf32, #tpu.memory_space<vmem>> -> memref<120x128xf32, #tpu.memory_space<vmem>>
      tpu.enqueue_dma source(%dma_start3A_51 : memref<120x128xf32, #tpu.memory_space<vmem>>) target(%dma_start3A_48 : memref<120x128xf32, #tpu.memory_space<hbm>>) target_semaphore(%run_scoped3A : memref<!tpu.dma_semaphore, #tpu.memory_space<semaphore_mem>>)
      %dma_wait3A = arith.constant 0 : i32
      %dma_wait3A_52 = arith.constant 0 : i32
      %dma_wait3A_53 = tpu.memref_slice %arg8[%dma_wait3A, %dma_wait3A_52] : memref<128x128xf32, #tpu.memory_space<vmem>> -> memref<120x128xf32, #tpu.memory_space<vmem>>
      %dma_wait3A_54 = arith.constant 0 : i32
      %dma_wait3A_55 = tpu.memref_slice %arg5[%add3A_42, %dma_wait3A_54] : memref<20224x128xf32, #tpu.memory_space<hbm>> -> memref<120x128xf32, #tpu.memory_space<hbm>>
      %dma_wait3A_56 = arith.constant 0 : i32
      %dma_wait3A_57 = tpu.memref_slice %arg5[%add3A_42, %dma_wait3A_56] : memref<20224x128xf32, #tpu.memory_space<hbm>> -> memref<120x128xf32, #tpu.memory_space<hbm>>
      %dma_wait3A_58 = arith.constant 0 : i32
      %dma_wait3A_59 = arith.constant 0 : i32
      %dma_wait3A_60 = tpu.memref_slice %arg8[%dma_wait3A_58, %dma_wait3A_59] : memref<128x128xf32, #tpu.memory_space<vmem>> -> memref<120x128xf32, #tpu.memory_space<vmem>>
      tpu.wait_dma2 semaphore(%run_scoped3A : memref<!tpu.dma_semaphore, #tpu.memory_space<semaphore_mem>>) src(%dma_wait3A_60 : memref<120x128xf32, #tpu.memory_space<vmem>>) dst(%dma_wait3A_57 : memref<120x128xf32, #tpu.memory_space<hbm>>)
      tpu.yield
    }) : () -> ()
    return
  }
}

#map = affine_map<(d0, d1) -> (0, 0)>
#map1 = affine_map<(d0, d1) -> (0)>
module attributes {stable_mosaic.version = 14 : i64} {
  func.func @_sums_body(%arg0: i32, %arg1: i32, %arg2: memref<10000x128xf32, #tpu.memory_space<hbm>>, %arg3: memref<320000xi32, #tpu.memory_space<hbm>>, %arg4: memref<320000xi32, #tpu.memory_space<hbm>>, %arg5: memref<128x128xf32, #tpu.memory_space<hbm>>, %arg6: memref<20224x128xf32, #tpu.memory_space<hbm>>, %arg7: memref<128xi32, #tpu.memory_space<vmem>>, %arg8: memref<128xi32, #tpu.memory_space<vmem>>, %arg9: memref<128xi32, #tpu.memory_space<vmem>>, %arg10: memref<128xi32, #tpu.memory_space<vmem>>, %arg11: memref<128x128xf32, #tpu.memory_space<vmem>>, %arg12: memref<128x128xf32, #tpu.memory_space<vmem>>, %arg13: memref<10112x128xf32, #tpu.memory_space<vmem_shared>>, %arg14: memref<!tpu.dma_semaphore, #tpu.memory_space<semaphore_mem>>, %arg15: memref<!tpu.dma_semaphore, #tpu.memory_space<semaphore_mem>>) attributes {dimension_semantics = [#tpu.dimension_semantics<core_parallel>, #tpu.dimension_semantics<subcore_parallel>], iteration_bounds = array<i64: 2, 16>, scalar_prefetch = 0 : i64, scratch_operands = 9 : i64, tpu.core_type = #tpu.core_type<sc_vector_subcore>, window_params = [{transform_indices = #map}, {transform_indices = #map1}, {transform_indices = #map1}, {transform_indices = #map}, {transform_indices = #map}]} {
    %mul3A = arith.constant 16 : i32
    %mul3A_0 = arith.muli %arg0, %mul3A : i32
    %add3A = arith.addi %mul3A_0, %arg1 : i32
    %mul3A_1 = arith.constant 632 : i32
    %mul3A_2 = arith.muli %arg1, %mul3A_1 : i32
    "tpu.region"() ({
      %run_scoped3A = tpu.sem_alloc : memref<!tpu.dma_semaphore, #tpu.memory_space<semaphore_mem>>
      tpu.enqueue_dma source(%arg5 : memref<128x128xf32, #tpu.memory_space<hbm>>) target(%arg11 : memref<128x128xf32, #tpu.memory_space<vmem>>) target_semaphore(%run_scoped3A : memref<!tpu.dma_semaphore, #tpu.memory_space<semaphore_mem>>)
      tpu.wait_dma2 semaphore(%run_scoped3A : memref<!tpu.dma_semaphore, #tpu.memory_space<semaphore_mem>>) src(%arg5 : memref<128x128xf32, #tpu.memory_space<hbm>>) dst(%arg11 : memref<128x128xf32, #tpu.memory_space<vmem>>)
      tpu.yield
    }) : () -> ()
    %add3A_3 = arith.constant 0 : i32
    %add3A_4 = arith.addi %mul3A_2, %add3A_3 : i32
    "tpu.region"() ({
      %run_scoped3A = tpu.sem_alloc : memref<!tpu.dma_semaphore, #tpu.memory_space<semaphore_mem>>
      %dma_start3A = arith.constant 0 : i32
      %dma_start3A_43 = arith.constant 0 : i32
      %dma_start3A_44 = tpu.memref_slice %arg11[%dma_start3A, %dma_start3A_43] : memref<128x128xf32, #tpu.memory_space<vmem>> -> memref<128x128xf32, #tpu.memory_space<vmem>>
      %dma_start3A_45 = arith.constant 0 : i32
      %dma_start3A_46 = tpu.memref_slice %arg13[%add3A_4, %dma_start3A_45] : memref<10112x128xf32, #tpu.memory_space<vmem_shared>> -> memref<128x128xf32, #tpu.memory_space<vmem_shared>>
      %dma_start3A_47 = arith.constant 0 : i32
      %dma_start3A_48 = tpu.memref_slice %arg13[%add3A_4, %dma_start3A_47] : memref<10112x128xf32, #tpu.memory_space<vmem_shared>> -> memref<128x128xf32, #tpu.memory_space<vmem_shared>>
      %dma_start3A_49 = arith.constant 0 : i32
      %dma_start3A_50 = arith.constant 0 : i32
      %dma_start3A_51 = tpu.memref_slice %arg11[%dma_start3A_49, %dma_start3A_50] : memref<128x128xf32, #tpu.memory_space<vmem>> -> memref<128x128xf32, #tpu.memory_space<vmem>>
      tpu.enqueue_dma source(%dma_start3A_51 : memref<128x128xf32, #tpu.memory_space<vmem>>) target(%dma_start3A_48 : memref<128x128xf32, #tpu.memory_space<vmem_shared>>) target_semaphore(%run_scoped3A : memref<!tpu.dma_semaphore, #tpu.memory_space<semaphore_mem>>)
      %dma_wait3A = arith.constant 0 : i32
      %dma_wait3A_52 = arith.constant 0 : i32
      %dma_wait3A_53 = tpu.memref_slice %arg11[%dma_wait3A, %dma_wait3A_52] : memref<128x128xf32, #tpu.memory_space<vmem>> -> memref<128x128xf32, #tpu.memory_space<vmem>>
      %dma_wait3A_54 = arith.constant 0 : i32
      %dma_wait3A_55 = tpu.memref_slice %arg13[%add3A_4, %dma_wait3A_54] : memref<10112x128xf32, #tpu.memory_space<vmem_shared>> -> memref<128x128xf32, #tpu.memory_space<vmem_shared>>
      %dma_wait3A_56 = arith.constant 0 : i32
      %dma_wait3A_57 = tpu.memref_slice %arg13[%add3A_4, %dma_wait3A_56] : memref<10112x128xf32, #tpu.memory_space<vmem_shared>> -> memref<128x128xf32, #tpu.memory_space<vmem_shared>>
      %dma_wait3A_58 = arith.constant 0 : i32
      %dma_wait3A_59 = arith.constant 0 : i32
      %dma_wait3A_60 = tpu.memref_slice %arg11[%dma_wait3A_58, %dma_wait3A_59] : memref<128x128xf32, #tpu.memory_space<vmem>> -> memref<128x128xf32, #tpu.memory_space<vmem>>
      tpu.wait_dma2 semaphore(%run_scoped3A : memref<!tpu.dma_semaphore, #tpu.memory_space<semaphore_mem>>) src(%dma_wait3A_60 : memref<128x128xf32, #tpu.memory_space<vmem>>) dst(%dma_wait3A_57 : memref<128x128xf32, #tpu.memory_space<vmem_shared>>)
      tpu.yield
    }) : () -> ()
    %add3A_5 = arith.constant 128 : i32
    %add3A_6 = arith.addi %mul3A_2, %add3A_5 : i32
    "tpu.region"() ({
      %run_scoped3A = tpu.sem_alloc : memref<!tpu.dma_semaphore, #tpu.memory_space<semaphore_mem>>
      %dma_start3A = arith.constant 0 : i32
      %dma_start3A_43 = arith.constant 0 : i32
      %dma_start3A_44 = tpu.memref_slice %arg11[%dma_start3A, %dma_start3A_43] : memref<128x128xf32, #tpu.memory_space<vmem>> -> memref<128x128xf32, #tpu.memory_space<vmem>>
      %dma_start3A_45 = arith.constant 0 : i32
      %dma_start3A_46 = tpu.memref_slice %arg13[%add3A_6, %dma_start3A_45] : memref<10112x128xf32, #tpu.memory_space<vmem_shared>> -> memref<128x128xf32, #tpu.memory_space<vmem_shared>>
      %dma_start3A_47 = arith.constant 0 : i32
      %dma_start3A_48 = tpu.memref_slice %arg13[%add3A_6, %dma_start3A_47] : memref<10112x128xf32, #tpu.memory_space<vmem_shared>> -> memref<128x128xf32, #tpu.memory_space<vmem_shared>>
      %dma_start3A_49 = arith.constant 0 : i32
      %dma_start3A_50 = arith.constant 0 : i32
      %dma_start3A_51 = tpu.memref_slice %arg11[%dma_start3A_49, %dma_start3A_50] : memref<128x128xf32, #tpu.memory_space<vmem>> -> memref<128x128xf32, #tpu.memory_space<vmem>>
      tpu.enqueue_dma source(%dma_start3A_51 : memref<128x128xf32, #tpu.memory_space<vmem>>) target(%dma_start3A_48 : memref<128x128xf32, #tpu.memory_space<vmem_shared>>) target_semaphore(%run_scoped3A : memref<!tpu.dma_semaphore, #tpu.memory_space<semaphore_mem>>)
      %dma_wait3A = arith.constant 0 : i32
      %dma_wait3A_52 = arith.constant 0 : i32
      %dma_wait3A_53 = tpu.memref_slice %arg11[%dma_wait3A, %dma_wait3A_52] : memref<128x128xf32, #tpu.memory_space<vmem>> -> memref<128x128xf32, #tpu.memory_space<vmem>>
      %dma_wait3A_54 = arith.constant 0 : i32
      %dma_wait3A_55 = tpu.memref_slice %arg13[%add3A_6, %dma_wait3A_54] : memref<10112x128xf32, #tpu.memory_space<vmem_shared>> -> memref<128x128xf32, #tpu.memory_space<vmem_shared>>
      %dma_wait3A_56 = arith.constant 0 : i32
      %dma_wait3A_57 = tpu.memref_slice %arg13[%add3A_6, %dma_wait3A_56] : memref<10112x128xf32, #tpu.memory_space<vmem_shared>> -> memref<128x128xf32, #tpu.memory_space<vmem_shared>>
      %dma_wait3A_58 = arith.constant 0 : i32
      %dma_wait3A_59 = arith.constant 0 : i32
      %dma_wait3A_60 = tpu.memref_slice %arg11[%dma_wait3A_58, %dma_wait3A_59] : memref<128x128xf32, #tpu.memory_space<vmem>> -> memref<128x128xf32, #tpu.memory_space<vmem>>
      tpu.wait_dma2 semaphore(%run_scoped3A : memref<!tpu.dma_semaphore, #tpu.memory_space<semaphore_mem>>) src(%dma_wait3A_60 : memref<128x128xf32, #tpu.memory_space<vmem>>) dst(%dma_wait3A_57 : memref<128x128xf32, #tpu.memory_space<vmem_shared>>)
      tpu.yield
    }) : () -> ()
    %add3A_7 = arith.constant 256 : i32
    %add3A_8 = arith.addi %mul3A_2, %add3A_7 : i32
    "tpu.region"() ({
      %run_scoped3A = tpu.sem_alloc : memref<!tpu.dma_semaphore, #tpu.memory_space<semaphore_mem>>
      %dma_start3A = arith.constant 0 : i32
      %dma_start3A_43 = arith.constant 0 : i32
      %dma_start3A_44 = tpu.memref_slice %arg11[%dma_start3A, %dma_start3A_43] : memref<128x128xf32, #tpu.memory_space<vmem>> -> memref<128x128xf32, #tpu.memory_space<vmem>>
      %dma_start3A_45 = arith.constant 0 : i32
      %dma_start3A_46 = tpu.memref_slice %arg13[%add3A_8, %dma_start3A_45] : memref<10112x128xf32, #tpu.memory_space<vmem_shared>> -> memref<128x128xf32, #tpu.memory_space<vmem_shared>>
      %dma_start3A_47 = arith.constant 0 : i32
      %dma_start3A_48 = tpu.memref_slice %arg13[%add3A_8, %dma_start3A_47] : memref<10112x128xf32, #tpu.memory_space<vmem_shared>> -> memref<128x128xf32, #tpu.memory_space<vmem_shared>>
      %dma_start3A_49 = arith.constant 0 : i32
      %dma_start3A_50 = arith.constant 0 : i32
      %dma_start3A_51 = tpu.memref_slice %arg11[%dma_start3A_49, %dma_start3A_50] : memref<128x128xf32, #tpu.memory_space<vmem>> -> memref<128x128xf32, #tpu.memory_space<vmem>>
      tpu.enqueue_dma source(%dma_start3A_51 : memref<128x128xf32, #tpu.memory_space<vmem>>) target(%dma_start3A_48 : memref<128x128xf32, #tpu.memory_space<vmem_shared>>) target_semaphore(%run_scoped3A : memref<!tpu.dma_semaphore, #tpu.memory_space<semaphore_mem>>)
      %dma_wait3A = arith.constant 0 : i32
      %dma_wait3A_52 = arith.constant 0 : i32
      %dma_wait3A_53 = tpu.memref_slice %arg11[%dma_wait3A, %dma_wait3A_52] : memref<128x128xf32, #tpu.memory_space<vmem>> -> memref<128x128xf32, #tpu.memory_space<vmem>>
      %dma_wait3A_54 = arith.constant 0 : i32
      %dma_wait3A_55 = tpu.memref_slice %arg13[%add3A_8, %dma_wait3A_54] : memref<10112x128xf32, #tpu.memory_space<vmem_shared>> -> memref<128x128xf32, #tpu.memory_space<vmem_shared>>
      %dma_wait3A_56 = arith.constant 0 : i32
      %dma_wait3A_57 = tpu.memref_slice %arg13[%add3A_8, %dma_wait3A_56] : memref<10112x128xf32, #tpu.memory_space<vmem_shared>> -> memref<128x128xf32, #tpu.memory_space<vmem_shared>>
      %dma_wait3A_58 = arith.constant 0 : i32
      %dma_wait3A_59 = arith.constant 0 : i32
      %dma_wait3A_60 = tpu.memref_slice %arg11[%dma_wait3A_58, %dma_wait3A_59] : memref<128x128xf32, #tpu.memory_space<vmem>> -> memref<128x128xf32, #tpu.memory_space<vmem>>
      tpu.wait_dma2 semaphore(%run_scoped3A : memref<!tpu.dma_semaphore, #tpu.memory_space<semaphore_mem>>) src(%dma_wait3A_60 : memref<128x128xf32, #tpu.memory_space<vmem>>) dst(%dma_wait3A_57 : memref<128x128xf32, #tpu.memory_space<vmem_shared>>)
      tpu.yield
    }) : () -> ()
    %add3A_9 = arith.constant 384 : i32
    %add3A_10 = arith.addi %mul3A_2, %add3A_9 : i32
    "tpu.region"() ({
      %run_scoped3A = tpu.sem_alloc : memref<!tpu.dma_semaphore, #tpu.memory_space<semaphore_mem>>
      %dma_start3A = arith.constant 0 : i32
      %dma_start3A_43 = arith.constant 0 : i32
      %dma_start3A_44 = tpu.memref_slice %arg11[%dma_start3A, %dma_start3A_43] : memref<128x128xf32, #tpu.memory_space<vmem>> -> memref<128x128xf32, #tpu.memory_space<vmem>>
      %dma_start3A_45 = arith.constant 0 : i32
      %dma_start3A_46 = tpu.memref_slice %arg13[%add3A_10, %dma_start3A_45] : memref<10112x128xf32, #tpu.memory_space<vmem_shared>> -> memref<128x128xf32, #tpu.memory_space<vmem_shared>>
      %dma_start3A_47 = arith.constant 0 : i32
      %dma_start3A_48 = tpu.memref_slice %arg13[%add3A_10, %dma_start3A_47] : memref<10112x128xf32, #tpu.memory_space<vmem_shared>> -> memref<128x128xf32, #tpu.memory_space<vmem_shared>>
      %dma_start3A_49 = arith.constant 0 : i32
      %dma_start3A_50 = arith.constant 0 : i32
      %dma_start3A_51 = tpu.memref_slice %arg11[%dma_start3A_49, %dma_start3A_50] : memref<128x128xf32, #tpu.memory_space<vmem>> -> memref<128x128xf32, #tpu.memory_space<vmem>>
      tpu.enqueue_dma source(%dma_start3A_51 : memref<128x128xf32, #tpu.memory_space<vmem>>) target(%dma_start3A_48 : memref<128x128xf32, #tpu.memory_space<vmem_shared>>) target_semaphore(%run_scoped3A : memref<!tpu.dma_semaphore, #tpu.memory_space<semaphore_mem>>)
      %dma_wait3A = arith.constant 0 : i32
      %dma_wait3A_52 = arith.constant 0 : i32
      %dma_wait3A_53 = tpu.memref_slice %arg11[%dma_wait3A, %dma_wait3A_52] : memref<128x128xf32, #tpu.memory_space<vmem>> -> memref<128x128xf32, #tpu.memory_space<vmem>>
      %dma_wait3A_54 = arith.constant 0 : i32
      %dma_wait3A_55 = tpu.memref_slice %arg13[%add3A_10, %dma_wait3A_54] : memref<10112x128xf32, #tpu.memory_space<vmem_shared>> -> memref<128x128xf32, #tpu.memory_space<vmem_shared>>
      %dma_wait3A_56 = arith.constant 0 : i32
      %dma_wait3A_57 = tpu.memref_slice %arg13[%add3A_10, %dma_wait3A_56] : memref<10112x128xf32, #tpu.memory_space<vmem_shared>> -> memref<128x128xf32, #tpu.memory_space<vmem_shared>>
      %dma_wait3A_58 = arith.constant 0 : i32
      %dma_wait3A_59 = arith.constant 0 : i32
      %dma_wait3A_60 = tpu.memref_slice %arg11[%dma_wait3A_58, %dma_wait3A_59] : memref<128x128xf32, #tpu.memory_space<vmem>> -> memref<128x128xf32, #tpu.memory_space<vmem>>
      tpu.wait_dma2 semaphore(%run_scoped3A : memref<!tpu.dma_semaphore, #tpu.memory_space<semaphore_mem>>) src(%dma_wait3A_60 : memref<128x128xf32, #tpu.memory_space<vmem>>) dst(%dma_wait3A_57 : memref<128x128xf32, #tpu.memory_space<vmem_shared>>)
      tpu.yield
    }) : () -> ()
    %add3A_11 = arith.constant 512 : i32
    %add3A_12 = arith.addi %mul3A_2, %add3A_11 : i32
    "tpu.region"() ({
      %run_scoped3A = tpu.sem_alloc : memref<!tpu.dma_semaphore, #tpu.memory_space<semaphore_mem>>
      %dma_start3A = arith.constant 0 : i32
      %dma_start3A_43 = arith.constant 0 : i32
      %dma_start3A_44 = tpu.memref_slice %arg11[%dma_start3A, %dma_start3A_43] : memref<128x128xf32, #tpu.memory_space<vmem>> -> memref<120x128xf32, #tpu.memory_space<vmem>>
      %dma_start3A_45 = arith.constant 0 : i32
      %dma_start3A_46 = tpu.memref_slice %arg13[%add3A_12, %dma_start3A_45] : memref<10112x128xf32, #tpu.memory_space<vmem_shared>> -> memref<120x128xf32, #tpu.memory_space<vmem_shared>>
      %dma_start3A_47 = arith.constant 0 : i32
      %dma_start3A_48 = tpu.memref_slice %arg13[%add3A_12, %dma_start3A_47] : memref<10112x128xf32, #tpu.memory_space<vmem_shared>> -> memref<120x128xf32, #tpu.memory_space<vmem_shared>>
      %dma_start3A_49 = arith.constant 0 : i32
      %dma_start3A_50 = arith.constant 0 : i32
      %dma_start3A_51 = tpu.memref_slice %arg11[%dma_start3A_49, %dma_start3A_50] : memref<128x128xf32, #tpu.memory_space<vmem>> -> memref<120x128xf32, #tpu.memory_space<vmem>>
      tpu.enqueue_dma source(%dma_start3A_51 : memref<120x128xf32, #tpu.memory_space<vmem>>) target(%dma_start3A_48 : memref<120x128xf32, #tpu.memory_space<vmem_shared>>) target_semaphore(%run_scoped3A : memref<!tpu.dma_semaphore, #tpu.memory_space<semaphore_mem>>)
      %dma_wait3A = arith.constant 0 : i32
      %dma_wait3A_52 = arith.constant 0 : i32
      %dma_wait3A_53 = tpu.memref_slice %arg11[%dma_wait3A, %dma_wait3A_52] : memref<128x128xf32, #tpu.memory_space<vmem>> -> memref<120x128xf32, #tpu.memory_space<vmem>>
      %dma_wait3A_54 = arith.constant 0 : i32
      %dma_wait3A_55 = tpu.memref_slice %arg13[%add3A_12, %dma_wait3A_54] : memref<10112x128xf32, #tpu.memory_space<vmem_shared>> -> memref<120x128xf32, #tpu.memory_space<vmem_shared>>
      %dma_wait3A_56 = arith.constant 0 : i32
      %dma_wait3A_57 = tpu.memref_slice %arg13[%add3A_12, %dma_wait3A_56] : memref<10112x128xf32, #tpu.memory_space<vmem_shared>> -> memref<120x128xf32, #tpu.memory_space<vmem_shared>>
      %dma_wait3A_58 = arith.constant 0 : i32
      %dma_wait3A_59 = arith.constant 0 : i32
      %dma_wait3A_60 = tpu.memref_slice %arg11[%dma_wait3A_58, %dma_wait3A_59] : memref<128x128xf32, #tpu.memory_space<vmem>> -> memref<120x128xf32, #tpu.memory_space<vmem>>
      tpu.wait_dma2 semaphore(%run_scoped3A : memref<!tpu.dma_semaphore, #tpu.memory_space<semaphore_mem>>) src(%dma_wait3A_60 : memref<120x128xf32, #tpu.memory_space<vmem>>) dst(%dma_wait3A_57 : memref<120x128xf32, #tpu.memory_space<vmem_shared>>)
      tpu.yield
    }) : () -> ()
    %barrier3A = arith.constant 0 : index
    tpu.barrier barrier_id(%barrier3A)
    %scan3A = arith.constant 0 : i32
    %scan3A_13 = arith.constant 39 : i32
    %scan3A_14 = arith.addi %scan3A, %scan3A_13 : i32
    %scan3A_15 = arith.constant 1 : i32
    scf.for %scan3A_43 = %scan3A to %scan3A_14 step %scan3A_15  : i32 {
      %mul3A_44 = arith.constant 1 : i32
      %mul3A_45 = arith.muli %scan3A_43, %mul3A_44 : i32
      %add3A_46 = arith.constant 0 : i32
      %add3A_47 = arith.addi %add3A_46, %mul3A_45 : i32
      %mul3A_48 = arith.constant 2 : i32
      %mul3A_49 = arith.muli %add3A_47, %mul3A_48 : i32
      %mul3A_50 = arith.constant 32 : i32
      %mul3A_51 = arith.muli %mul3A_49, %mul3A_50 : i32
      %add3A_52 = arith.addi %add3A, %mul3A_51 : i32
      %mul3A_53 = arith.constant 128 : i32
      %mul3A_54 = arith.muli %add3A_52, %mul3A_53 : i32
      "tpu.region"() ({
        %run_scoped3A = tpu.sem_alloc : memref<!tpu.dma_semaphore, #tpu.memory_space<semaphore_mem>>
        %dma_start3A_69 = tpu.memref_slice %arg3[%mul3A_54] : memref<320000xi32, #tpu.memory_space<hbm>> -> memref<128xi32, #tpu.memory_space<hbm>>
        %dma_start3A_70 = tpu.memref_slice %arg3[%mul3A_54] : memref<320000xi32, #tpu.memory_space<hbm>> -> memref<128xi32, #tpu.memory_space<hbm>>
        tpu.enqueue_dma source(%dma_start3A_70 : memref<128xi32, #tpu.memory_space<hbm>>) target(%arg7 : memref<128xi32, #tpu.memory_space<vmem>>) target_semaphore(%run_scoped3A : memref<!tpu.dma_semaphore, #tpu.memory_space<semaphore_mem>>)
        %dma_wait3A_71 = tpu.memref_slice %arg3[%mul3A_54] : memref<320000xi32, #tpu.memory_space<hbm>> -> memref<128xi32, #tpu.memory_space<hbm>>
        %dma_wait3A_72 = tpu.memref_slice %arg3[%mul3A_54] : memref<320000xi32, #tpu.memory_space<hbm>> -> memref<128xi32, #tpu.memory_space<hbm>>
        tpu.wait_dma2 semaphore(%run_scoped3A : memref<!tpu.dma_semaphore, #tpu.memory_space<semaphore_mem>>) src(%dma_wait3A_72 : memref<128xi32, #tpu.memory_space<hbm>>) dst(%arg7 : memref<128xi32, #tpu.memory_space<vmem>>)
        tpu.yield
      }) : () -> ()
      %dma_start3A = arith.constant 0 : i32
      %dma_start3A_55 = arith.constant 0 : i32
      %dma_start3A_56 = tpu.memref_slice %arg2[%dma_start3A, %dma_start3A_55] : memref<10000x128xf32, #tpu.memory_space<hbm>> -> memref<10000x128xf32, #tpu.memory_space<hbm>>
      tpu.enqueue_indirect_dma source(%dma_start3A_56 : memref<10000x128xf32, #tpu.memory_space<hbm>>) target(%arg11 : memref<128x128xf32, #tpu.memory_space<vmem>>) offsets(%arg7 : memref<128xi32, #tpu.memory_space<vmem>>) semaphore(%arg14 : memref<!tpu.dma_semaphore, #tpu.memory_space<semaphore_mem>>)
      %add3A_57 = arith.constant 4096 : i32
      %add3A_58 = arith.addi %mul3A_54, %add3A_57 : i32
      "tpu.region"() ({
        %run_scoped3A = tpu.sem_alloc : memref<!tpu.dma_semaphore, #tpu.memory_space<semaphore_mem>>
        %dma_start3A_69 = tpu.memref_slice %arg3[%add3A_58] : memref<320000xi32, #tpu.memory_space<hbm>> -> memref<128xi32, #tpu.memory_space<hbm>>
        %dma_start3A_70 = tpu.memref_slice %arg3[%add3A_58] : memref<320000xi32, #tpu.memory_space<hbm>> -> memref<128xi32, #tpu.memory_space<hbm>>
        tpu.enqueue_dma source(%dma_start3A_70 : memref<128xi32, #tpu.memory_space<hbm>>) target(%arg8 : memref<128xi32, #tpu.memory_space<vmem>>) target_semaphore(%run_scoped3A : memref<!tpu.dma_semaphore, #tpu.memory_space<semaphore_mem>>)
        %dma_wait3A_71 = tpu.memref_slice %arg3[%add3A_58] : memref<320000xi32, #tpu.memory_space<hbm>> -> memref<128xi32, #tpu.memory_space<hbm>>
        %dma_wait3A_72 = tpu.memref_slice %arg3[%add3A_58] : memref<320000xi32, #tpu.memory_space<hbm>> -> memref<128xi32, #tpu.memory_space<hbm>>
        tpu.wait_dma2 semaphore(%run_scoped3A : memref<!tpu.dma_semaphore, #tpu.memory_space<semaphore_mem>>) src(%dma_wait3A_72 : memref<128xi32, #tpu.memory_space<hbm>>) dst(%arg8 : memref<128xi32, #tpu.memory_space<vmem>>)
        tpu.yield
      }) : () -> ()
      %dma_start3A_59 = arith.constant 0 : i32
      %dma_start3A_60 = arith.constant 0 : i32
      %dma_start3A_61 = tpu.memref_slice %arg2[%dma_start3A_59, %dma_start3A_60] : memref<10000x128xf32, #tpu.memory_space<hbm>> -> memref<10000x128xf32, #tpu.memory_space<hbm>>
      tpu.enqueue_indirect_dma source(%dma_start3A_61 : memref<10000x128xf32, #tpu.memory_space<hbm>>) target(%arg12 : memref<128x128xf32, #tpu.memory_space<vmem>>) offsets(%arg8 : memref<128xi32, #tpu.memory_space<vmem>>) semaphore(%arg15 : memref<!tpu.dma_semaphore, #tpu.memory_space<semaphore_mem>>)
      "tpu.region"() ({
        %run_scoped3A = tpu.sem_alloc : memref<!tpu.dma_semaphore, #tpu.memory_space<semaphore_mem>>
        %dma_start3A_69 = tpu.memref_slice %arg4[%mul3A_54] : memref<320000xi32, #tpu.memory_space<hbm>> -> memref<128xi32, #tpu.memory_space<hbm>>
        %dma_start3A_70 = tpu.memref_slice %arg4[%mul3A_54] : memref<320000xi32, #tpu.memory_space<hbm>> -> memref<128xi32, #tpu.memory_space<hbm>>
        tpu.enqueue_dma source(%dma_start3A_70 : memref<128xi32, #tpu.memory_space<hbm>>) target(%arg9 : memref<128xi32, #tpu.memory_space<vmem>>) target_semaphore(%run_scoped3A : memref<!tpu.dma_semaphore, #tpu.memory_space<semaphore_mem>>)
        %dma_wait3A_71 = tpu.memref_slice %arg4[%mul3A_54] : memref<320000xi32, #tpu.memory_space<hbm>> -> memref<128xi32, #tpu.memory_space<hbm>>
        %dma_wait3A_72 = tpu.memref_slice %arg4[%mul3A_54] : memref<320000xi32, #tpu.memory_space<hbm>> -> memref<128xi32, #tpu.memory_space<hbm>>
        tpu.wait_dma2 semaphore(%run_scoped3A : memref<!tpu.dma_semaphore, #tpu.memory_space<semaphore_mem>>) src(%dma_wait3A_72 : memref<128xi32, #tpu.memory_space<hbm>>) dst(%arg9 : memref<128xi32, #tpu.memory_space<vmem>>)
        tpu.yield
      }) : () -> ()
      %add3A_62 = arith.constant 4096 : i32
      %add3A_63 = arith.addi %mul3A_54, %add3A_62 : i32
      "tpu.region"() ({
        %run_scoped3A = tpu.sem_alloc : memref<!tpu.dma_semaphore, #tpu.memory_space<semaphore_mem>>
        %dma_start3A_69 = tpu.memref_slice %arg4[%add3A_63] : memref<320000xi32, #tpu.memory_space<hbm>> -> memref<128xi32, #tpu.memory_space<hbm>>
        %dma_start3A_70 = tpu.memref_slice %arg4[%add3A_63] : memref<320000xi32, #tpu.memory_space<hbm>> -> memref<128xi32, #tpu.memory_space<hbm>>
        tpu.enqueue_dma source(%dma_start3A_70 : memref<128xi32, #tpu.memory_space<hbm>>) target(%arg10 : memref<128xi32, #tpu.memory_space<vmem>>) target_semaphore(%run_scoped3A : memref<!tpu.dma_semaphore, #tpu.memory_space<semaphore_mem>>)
        %dma_wait3A_71 = tpu.memref_slice %arg4[%add3A_63] : memref<320000xi32, #tpu.memory_space<hbm>> -> memref<128xi32, #tpu.memory_space<hbm>>
        %dma_wait3A_72 = tpu.memref_slice %arg4[%add3A_63] : memref<320000xi32, #tpu.memory_space<hbm>> -> memref<128xi32, #tpu.memory_space<hbm>>
        tpu.wait_dma2 semaphore(%run_scoped3A : memref<!tpu.dma_semaphore, #tpu.memory_space<semaphore_mem>>) src(%dma_wait3A_72 : memref<128xi32, #tpu.memory_space<hbm>>) dst(%arg10 : memref<128xi32, #tpu.memory_space<vmem>>)
        tpu.yield
      }) : () -> ()
      %dma_wait3A = arith.constant 0 : i32
      %dma_wait3A_64 = arith.constant 0 : i32
      %dma_wait3A_65 = tpu.memref_slice %arg2[%dma_wait3A, %dma_wait3A_64] : memref<10000x128xf32, #tpu.memory_space<hbm>> -> memref<10000x128xf32, #tpu.memory_space<hbm>>
      tpu.wait_indirect_dma semaphore(%arg14 : memref<!tpu.dma_semaphore, #tpu.memory_space<semaphore_mem>>) src(%dma_wait3A_65 : memref<10000x128xf32, #tpu.memory_space<hbm>>) dst(%arg11 : memref<128x128xf32, #tpu.memory_space<vmem>>)
      "tpu.region"() ({
        %run_scoped3A = tpu.sem_alloc : memref<!tpu.dma_semaphore, #tpu.memory_space<semaphore_mem>>
        %dma_start3A_69 = arith.constant 0 : i32
        %dma_start3A_70 = arith.constant 0 : i32
        %dma_start3A_71 = tpu.memref_slice %arg13[%dma_start3A_69, %dma_start3A_70] : memref<10112x128xf32, #tpu.memory_space<vmem_shared>> -> memref<10112x128xf32, #tpu.memory_space<vmem_shared>>
        tpu.enqueue_indirect_dma source(%arg11 : memref<128x128xf32, #tpu.memory_space<vmem>>) target(%dma_start3A_71 : memref<10112x128xf32, #tpu.memory_space<vmem_shared>>) offsets(%arg9 : memref<128xi32, #tpu.memory_space<vmem>>) semaphore(%run_scoped3A : memref<!tpu.dma_semaphore, #tpu.memory_space<semaphore_mem>>) {add = true}
        %dma_wait3A_72 = arith.constant 0 : i32
        %dma_wait3A_73 = arith.constant 0 : i32
        %dma_wait3A_74 = tpu.memref_slice %arg13[%dma_wait3A_72, %dma_wait3A_73] : memref<10112x128xf32, #tpu.memory_space<vmem_shared>> -> memref<10112x128xf32, #tpu.memory_space<vmem_shared>>
        tpu.wait_indirect_dma semaphore(%run_scoped3A : memref<!tpu.dma_semaphore, #tpu.memory_space<semaphore_mem>>) src(%arg11 : memref<128x128xf32, #tpu.memory_space<vmem>>) dst(%dma_wait3A_74 : memref<10112x128xf32, #tpu.memory_space<vmem_shared>>)
        tpu.yield
      }) : () -> ()
      %dma_wait3A_66 = arith.constant 0 : i32
      %dma_wait3A_67 = arith.constant 0 : i32
      %dma_wait3A_68 = tpu.memref_slice %arg2[%dma_wait3A_66, %dma_wait3A_67] : memref<10000x128xf32, #tpu.memory_space<hbm>> -> memref<10000x128xf32, #tpu.memory_space<hbm>>
      tpu.wait_indirect_dma semaphore(%arg15 : memref<!tpu.dma_semaphore, #tpu.memory_space<semaphore_mem>>) src(%dma_wait3A_68 : memref<10000x128xf32, #tpu.memory_space<hbm>>) dst(%arg12 : memref<128x128xf32, #tpu.memory_space<vmem>>)
      "tpu.region"() ({
        %run_scoped3A = tpu.sem_alloc : memref<!tpu.dma_semaphore, #tpu.memory_space<semaphore_mem>>
        %dma_start3A_69 = arith.constant 0 : i32
        %dma_start3A_70 = arith.constant 0 : i32
        %dma_start3A_71 = tpu.memref_slice %arg13[%dma_start3A_69, %dma_start3A_70] : memref<10112x128xf32, #tpu.memory_space<vmem_shared>> -> memref<10112x128xf32, #tpu.memory_space<vmem_shared>>
        tpu.enqueue_indirect_dma source(%arg12 : memref<128x128xf32, #tpu.memory_space<vmem>>) target(%dma_start3A_71 : memref<10112x128xf32, #tpu.memory_space<vmem_shared>>) offsets(%arg10 : memref<128xi32, #tpu.memory_space<vmem>>) semaphore(%run_scoped3A : memref<!tpu.dma_semaphore, #tpu.memory_space<semaphore_mem>>) {add = true}
        %dma_wait3A_72 = arith.constant 0 : i32
        %dma_wait3A_73 = arith.constant 0 : i32
        %dma_wait3A_74 = tpu.memref_slice %arg13[%dma_wait3A_72, %dma_wait3A_73] : memref<10112x128xf32, #tpu.memory_space<vmem_shared>> -> memref<10112x128xf32, #tpu.memory_space<vmem_shared>>
        tpu.wait_indirect_dma semaphore(%run_scoped3A : memref<!tpu.dma_semaphore, #tpu.memory_space<semaphore_mem>>) src(%arg12 : memref<128x128xf32, #tpu.memory_space<vmem>>) dst(%dma_wait3A_74 : memref<10112x128xf32, #tpu.memory_space<vmem_shared>>)
        tpu.yield
      }) : () -> ()
    }
    %scan3A_16 = arith.constant 39 : i32
    %lt3A = arith.constant 4 : i32
    %lt3A_17 = arith.cmpi slt, %add3A, %lt3A : i32
    %convert_element_type3A = arith.extui %lt3A_17 : i1 to i32
    %cond3A = arith.constant 0 : i32
    %cond3A_18 = arith.cmpi ne, %convert_element_type3A, %cond3A : i32
    scf.if %cond3A_18 {
      %add3A_43 = arith.constant 2496 : i32
      %add3A_44 = arith.addi %add3A, %add3A_43 : i32
      %mul3A_45 = arith.constant 128 : i32
      %mul3A_46 = arith.muli %add3A_44, %mul3A_45 : i32
      "tpu.region"() ({
        %run_scoped3A = tpu.sem_alloc : memref<!tpu.dma_semaphore, #tpu.memory_space<semaphore_mem>>
        %dma_start3A_51 = tpu.memref_slice %arg3[%mul3A_46] : memref<320000xi32, #tpu.memory_space<hbm>> -> memref<128xi32, #tpu.memory_space<hbm>>
        %dma_start3A_52 = tpu.memref_slice %arg3[%mul3A_46] : memref<320000xi32, #tpu.memory_space<hbm>> -> memref<128xi32, #tpu.memory_space<hbm>>
        tpu.enqueue_dma source(%dma_start3A_52 : memref<128xi32, #tpu.memory_space<hbm>>) target(%arg7 : memref<128xi32, #tpu.memory_space<vmem>>) target_semaphore(%run_scoped3A : memref<!tpu.dma_semaphore, #tpu.memory_space<semaphore_mem>>)
        %dma_wait3A_53 = tpu.memref_slice %arg3[%mul3A_46] : memref<320000xi32, #tpu.memory_space<hbm>> -> memref<128xi32, #tpu.memory_space<hbm>>
        %dma_wait3A_54 = tpu.memref_slice %arg3[%mul3A_46] : memref<320000xi32, #tpu.memory_space<hbm>> -> memref<128xi32, #tpu.memory_space<hbm>>
        tpu.wait_dma2 semaphore(%run_scoped3A : memref<!tpu.dma_semaphore, #tpu.memory_space<semaphore_mem>>) src(%dma_wait3A_54 : memref<128xi32, #tpu.memory_space<hbm>>) dst(%arg7 : memref<128xi32, #tpu.memory_space<vmem>>)
        tpu.yield
      }) : () -> ()
      %dma_start3A = arith.constant 0 : i32
      %dma_start3A_47 = arith.constant 0 : i32
      %dma_start3A_48 = tpu.memref_slice %arg2[%dma_start3A, %dma_start3A_47] : memref<10000x128xf32, #tpu.memory_space<hbm>> -> memref<10000x128xf32, #tpu.memory_space<hbm>>
      tpu.enqueue_indirect_dma source(%dma_start3A_48 : memref<10000x128xf32, #tpu.memory_space<hbm>>) target(%arg11 : memref<128x128xf32, #tpu.memory_space<vmem>>) offsets(%arg7 : memref<128xi32, #tpu.memory_space<vmem>>) semaphore(%arg14 : memref<!tpu.dma_semaphore, #tpu.memory_space<semaphore_mem>>)
      "tpu.region"() ({
        %run_scoped3A = tpu.sem_alloc : memref<!tpu.dma_semaphore, #tpu.memory_space<semaphore_mem>>
        %dma_start3A_51 = tpu.memref_slice %arg4[%mul3A_46] : memref<320000xi32, #tpu.memory_space<hbm>> -> memref<128xi32, #tpu.memory_space<hbm>>
        %dma_start3A_52 = tpu.memref_slice %arg4[%mul3A_46] : memref<320000xi32, #tpu.memory_space<hbm>> -> memref<128xi32, #tpu.memory_space<hbm>>
        tpu.enqueue_dma source(%dma_start3A_52 : memref<128xi32, #tpu.memory_space<hbm>>) target(%arg9 : memref<128xi32, #tpu.memory_space<vmem>>) target_semaphore(%run_scoped3A : memref<!tpu.dma_semaphore, #tpu.memory_space<semaphore_mem>>)
        %dma_wait3A_53 = tpu.memref_slice %arg4[%mul3A_46] : memref<320000xi32, #tpu.memory_space<hbm>> -> memref<128xi32, #tpu.memory_space<hbm>>
        %dma_wait3A_54 = tpu.memref_slice %arg4[%mul3A_46] : memref<320000xi32, #tpu.memory_space<hbm>> -> memref<128xi32, #tpu.memory_space<hbm>>
        tpu.wait_dma2 semaphore(%run_scoped3A : memref<!tpu.dma_semaphore, #tpu.memory_space<semaphore_mem>>) src(%dma_wait3A_54 : memref<128xi32, #tpu.memory_space<hbm>>) dst(%arg9 : memref<128xi32, #tpu.memory_space<vmem>>)
        tpu.yield
      }) : () -> ()
      %dma_wait3A = arith.constant 0 : i32
      %dma_wait3A_49 = arith.constant 0 : i32
      %dma_wait3A_50 = tpu.memref_slice %arg2[%dma_wait3A, %dma_wait3A_49] : memref<10000x128xf32, #tpu.memory_space<hbm>> -> memref<10000x128xf32, #tpu.memory_space<hbm>>
      tpu.wait_indirect_dma semaphore(%arg14 : memref<!tpu.dma_semaphore, #tpu.memory_space<semaphore_mem>>) src(%dma_wait3A_50 : memref<10000x128xf32, #tpu.memory_space<hbm>>) dst(%arg11 : memref<128x128xf32, #tpu.memory_space<vmem>>)
      "tpu.region"() ({
        %run_scoped3A = tpu.sem_alloc : memref<!tpu.dma_semaphore, #tpu.memory_space<semaphore_mem>>
        %dma_start3A_51 = arith.constant 0 : i32
        %dma_start3A_52 = arith.constant 0 : i32
        %dma_start3A_53 = tpu.memref_slice %arg13[%dma_start3A_51, %dma_start3A_52] : memref<10112x128xf32, #tpu.memory_space<vmem_shared>> -> memref<10112x128xf32, #tpu.memory_space<vmem_shared>>
        tpu.enqueue_indirect_dma source(%arg11 : memref<128x128xf32, #tpu.memory_space<vmem>>) target(%dma_start3A_53 : memref<10112x128xf32, #tpu.memory_space<vmem_shared>>) offsets(%arg9 : memref<128xi32, #tpu.memory_space<vmem>>) semaphore(%run_scoped3A : memref<!tpu.dma_semaphore, #tpu.memory_space<semaphore_mem>>) {add = true}
        %dma_wait3A_54 = arith.constant 0 : i32
        %dma_wait3A_55 = arith.constant 0 : i32
        %dma_wait3A_56 = tpu.memref_slice %arg13[%dma_wait3A_54, %dma_wait3A_55] : memref<10112x128xf32, #tpu.memory_space<vmem_shared>> -> memref<10112x128xf32, #tpu.memory_space<vmem_shared>>
        tpu.wait_indirect_dma semaphore(%run_scoped3A : memref<!tpu.dma_semaphore, #tpu.memory_space<semaphore_mem>>) src(%arg11 : memref<128x128xf32, #tpu.memory_space<vmem>>) dst(%dma_wait3A_56 : memref<10112x128xf32, #tpu.memory_space<vmem_shared>>)
        tpu.yield
      }) : () -> ()
    } else {
    }
    %barrier3A_19 = arith.constant 0 : index
    tpu.barrier barrier_id(%barrier3A_19)
    %mul3A_20 = arith.constant 10112 : i32
    %mul3A_21 = arith.muli %arg0, %mul3A_20 : i32
    %add3A_22 = arith.addi %mul3A_21, %mul3A_2 : i32
    %add3A_23 = arith.constant 0 : i32
    %add3A_24 = arith.addi %mul3A_2, %add3A_23 : i32
    "tpu.region"() ({
      %run_scoped3A = tpu.sem_alloc : memref<!tpu.dma_semaphore, #tpu.memory_space<semaphore_mem>>
      %dma_start3A = arith.constant 0 : i32
      %dma_start3A_43 = arith.constant 0 : i32
      %dma_start3A_44 = tpu.memref_slice %arg11[%dma_start3A, %dma_start3A_43] : memref<128x128xf32, #tpu.memory_space<vmem>> -> memref<128x128xf32, #tpu.memory_space<vmem>>
      %dma_start3A_45 = arith.constant 0 : i32
      %dma_start3A_46 = tpu.memref_slice %arg13[%add3A_24, %dma_start3A_45] : memref<10112x128xf32, #tpu.memory_space<vmem_shared>> -> memref<128x128xf32, #tpu.memory_space<vmem_shared>>
      %dma_start3A_47 = arith.constant 0 : i32
      %dma_start3A_48 = arith.constant 0 : i32
      %dma_start3A_49 = tpu.memref_slice %arg11[%dma_start3A_47, %dma_start3A_48] : memref<128x128xf32, #tpu.memory_space<vmem>> -> memref<128x128xf32, #tpu.memory_space<vmem>>
      %dma_start3A_50 = arith.constant 0 : i32
      %dma_start3A_51 = tpu.memref_slice %arg13[%add3A_24, %dma_start3A_50] : memref<10112x128xf32, #tpu.memory_space<vmem_shared>> -> memref<128x128xf32, #tpu.memory_space<vmem_shared>>
      tpu.enqueue_dma source(%dma_start3A_51 : memref<128x128xf32, #tpu.memory_space<vmem_shared>>) target(%dma_start3A_49 : memref<128x128xf32, #tpu.memory_space<vmem>>) target_semaphore(%run_scoped3A : memref<!tpu.dma_semaphore, #tpu.memory_space<semaphore_mem>>)
      %dma_wait3A = arith.constant 0 : i32
      %dma_wait3A_52 = arith.constant 0 : i32
      %dma_wait3A_53 = tpu.memref_slice %arg11[%dma_wait3A, %dma_wait3A_52] : memref<128x128xf32, #tpu.memory_space<vmem>> -> memref<128x128xf32, #tpu.memory_space<vmem>>
      %dma_wait3A_54 = arith.constant 0 : i32
      %dma_wait3A_55 = tpu.memref_slice %arg13[%add3A_24, %dma_wait3A_54] : memref<10112x128xf32, #tpu.memory_space<vmem_shared>> -> memref<128x128xf32, #tpu.memory_space<vmem_shared>>
      %dma_wait3A_56 = arith.constant 0 : i32
      %dma_wait3A_57 = arith.constant 0 : i32
      %dma_wait3A_58 = tpu.memref_slice %arg11[%dma_wait3A_56, %dma_wait3A_57] : memref<128x128xf32, #tpu.memory_space<vmem>> -> memref<128x128xf32, #tpu.memory_space<vmem>>
      %dma_wait3A_59 = arith.constant 0 : i32
      %dma_wait3A_60 = tpu.memref_slice %arg13[%add3A_24, %dma_wait3A_59] : memref<10112x128xf32, #tpu.memory_space<vmem_shared>> -> memref<128x128xf32, #tpu.memory_space<vmem_shared>>
      tpu.wait_dma2 semaphore(%run_scoped3A : memref<!tpu.dma_semaphore, #tpu.memory_space<semaphore_mem>>) src(%dma_wait3A_60 : memref<128x128xf32, #tpu.memory_space<vmem_shared>>) dst(%dma_wait3A_58 : memref<128x128xf32, #tpu.memory_space<vmem>>)
      tpu.yield
    }) : () -> ()
    %add3A_25 = arith.constant 0 : i32
    %add3A_26 = arith.addi %add3A_22, %add3A_25 : i32
    "tpu.region"() ({
      %run_scoped3A = tpu.sem_alloc : memref<!tpu.dma_semaphore, #tpu.memory_space<semaphore_mem>>
      %dma_start3A = arith.constant 0 : i32
      %dma_start3A_43 = arith.constant 0 : i32
      %dma_start3A_44 = tpu.memref_slice %arg11[%dma_start3A, %dma_start3A_43] : memref<128x128xf32, #tpu.memory_space<vmem>> -> memref<128x128xf32, #tpu.memory_space<vmem>>
      %dma_start3A_45 = arith.constant 0 : i32
      %dma_start3A_46 = tpu.memref_slice %arg6[%add3A_26, %dma_start3A_45] : memref<20224x128xf32, #tpu.memory_space<hbm>> -> memref<128x128xf32, #tpu.memory_space<hbm>>
      %dma_start3A_47 = arith.constant 0 : i32
      %dma_start3A_48 = tpu.memref_slice %arg6[%add3A_26, %dma_start3A_47] : memref<20224x128xf32, #tpu.memory_space<hbm>> -> memref<128x128xf32, #tpu.memory_space<hbm>>
      %dma_start3A_49 = arith.constant 0 : i32
      %dma_start3A_50 = arith.constant 0 : i32
      %dma_start3A_51 = tpu.memref_slice %arg11[%dma_start3A_49, %dma_start3A_50] : memref<128x128xf32, #tpu.memory_space<vmem>> -> memref<128x128xf32, #tpu.memory_space<vmem>>
      tpu.enqueue_dma source(%dma_start3A_51 : memref<128x128xf32, #tpu.memory_space<vmem>>) target(%dma_start3A_48 : memref<128x128xf32, #tpu.memory_space<hbm>>) target_semaphore(%run_scoped3A : memref<!tpu.dma_semaphore, #tpu.memory_space<semaphore_mem>>)
      %dma_wait3A = arith.constant 0 : i32
      %dma_wait3A_52 = arith.constant 0 : i32
      %dma_wait3A_53 = tpu.memref_slice %arg11[%dma_wait3A, %dma_wait3A_52] : memref<128x128xf32, #tpu.memory_space<vmem>> -> memref<128x128xf32, #tpu.memory_space<vmem>>
      %dma_wait3A_54 = arith.constant 0 : i32
      %dma_wait3A_55 = tpu.memref_slice %arg6[%add3A_26, %dma_wait3A_54] : memref<20224x128xf32, #tpu.memory_space<hbm>> -> memref<128x128xf32, #tpu.memory_space<hbm>>
      %dma_wait3A_56 = arith.constant 0 : i32
      %dma_wait3A_57 = tpu.memref_slice %arg6[%add3A_26, %dma_wait3A_56] : memref<20224x128xf32, #tpu.memory_space<hbm>> -> memref<128x128xf32, #tpu.memory_space<hbm>>
      %dma_wait3A_58 = arith.constant 0 : i32
      %dma_wait3A_59 = arith.constant 0 : i32
      %dma_wait3A_60 = tpu.memref_slice %arg11[%dma_wait3A_58, %dma_wait3A_59] : memref<128x128xf32, #tpu.memory_space<vmem>> -> memref<128x128xf32, #tpu.memory_space<vmem>>
      tpu.wait_dma2 semaphore(%run_scoped3A : memref<!tpu.dma_semaphore, #tpu.memory_space<semaphore_mem>>) src(%dma_wait3A_60 : memref<128x128xf32, #tpu.memory_space<vmem>>) dst(%dma_wait3A_57 : memref<128x128xf32, #tpu.memory_space<hbm>>)
      tpu.yield
    }) : () -> ()
    %add3A_27 = arith.constant 128 : i32
    %add3A_28 = arith.addi %mul3A_2, %add3A_27 : i32
    "tpu.region"() ({
      %run_scoped3A = tpu.sem_alloc : memref<!tpu.dma_semaphore, #tpu.memory_space<semaphore_mem>>
      %dma_start3A = arith.constant 0 : i32
      %dma_start3A_43 = arith.constant 0 : i32
      %dma_start3A_44 = tpu.memref_slice %arg11[%dma_start3A, %dma_start3A_43] : memref<128x128xf32, #tpu.memory_space<vmem>> -> memref<128x128xf32, #tpu.memory_space<vmem>>
      %dma_start3A_45 = arith.constant 0 : i32
      %dma_start3A_46 = tpu.memref_slice %arg13[%add3A_28, %dma_start3A_45] : memref<10112x128xf32, #tpu.memory_space<vmem_shared>> -> memref<128x128xf32, #tpu.memory_space<vmem_shared>>
      %dma_start3A_47 = arith.constant 0 : i32
      %dma_start3A_48 = arith.constant 0 : i32
      %dma_start3A_49 = tpu.memref_slice %arg11[%dma_start3A_47, %dma_start3A_48] : memref<128x128xf32, #tpu.memory_space<vmem>> -> memref<128x128xf32, #tpu.memory_space<vmem>>
      %dma_start3A_50 = arith.constant 0 : i32
      %dma_start3A_51 = tpu.memref_slice %arg13[%add3A_28, %dma_start3A_50] : memref<10112x128xf32, #tpu.memory_space<vmem_shared>> -> memref<128x128xf32, #tpu.memory_space<vmem_shared>>
      tpu.enqueue_dma source(%dma_start3A_51 : memref<128x128xf32, #tpu.memory_space<vmem_shared>>) target(%dma_start3A_49 : memref<128x128xf32, #tpu.memory_space<vmem>>) target_semaphore(%run_scoped3A : memref<!tpu.dma_semaphore, #tpu.memory_space<semaphore_mem>>)
      %dma_wait3A = arith.constant 0 : i32
      %dma_wait3A_52 = arith.constant 0 : i32
      %dma_wait3A_53 = tpu.memref_slice %arg11[%dma_wait3A, %dma_wait3A_52] : memref<128x128xf32, #tpu.memory_space<vmem>> -> memref<128x128xf32, #tpu.memory_space<vmem>>
      %dma_wait3A_54 = arith.constant 0 : i32
      %dma_wait3A_55 = tpu.memref_slice %arg13[%add3A_28, %dma_wait3A_54] : memref<10112x128xf32, #tpu.memory_space<vmem_shared>> -> memref<128x128xf32, #tpu.memory_space<vmem_shared>>
      %dma_wait3A_56 = arith.constant 0 : i32
      %dma_wait3A_57 = arith.constant 0 : i32
      %dma_wait3A_58 = tpu.memref_slice %arg11[%dma_wait3A_56, %dma_wait3A_57] : memref<128x128xf32, #tpu.memory_space<vmem>> -> memref<128x128xf32, #tpu.memory_space<vmem>>
      %dma_wait3A_59 = arith.constant 0 : i32
      %dma_wait3A_60 = tpu.memref_slice %arg13[%add3A_28, %dma_wait3A_59] : memref<10112x128xf32, #tpu.memory_space<vmem_shared>> -> memref<128x128xf32, #tpu.memory_space<vmem_shared>>
      tpu.wait_dma2 semaphore(%run_scoped3A : memref<!tpu.dma_semaphore, #tpu.memory_space<semaphore_mem>>) src(%dma_wait3A_60 : memref<128x128xf32, #tpu.memory_space<vmem_shared>>) dst(%dma_wait3A_58 : memref<128x128xf32, #tpu.memory_space<vmem>>)
      tpu.yield
    }) : () -> ()
    %add3A_29 = arith.constant 128 : i32
    %add3A_30 = arith.addi %add3A_22, %add3A_29 : i32
    "tpu.region"() ({
      %run_scoped3A = tpu.sem_alloc : memref<!tpu.dma_semaphore, #tpu.memory_space<semaphore_mem>>
      %dma_start3A = arith.constant 0 : i32
      %dma_start3A_43 = arith.constant 0 : i32
      %dma_start3A_44 = tpu.memref_slice %arg11[%dma_start3A, %dma_start3A_43] : memref<128x128xf32, #tpu.memory_space<vmem>> -> memref<128x128xf32, #tpu.memory_space<vmem>>
      %dma_start3A_45 = arith.constant 0 : i32
      %dma_start3A_46 = tpu.memref_slice %arg6[%add3A_30, %dma_start3A_45] : memref<20224x128xf32, #tpu.memory_space<hbm>> -> memref<128x128xf32, #tpu.memory_space<hbm>>
      %dma_start3A_47 = arith.constant 0 : i32
      %dma_start3A_48 = tpu.memref_slice %arg6[%add3A_30, %dma_start3A_47] : memref<20224x128xf32, #tpu.memory_space<hbm>> -> memref<128x128xf32, #tpu.memory_space<hbm>>
      %dma_start3A_49 = arith.constant 0 : i32
      %dma_start3A_50 = arith.constant 0 : i32
      %dma_start3A_51 = tpu.memref_slice %arg11[%dma_start3A_49, %dma_start3A_50] : memref<128x128xf32, #tpu.memory_space<vmem>> -> memref<128x128xf32, #tpu.memory_space<vmem>>
      tpu.enqueue_dma source(%dma_start3A_51 : memref<128x128xf32, #tpu.memory_space<vmem>>) target(%dma_start3A_48 : memref<128x128xf32, #tpu.memory_space<hbm>>) target_semaphore(%run_scoped3A : memref<!tpu.dma_semaphore, #tpu.memory_space<semaphore_mem>>)
      %dma_wait3A = arith.constant 0 : i32
      %dma_wait3A_52 = arith.constant 0 : i32
      %dma_wait3A_53 = tpu.memref_slice %arg11[%dma_wait3A, %dma_wait3A_52] : memref<128x128xf32, #tpu.memory_space<vmem>> -> memref<128x128xf32, #tpu.memory_space<vmem>>
      %dma_wait3A_54 = arith.constant 0 : i32
      %dma_wait3A_55 = tpu.memref_slice %arg6[%add3A_30, %dma_wait3A_54] : memref<20224x128xf32, #tpu.memory_space<hbm>> -> memref<128x128xf32, #tpu.memory_space<hbm>>
      %dma_wait3A_56 = arith.constant 0 : i32
      %dma_wait3A_57 = tpu.memref_slice %arg6[%add3A_30, %dma_wait3A_56] : memref<20224x128xf32, #tpu.memory_space<hbm>> -> memref<128x128xf32, #tpu.memory_space<hbm>>
      %dma_wait3A_58 = arith.constant 0 : i32
      %dma_wait3A_59 = arith.constant 0 : i32
      %dma_wait3A_60 = tpu.memref_slice %arg11[%dma_wait3A_58, %dma_wait3A_59] : memref<128x128xf32, #tpu.memory_space<vmem>> -> memref<128x128xf32, #tpu.memory_space<vmem>>
      tpu.wait_dma2 semaphore(%run_scoped3A : memref<!tpu.dma_semaphore, #tpu.memory_space<semaphore_mem>>) src(%dma_wait3A_60 : memref<128x128xf32, #tpu.memory_space<vmem>>) dst(%dma_wait3A_57 : memref<128x128xf32, #tpu.memory_space<hbm>>)
      tpu.yield
    }) : () -> ()
    %add3A_31 = arith.constant 256 : i32
    %add3A_32 = arith.addi %mul3A_2, %add3A_31 : i32
    "tpu.region"() ({
      %run_scoped3A = tpu.sem_alloc : memref<!tpu.dma_semaphore, #tpu.memory_space<semaphore_mem>>
      %dma_start3A = arith.constant 0 : i32
      %dma_start3A_43 = arith.constant 0 : i32
      %dma_start3A_44 = tpu.memref_slice %arg11[%dma_start3A, %dma_start3A_43] : memref<128x128xf32, #tpu.memory_space<vmem>> -> memref<128x128xf32, #tpu.memory_space<vmem>>
      %dma_start3A_45 = arith.constant 0 : i32
      %dma_start3A_46 = tpu.memref_slice %arg13[%add3A_32, %dma_start3A_45] : memref<10112x128xf32, #tpu.memory_space<vmem_shared>> -> memref<128x128xf32, #tpu.memory_space<vmem_shared>>
      %dma_start3A_47 = arith.constant 0 : i32
      %dma_start3A_48 = arith.constant 0 : i32
      %dma_start3A_49 = tpu.memref_slice %arg11[%dma_start3A_47, %dma_start3A_48] : memref<128x128xf32, #tpu.memory_space<vmem>> -> memref<128x128xf32, #tpu.memory_space<vmem>>
      %dma_start3A_50 = arith.constant 0 : i32
      %dma_start3A_51 = tpu.memref_slice %arg13[%add3A_32, %dma_start3A_50] : memref<10112x128xf32, #tpu.memory_space<vmem_shared>> -> memref<128x128xf32, #tpu.memory_space<vmem_shared>>
      tpu.enqueue_dma source(%dma_start3A_51 : memref<128x128xf32, #tpu.memory_space<vmem_shared>>) target(%dma_start3A_49 : memref<128x128xf32, #tpu.memory_space<vmem>>) target_semaphore(%run_scoped3A : memref<!tpu.dma_semaphore, #tpu.memory_space<semaphore_mem>>)
      %dma_wait3A = arith.constant 0 : i32
      %dma_wait3A_52 = arith.constant 0 : i32
      %dma_wait3A_53 = tpu.memref_slice %arg11[%dma_wait3A, %dma_wait3A_52] : memref<128x128xf32, #tpu.memory_space<vmem>> -> memref<128x128xf32, #tpu.memory_space<vmem>>
      %dma_wait3A_54 = arith.constant 0 : i32
      %dma_wait3A_55 = tpu.memref_slice %arg13[%add3A_32, %dma_wait3A_54] : memref<10112x128xf32, #tpu.memory_space<vmem_shared>> -> memref<128x128xf32, #tpu.memory_space<vmem_shared>>
      %dma_wait3A_56 = arith.constant 0 : i32
      %dma_wait3A_57 = arith.constant 0 : i32
      %dma_wait3A_58 = tpu.memref_slice %arg11[%dma_wait3A_56, %dma_wait3A_57] : memref<128x128xf32, #tpu.memory_space<vmem>> -> memref<128x128xf32, #tpu.memory_space<vmem>>
      %dma_wait3A_59 = arith.constant 0 : i32
      %dma_wait3A_60 = tpu.memref_slice %arg13[%add3A_32, %dma_wait3A_59] : memref<10112x128xf32, #tpu.memory_space<vmem_shared>> -> memref<128x128xf32, #tpu.memory_space<vmem_shared>>
      tpu.wait_dma2 semaphore(%run_scoped3A : memref<!tpu.dma_semaphore, #tpu.memory_space<semaphore_mem>>) src(%dma_wait3A_60 : memref<128x128xf32, #tpu.memory_space<vmem_shared>>) dst(%dma_wait3A_58 : memref<128x128xf32, #tpu.memory_space<vmem>>)
      tpu.yield
    }) : () -> ()
    %add3A_33 = arith.constant 256 : i32
    %add3A_34 = arith.addi %add3A_22, %add3A_33 : i32
    "tpu.region"() ({
      %run_scoped3A = tpu.sem_alloc : memref<!tpu.dma_semaphore, #tpu.memory_space<semaphore_mem>>
      %dma_start3A = arith.constant 0 : i32
      %dma_start3A_43 = arith.constant 0 : i32
      %dma_start3A_44 = tpu.memref_slice %arg11[%dma_start3A, %dma_start3A_43] : memref<128x128xf32, #tpu.memory_space<vmem>> -> memref<128x128xf32, #tpu.memory_space<vmem>>
      %dma_start3A_45 = arith.constant 0 : i32
      %dma_start3A_46 = tpu.memref_slice %arg6[%add3A_34, %dma_start3A_45] : memref<20224x128xf32, #tpu.memory_space<hbm>> -> memref<128x128xf32, #tpu.memory_space<hbm>>
      %dma_start3A_47 = arith.constant 0 : i32
      %dma_start3A_48 = tpu.memref_slice %arg6[%add3A_34, %dma_start3A_47] : memref<20224x128xf32, #tpu.memory_space<hbm>> -> memref<128x128xf32, #tpu.memory_space<hbm>>
      %dma_start3A_49 = arith.constant 0 : i32
      %dma_start3A_50 = arith.constant 0 : i32
      %dma_start3A_51 = tpu.memref_slice %arg11[%dma_start3A_49, %dma_start3A_50] : memref<128x128xf32, #tpu.memory_space<vmem>> -> memref<128x128xf32, #tpu.memory_space<vmem>>
      tpu.enqueue_dma source(%dma_start3A_51 : memref<128x128xf32, #tpu.memory_space<vmem>>) target(%dma_start3A_48 : memref<128x128xf32, #tpu.memory_space<hbm>>) target_semaphore(%run_scoped3A : memref<!tpu.dma_semaphore, #tpu.memory_space<semaphore_mem>>)
      %dma_wait3A = arith.constant 0 : i32
      %dma_wait3A_52 = arith.constant 0 : i32
      %dma_wait3A_53 = tpu.memref_slice %arg11[%dma_wait3A, %dma_wait3A_52] : memref<128x128xf32, #tpu.memory_space<vmem>> -> memref<128x128xf32, #tpu.memory_space<vmem>>
      %dma_wait3A_54 = arith.constant 0 : i32
      %dma_wait3A_55 = tpu.memref_slice %arg6[%add3A_34, %dma_wait3A_54] : memref<20224x128xf32, #tpu.memory_space<hbm>> -> memref<128x128xf32, #tpu.memory_space<hbm>>
      %dma_wait3A_56 = arith.constant 0 : i32
      %dma_wait3A_57 = tpu.memref_slice %arg6[%add3A_34, %dma_wait3A_56] : memref<20224x128xf32, #tpu.memory_space<hbm>> -> memref<128x128xf32, #tpu.memory_space<hbm>>
      %dma_wait3A_58 = arith.constant 0 : i32
      %dma_wait3A_59 = arith.constant 0 : i32
      %dma_wait3A_60 = tpu.memref_slice %arg11[%dma_wait3A_58, %dma_wait3A_59] : memref<128x128xf32, #tpu.memory_space<vmem>> -> memref<128x128xf32, #tpu.memory_space<vmem>>
      tpu.wait_dma2 semaphore(%run_scoped3A : memref<!tpu.dma_semaphore, #tpu.memory_space<semaphore_mem>>) src(%dma_wait3A_60 : memref<128x128xf32, #tpu.memory_space<vmem>>) dst(%dma_wait3A_57 : memref<128x128xf32, #tpu.memory_space<hbm>>)
      tpu.yield
    }) : () -> ()
    %add3A_35 = arith.constant 384 : i32
    %add3A_36 = arith.addi %mul3A_2, %add3A_35 : i32
    "tpu.region"() ({
      %run_scoped3A = tpu.sem_alloc : memref<!tpu.dma_semaphore, #tpu.memory_space<semaphore_mem>>
      %dma_start3A = arith.constant 0 : i32
      %dma_start3A_43 = arith.constant 0 : i32
      %dma_start3A_44 = tpu.memref_slice %arg11[%dma_start3A, %dma_start3A_43] : memref<128x128xf32, #tpu.memory_space<vmem>> -> memref<128x128xf32, #tpu.memory_space<vmem>>
      %dma_start3A_45 = arith.constant 0 : i32
      %dma_start3A_46 = tpu.memref_slice %arg13[%add3A_36, %dma_start3A_45] : memref<10112x128xf32, #tpu.memory_space<vmem_shared>> -> memref<128x128xf32, #tpu.memory_space<vmem_shared>>
      %dma_start3A_47 = arith.constant 0 : i32
      %dma_start3A_48 = arith.constant 0 : i32
      %dma_start3A_49 = tpu.memref_slice %arg11[%dma_start3A_47, %dma_start3A_48] : memref<128x128xf32, #tpu.memory_space<vmem>> -> memref<128x128xf32, #tpu.memory_space<vmem>>
      %dma_start3A_50 = arith.constant 0 : i32
      %dma_start3A_51 = tpu.memref_slice %arg13[%add3A_36, %dma_start3A_50] : memref<10112x128xf32, #tpu.memory_space<vmem_shared>> -> memref<128x128xf32, #tpu.memory_space<vmem_shared>>
      tpu.enqueue_dma source(%dma_start3A_51 : memref<128x128xf32, #tpu.memory_space<vmem_shared>>) target(%dma_start3A_49 : memref<128x128xf32, #tpu.memory_space<vmem>>) target_semaphore(%run_scoped3A : memref<!tpu.dma_semaphore, #tpu.memory_space<semaphore_mem>>)
      %dma_wait3A = arith.constant 0 : i32
      %dma_wait3A_52 = arith.constant 0 : i32
      %dma_wait3A_53 = tpu.memref_slice %arg11[%dma_wait3A, %dma_wait3A_52] : memref<128x128xf32, #tpu.memory_space<vmem>> -> memref<128x128xf32, #tpu.memory_space<vmem>>
      %dma_wait3A_54 = arith.constant 0 : i32
      %dma_wait3A_55 = tpu.memref_slice %arg13[%add3A_36, %dma_wait3A_54] : memref<10112x128xf32, #tpu.memory_space<vmem_shared>> -> memref<128x128xf32, #tpu.memory_space<vmem_shared>>
      %dma_wait3A_56 = arith.constant 0 : i32
      %dma_wait3A_57 = arith.constant 0 : i32
      %dma_wait3A_58 = tpu.memref_slice %arg11[%dma_wait3A_56, %dma_wait3A_57] : memref<128x128xf32, #tpu.memory_space<vmem>> -> memref<128x128xf32, #tpu.memory_space<vmem>>
      %dma_wait3A_59 = arith.constant 0 : i32
      %dma_wait3A_60 = tpu.memref_slice %arg13[%add3A_36, %dma_wait3A_59] : memref<10112x128xf32, #tpu.memory_space<vmem_shared>> -> memref<128x128xf32, #tpu.memory_space<vmem_shared>>
      tpu.wait_dma2 semaphore(%run_scoped3A : memref<!tpu.dma_semaphore, #tpu.memory_space<semaphore_mem>>) src(%dma_wait3A_60 : memref<128x128xf32, #tpu.memory_space<vmem_shared>>) dst(%dma_wait3A_58 : memref<128x128xf32, #tpu.memory_space<vmem>>)
      tpu.yield
    }) : () -> ()
    %add3A_37 = arith.constant 384 : i32
    %add3A_38 = arith.addi %add3A_22, %add3A_37 : i32
    "tpu.region"() ({
      %run_scoped3A = tpu.sem_alloc : memref<!tpu.dma_semaphore, #tpu.memory_space<semaphore_mem>>
      %dma_start3A = arith.constant 0 : i32
      %dma_start3A_43 = arith.constant 0 : i32
      %dma_start3A_44 = tpu.memref_slice %arg11[%dma_start3A, %dma_start3A_43] : memref<128x128xf32, #tpu.memory_space<vmem>> -> memref<128x128xf32, #tpu.memory_space<vmem>>
      %dma_start3A_45 = arith.constant 0 : i32
      %dma_start3A_46 = tpu.memref_slice %arg6[%add3A_38, %dma_start3A_45] : memref<20224x128xf32, #tpu.memory_space<hbm>> -> memref<128x128xf32, #tpu.memory_space<hbm>>
      %dma_start3A_47 = arith.constant 0 : i32
      %dma_start3A_48 = tpu.memref_slice %arg6[%add3A_38, %dma_start3A_47] : memref<20224x128xf32, #tpu.memory_space<hbm>> -> memref<128x128xf32, #tpu.memory_space<hbm>>
      %dma_start3A_49 = arith.constant 0 : i32
      %dma_start3A_50 = arith.constant 0 : i32
      %dma_start3A_51 = tpu.memref_slice %arg11[%dma_start3A_49, %dma_start3A_50] : memref<128x128xf32, #tpu.memory_space<vmem>> -> memref<128x128xf32, #tpu.memory_space<vmem>>
      tpu.enqueue_dma source(%dma_start3A_51 : memref<128x128xf32, #tpu.memory_space<vmem>>) target(%dma_start3A_48 : memref<128x128xf32, #tpu.memory_space<hbm>>) target_semaphore(%run_scoped3A : memref<!tpu.dma_semaphore, #tpu.memory_space<semaphore_mem>>)
      %dma_wait3A = arith.constant 0 : i32
      %dma_wait3A_52 = arith.constant 0 : i32
      %dma_wait3A_53 = tpu.memref_slice %arg11[%dma_wait3A, %dma_wait3A_52] : memref<128x128xf32, #tpu.memory_space<vmem>> -> memref<128x128xf32, #tpu.memory_space<vmem>>
      %dma_wait3A_54 = arith.constant 0 : i32
      %dma_wait3A_55 = tpu.memref_slice %arg6[%add3A_38, %dma_wait3A_54] : memref<20224x128xf32, #tpu.memory_space<hbm>> -> memref<128x128xf32, #tpu.memory_space<hbm>>
      %dma_wait3A_56 = arith.constant 0 : i32
      %dma_wait3A_57 = tpu.memref_slice %arg6[%add3A_38, %dma_wait3A_56] : memref<20224x128xf32, #tpu.memory_space<hbm>> -> memref<128x128xf32, #tpu.memory_space<hbm>>
      %dma_wait3A_58 = arith.constant 0 : i32
      %dma_wait3A_59 = arith.constant 0 : i32
      %dma_wait3A_60 = tpu.memref_slice %arg11[%dma_wait3A_58, %dma_wait3A_59] : memref<128x128xf32, #tpu.memory_space<vmem>> -> memref<128x128xf32, #tpu.memory_space<vmem>>
      tpu.wait_dma2 semaphore(%run_scoped3A : memref<!tpu.dma_semaphore, #tpu.memory_space<semaphore_mem>>) src(%dma_wait3A_60 : memref<128x128xf32, #tpu.memory_space<vmem>>) dst(%dma_wait3A_57 : memref<128x128xf32, #tpu.memory_space<hbm>>)
      tpu.yield
    }) : () -> ()
    %add3A_39 = arith.constant 512 : i32
    %add3A_40 = arith.addi %mul3A_2, %add3A_39 : i32
    "tpu.region"() ({
      %run_scoped3A = tpu.sem_alloc : memref<!tpu.dma_semaphore, #tpu.memory_space<semaphore_mem>>
      %dma_start3A = arith.constant 0 : i32
      %dma_start3A_43 = arith.constant 0 : i32
      %dma_start3A_44 = tpu.memref_slice %arg11[%dma_start3A, %dma_start3A_43] : memref<128x128xf32, #tpu.memory_space<vmem>> -> memref<120x128xf32, #tpu.memory_space<vmem>>
      %dma_start3A_45 = arith.constant 0 : i32
      %dma_start3A_46 = tpu.memref_slice %arg13[%add3A_40, %dma_start3A_45] : memref<10112x128xf32, #tpu.memory_space<vmem_shared>> -> memref<120x128xf32, #tpu.memory_space<vmem_shared>>
      %dma_start3A_47 = arith.constant 0 : i32
      %dma_start3A_48 = arith.constant 0 : i32
      %dma_start3A_49 = tpu.memref_slice %arg11[%dma_start3A_47, %dma_start3A_48] : memref<128x128xf32, #tpu.memory_space<vmem>> -> memref<120x128xf32, #tpu.memory_space<vmem>>
      %dma_start3A_50 = arith.constant 0 : i32
      %dma_start3A_51 = tpu.memref_slice %arg13[%add3A_40, %dma_start3A_50] : memref<10112x128xf32, #tpu.memory_space<vmem_shared>> -> memref<120x128xf32, #tpu.memory_space<vmem_shared>>
      tpu.enqueue_dma source(%dma_start3A_51 : memref<120x128xf32, #tpu.memory_space<vmem_shared>>) target(%dma_start3A_49 : memref<120x128xf32, #tpu.memory_space<vmem>>) target_semaphore(%run_scoped3A : memref<!tpu.dma_semaphore, #tpu.memory_space<semaphore_mem>>)
      %dma_wait3A = arith.constant 0 : i32
      %dma_wait3A_52 = arith.constant 0 : i32
      %dma_wait3A_53 = tpu.memref_slice %arg11[%dma_wait3A, %dma_wait3A_52] : memref<128x128xf32, #tpu.memory_space<vmem>> -> memref<120x128xf32, #tpu.memory_space<vmem>>
      %dma_wait3A_54 = arith.constant 0 : i32
      %dma_wait3A_55 = tpu.memref_slice %arg13[%add3A_40, %dma_wait3A_54] : memref<10112x128xf32, #tpu.memory_space<vmem_shared>> -> memref<120x128xf32, #tpu.memory_space<vmem_shared>>
      %dma_wait3A_56 = arith.constant 0 : i32
      %dma_wait3A_57 = arith.constant 0 : i32
      %dma_wait3A_58 = tpu.memref_slice %arg11[%dma_wait3A_56, %dma_wait3A_57] : memref<128x128xf32, #tpu.memory_space<vmem>> -> memref<120x128xf32, #tpu.memory_space<vmem>>
      %dma_wait3A_59 = arith.constant 0 : i32
      %dma_wait3A_60 = tpu.memref_slice %arg13[%add3A_40, %dma_wait3A_59] : memref<10112x128xf32, #tpu.memory_space<vmem_shared>> -> memref<120x128xf32, #tpu.memory_space<vmem_shared>>
      tpu.wait_dma2 semaphore(%run_scoped3A : memref<!tpu.dma_semaphore, #tpu.memory_space<semaphore_mem>>) src(%dma_wait3A_60 : memref<120x128xf32, #tpu.memory_space<vmem_shared>>) dst(%dma_wait3A_58 : memref<120x128xf32, #tpu.memory_space<vmem>>)
      tpu.yield
    }) : () -> ()
    %add3A_41 = arith.constant 512 : i32
    %add3A_42 = arith.addi %add3A_22, %add3A_41 : i32
    "tpu.region"() ({
      %run_scoped3A = tpu.sem_alloc : memref<!tpu.dma_semaphore, #tpu.memory_space<semaphore_mem>>
      %dma_start3A = arith.constant 0 : i32
      %dma_start3A_43 = arith.constant 0 : i32
      %dma_start3A_44 = tpu.memref_slice %arg11[%dma_start3A, %dma_start3A_43] : memref<128x128xf32, #tpu.memory_space<vmem>> -> memref<120x128xf32, #tpu.memory_space<vmem>>
      %dma_start3A_45 = arith.constant 0 : i32
      %dma_start3A_46 = tpu.memref_slice %arg6[%add3A_42, %dma_start3A_45] : memref<20224x128xf32, #tpu.memory_space<hbm>> -> memref<120x128xf32, #tpu.memory_space<hbm>>
      %dma_start3A_47 = arith.constant 0 : i32
      %dma_start3A_48 = tpu.memref_slice %arg6[%add3A_42, %dma_start3A_47] : memref<20224x128xf32, #tpu.memory_space<hbm>> -> memref<120x128xf32, #tpu.memory_space<hbm>>
      %dma_start3A_49 = arith.constant 0 : i32
      %dma_start3A_50 = arith.constant 0 : i32
      %dma_start3A_51 = tpu.memref_slice %arg11[%dma_start3A_49, %dma_start3A_50] : memref<128x128xf32, #tpu.memory_space<vmem>> -> memref<120x128xf32, #tpu.memory_space<vmem>>
      tpu.enqueue_dma source(%dma_start3A_51 : memref<120x128xf32, #tpu.memory_space<vmem>>) target(%dma_start3A_48 : memref<120x128xf32, #tpu.memory_space<hbm>>) target_semaphore(%run_scoped3A : memref<!tpu.dma_semaphore, #tpu.memory_space<semaphore_mem>>)
      %dma_wait3A = arith.constant 0 : i32
      %dma_wait3A_52 = arith.constant 0 : i32
      %dma_wait3A_53 = tpu.memref_slice %arg11[%dma_wait3A, %dma_wait3A_52] : memref<128x128xf32, #tpu.memory_space<vmem>> -> memref<120x128xf32, #tpu.memory_space<vmem>>
      %dma_wait3A_54 = arith.constant 0 : i32
      %dma_wait3A_55 = tpu.memref_slice %arg6[%add3A_42, %dma_wait3A_54] : memref<20224x128xf32, #tpu.memory_space<hbm>> -> memref<120x128xf32, #tpu.memory_space<hbm>>
      %dma_wait3A_56 = arith.constant 0 : i32
      %dma_wait3A_57 = tpu.memref_slice %arg6[%add3A_42, %dma_wait3A_56] : memref<20224x128xf32, #tpu.memory_space<hbm>> -> memref<120x128xf32, #tpu.memory_space<hbm>>
      %dma_wait3A_58 = arith.constant 0 : i32
      %dma_wait3A_59 = arith.constant 0 : i32
      %dma_wait3A_60 = tpu.memref_slice %arg11[%dma_wait3A_58, %dma_wait3A_59] : memref<128x128xf32, #tpu.memory_space<vmem>> -> memref<120x128xf32, #tpu.memory_space<vmem>>
      tpu.wait_dma2 semaphore(%run_scoped3A : memref<!tpu.dma_semaphore, #tpu.memory_space<semaphore_mem>>) src(%dma_wait3A_60 : memref<120x128xf32, #tpu.memory_space<vmem>>) dst(%dma_wait3A_57 : memref<120x128xf32, #tpu.memory_space<hbm>>)
      tpu.yield
    }) : () -> ()
    return
  }
}

#map = affine_map<(d0, d1) -> (0, 0)>
#map1 = affine_map<(d0, d1) -> (0)>
module attributes {stable_mosaic.version = 14 : i64} {
  func.func @_sums_body(%arg0: i32, %arg1: i32, %arg2: memref<10112x128xf32, #tpu.memory_space<hbm>>, %arg3: memref<320000xi32, #tpu.memory_space<hbm>>, %arg4: memref<320000xi32, #tpu.memory_space<hbm>>, %arg5: memref<128x128xf32, #tpu.memory_space<hbm>>, %arg6: memref<20224x128xf32, #tpu.memory_space<hbm>>, %arg7: memref<128xi32, #tpu.memory_space<vmem>>, %arg8: memref<128xi32, #tpu.memory_space<vmem>>, %arg9: memref<128xi32, #tpu.memory_space<vmem>>, %arg10: memref<128xi32, #tpu.memory_space<vmem>>, %arg11: memref<128x128xf32, #tpu.memory_space<vmem>>, %arg12: memref<128x128xf32, #tpu.memory_space<vmem>>, %arg13: memref<10112x128xf32, #tpu.memory_space<vmem_shared>>, %arg14: memref<!tpu.dma_semaphore, #tpu.memory_space<semaphore_mem>>, %arg15: memref<!tpu.dma_semaphore, #tpu.memory_space<semaphore_mem>>) attributes {dimension_semantics = [#tpu.dimension_semantics<core_parallel>, #tpu.dimension_semantics<subcore_parallel>], iteration_bounds = array<i64: 2, 16>, scalar_prefetch = 0 : i64, scratch_operands = 9 : i64, tpu.core_type = #tpu.core_type<sc_vector_subcore>, window_params = [{transform_indices = #map}, {transform_indices = #map1}, {transform_indices = #map1}, {transform_indices = #map}, {transform_indices = #map}]} {
    %mul3A = arith.constant 16 : i32
    %mul3A_0 = arith.muli %arg0, %mul3A : i32
    %add3A = arith.addi %mul3A_0, %arg1 : i32
    %mul3A_1 = arith.constant 632 : i32
    %mul3A_2 = arith.muli %arg1, %mul3A_1 : i32
    "tpu.region"() ({
      %run_scoped3A = tpu.sem_alloc : memref<!tpu.dma_semaphore, #tpu.memory_space<semaphore_mem>>
      tpu.enqueue_dma source(%arg5 : memref<128x128xf32, #tpu.memory_space<hbm>>) target(%arg11 : memref<128x128xf32, #tpu.memory_space<vmem>>) target_semaphore(%run_scoped3A : memref<!tpu.dma_semaphore, #tpu.memory_space<semaphore_mem>>)
      tpu.wait_dma2 semaphore(%run_scoped3A : memref<!tpu.dma_semaphore, #tpu.memory_space<semaphore_mem>>) src(%arg5 : memref<128x128xf32, #tpu.memory_space<hbm>>) dst(%arg11 : memref<128x128xf32, #tpu.memory_space<vmem>>)
      tpu.yield
    }) : () -> ()
    %add3A_3 = arith.constant 0 : i32
    %add3A_4 = arith.addi %mul3A_2, %add3A_3 : i32
    "tpu.region"() ({
      %run_scoped3A = tpu.sem_alloc : memref<!tpu.dma_semaphore, #tpu.memory_space<semaphore_mem>>
      %dma_start3A = arith.constant 0 : i32
      %dma_start3A_43 = arith.constant 0 : i32
      %dma_start3A_44 = tpu.memref_slice %arg11[%dma_start3A, %dma_start3A_43] : memref<128x128xf32, #tpu.memory_space<vmem>> -> memref<128x128xf32, #tpu.memory_space<vmem>>
      %dma_start3A_45 = arith.constant 0 : i32
      %dma_start3A_46 = tpu.memref_slice %arg13[%add3A_4, %dma_start3A_45] : memref<10112x128xf32, #tpu.memory_space<vmem_shared>> -> memref<128x128xf32, #tpu.memory_space<vmem_shared>>
      %dma_start3A_47 = arith.constant 0 : i32
      %dma_start3A_48 = tpu.memref_slice %arg13[%add3A_4, %dma_start3A_47] : memref<10112x128xf32, #tpu.memory_space<vmem_shared>> -> memref<128x128xf32, #tpu.memory_space<vmem_shared>>
      %dma_start3A_49 = arith.constant 0 : i32
      %dma_start3A_50 = arith.constant 0 : i32
      %dma_start3A_51 = tpu.memref_slice %arg11[%dma_start3A_49, %dma_start3A_50] : memref<128x128xf32, #tpu.memory_space<vmem>> -> memref<128x128xf32, #tpu.memory_space<vmem>>
      tpu.enqueue_dma source(%dma_start3A_51 : memref<128x128xf32, #tpu.memory_space<vmem>>) target(%dma_start3A_48 : memref<128x128xf32, #tpu.memory_space<vmem_shared>>) target_semaphore(%run_scoped3A : memref<!tpu.dma_semaphore, #tpu.memory_space<semaphore_mem>>)
      %dma_wait3A = arith.constant 0 : i32
      %dma_wait3A_52 = arith.constant 0 : i32
      %dma_wait3A_53 = tpu.memref_slice %arg11[%dma_wait3A, %dma_wait3A_52] : memref<128x128xf32, #tpu.memory_space<vmem>> -> memref<128x128xf32, #tpu.memory_space<vmem>>
      %dma_wait3A_54 = arith.constant 0 : i32
      %dma_wait3A_55 = tpu.memref_slice %arg13[%add3A_4, %dma_wait3A_54] : memref<10112x128xf32, #tpu.memory_space<vmem_shared>> -> memref<128x128xf32, #tpu.memory_space<vmem_shared>>
      %dma_wait3A_56 = arith.constant 0 : i32
      %dma_wait3A_57 = tpu.memref_slice %arg13[%add3A_4, %dma_wait3A_56] : memref<10112x128xf32, #tpu.memory_space<vmem_shared>> -> memref<128x128xf32, #tpu.memory_space<vmem_shared>>
      %dma_wait3A_58 = arith.constant 0 : i32
      %dma_wait3A_59 = arith.constant 0 : i32
      %dma_wait3A_60 = tpu.memref_slice %arg11[%dma_wait3A_58, %dma_wait3A_59] : memref<128x128xf32, #tpu.memory_space<vmem>> -> memref<128x128xf32, #tpu.memory_space<vmem>>
      tpu.wait_dma2 semaphore(%run_scoped3A : memref<!tpu.dma_semaphore, #tpu.memory_space<semaphore_mem>>) src(%dma_wait3A_60 : memref<128x128xf32, #tpu.memory_space<vmem>>) dst(%dma_wait3A_57 : memref<128x128xf32, #tpu.memory_space<vmem_shared>>)
      tpu.yield
    }) : () -> ()
    %add3A_5 = arith.constant 128 : i32
    %add3A_6 = arith.addi %mul3A_2, %add3A_5 : i32
    "tpu.region"() ({
      %run_scoped3A = tpu.sem_alloc : memref<!tpu.dma_semaphore, #tpu.memory_space<semaphore_mem>>
      %dma_start3A = arith.constant 0 : i32
      %dma_start3A_43 = arith.constant 0 : i32
      %dma_start3A_44 = tpu.memref_slice %arg11[%dma_start3A, %dma_start3A_43] : memref<128x128xf32, #tpu.memory_space<vmem>> -> memref<128x128xf32, #tpu.memory_space<vmem>>
      %dma_start3A_45 = arith.constant 0 : i32
      %dma_start3A_46 = tpu.memref_slice %arg13[%add3A_6, %dma_start3A_45] : memref<10112x128xf32, #tpu.memory_space<vmem_shared>> -> memref<128x128xf32, #tpu.memory_space<vmem_shared>>
      %dma_start3A_47 = arith.constant 0 : i32
      %dma_start3A_48 = tpu.memref_slice %arg13[%add3A_6, %dma_start3A_47] : memref<10112x128xf32, #tpu.memory_space<vmem_shared>> -> memref<128x128xf32, #tpu.memory_space<vmem_shared>>
      %dma_start3A_49 = arith.constant 0 : i32
      %dma_start3A_50 = arith.constant 0 : i32
      %dma_start3A_51 = tpu.memref_slice %arg11[%dma_start3A_49, %dma_start3A_50] : memref<128x128xf32, #tpu.memory_space<vmem>> -> memref<128x128xf32, #tpu.memory_space<vmem>>
      tpu.enqueue_dma source(%dma_start3A_51 : memref<128x128xf32, #tpu.memory_space<vmem>>) target(%dma_start3A_48 : memref<128x128xf32, #tpu.memory_space<vmem_shared>>) target_semaphore(%run_scoped3A : memref<!tpu.dma_semaphore, #tpu.memory_space<semaphore_mem>>)
      %dma_wait3A = arith.constant 0 : i32
      %dma_wait3A_52 = arith.constant 0 : i32
      %dma_wait3A_53 = tpu.memref_slice %arg11[%dma_wait3A, %dma_wait3A_52] : memref<128x128xf32, #tpu.memory_space<vmem>> -> memref<128x128xf32, #tpu.memory_space<vmem>>
      %dma_wait3A_54 = arith.constant 0 : i32
      %dma_wait3A_55 = tpu.memref_slice %arg13[%add3A_6, %dma_wait3A_54] : memref<10112x128xf32, #tpu.memory_space<vmem_shared>> -> memref<128x128xf32, #tpu.memory_space<vmem_shared>>
      %dma_wait3A_56 = arith.constant 0 : i32
      %dma_wait3A_57 = tpu.memref_slice %arg13[%add3A_6, %dma_wait3A_56] : memref<10112x128xf32, #tpu.memory_space<vmem_shared>> -> memref<128x128xf32, #tpu.memory_space<vmem_shared>>
      %dma_wait3A_58 = arith.constant 0 : i32
      %dma_wait3A_59 = arith.constant 0 : i32
      %dma_wait3A_60 = tpu.memref_slice %arg11[%dma_wait3A_58, %dma_wait3A_59] : memref<128x128xf32, #tpu.memory_space<vmem>> -> memref<128x128xf32, #tpu.memory_space<vmem>>
      tpu.wait_dma2 semaphore(%run_scoped3A : memref<!tpu.dma_semaphore, #tpu.memory_space<semaphore_mem>>) src(%dma_wait3A_60 : memref<128x128xf32, #tpu.memory_space<vmem>>) dst(%dma_wait3A_57 : memref<128x128xf32, #tpu.memory_space<vmem_shared>>)
      tpu.yield
    }) : () -> ()
    %add3A_7 = arith.constant 256 : i32
    %add3A_8 = arith.addi %mul3A_2, %add3A_7 : i32
    "tpu.region"() ({
      %run_scoped3A = tpu.sem_alloc : memref<!tpu.dma_semaphore, #tpu.memory_space<semaphore_mem>>
      %dma_start3A = arith.constant 0 : i32
      %dma_start3A_43 = arith.constant 0 : i32
      %dma_start3A_44 = tpu.memref_slice %arg11[%dma_start3A, %dma_start3A_43] : memref<128x128xf32, #tpu.memory_space<vmem>> -> memref<128x128xf32, #tpu.memory_space<vmem>>
      %dma_start3A_45 = arith.constant 0 : i32
      %dma_start3A_46 = tpu.memref_slice %arg13[%add3A_8, %dma_start3A_45] : memref<10112x128xf32, #tpu.memory_space<vmem_shared>> -> memref<128x128xf32, #tpu.memory_space<vmem_shared>>
      %dma_start3A_47 = arith.constant 0 : i32
      %dma_start3A_48 = tpu.memref_slice %arg13[%add3A_8, %dma_start3A_47] : memref<10112x128xf32, #tpu.memory_space<vmem_shared>> -> memref<128x128xf32, #tpu.memory_space<vmem_shared>>
      %dma_start3A_49 = arith.constant 0 : i32
      %dma_start3A_50 = arith.constant 0 : i32
      %dma_start3A_51 = tpu.memref_slice %arg11[%dma_start3A_49, %dma_start3A_50] : memref<128x128xf32, #tpu.memory_space<vmem>> -> memref<128x128xf32, #tpu.memory_space<vmem>>
      tpu.enqueue_dma source(%dma_start3A_51 : memref<128x128xf32, #tpu.memory_space<vmem>>) target(%dma_start3A_48 : memref<128x128xf32, #tpu.memory_space<vmem_shared>>) target_semaphore(%run_scoped3A : memref<!tpu.dma_semaphore, #tpu.memory_space<semaphore_mem>>)
      %dma_wait3A = arith.constant 0 : i32
      %dma_wait3A_52 = arith.constant 0 : i32
      %dma_wait3A_53 = tpu.memref_slice %arg11[%dma_wait3A, %dma_wait3A_52] : memref<128x128xf32, #tpu.memory_space<vmem>> -> memref<128x128xf32, #tpu.memory_space<vmem>>
      %dma_wait3A_54 = arith.constant 0 : i32
      %dma_wait3A_55 = tpu.memref_slice %arg13[%add3A_8, %dma_wait3A_54] : memref<10112x128xf32, #tpu.memory_space<vmem_shared>> -> memref<128x128xf32, #tpu.memory_space<vmem_shared>>
      %dma_wait3A_56 = arith.constant 0 : i32
      %dma_wait3A_57 = tpu.memref_slice %arg13[%add3A_8, %dma_wait3A_56] : memref<10112x128xf32, #tpu.memory_space<vmem_shared>> -> memref<128x128xf32, #tpu.memory_space<vmem_shared>>
      %dma_wait3A_58 = arith.constant 0 : i32
      %dma_wait3A_59 = arith.constant 0 : i32
      %dma_wait3A_60 = tpu.memref_slice %arg11[%dma_wait3A_58, %dma_wait3A_59] : memref<128x128xf32, #tpu.memory_space<vmem>> -> memref<128x128xf32, #tpu.memory_space<vmem>>
      tpu.wait_dma2 semaphore(%run_scoped3A : memref<!tpu.dma_semaphore, #tpu.memory_space<semaphore_mem>>) src(%dma_wait3A_60 : memref<128x128xf32, #tpu.memory_space<vmem>>) dst(%dma_wait3A_57 : memref<128x128xf32, #tpu.memory_space<vmem_shared>>)
      tpu.yield
    }) : () -> ()
    %add3A_9 = arith.constant 384 : i32
    %add3A_10 = arith.addi %mul3A_2, %add3A_9 : i32
    "tpu.region"() ({
      %run_scoped3A = tpu.sem_alloc : memref<!tpu.dma_semaphore, #tpu.memory_space<semaphore_mem>>
      %dma_start3A = arith.constant 0 : i32
      %dma_start3A_43 = arith.constant 0 : i32
      %dma_start3A_44 = tpu.memref_slice %arg11[%dma_start3A, %dma_start3A_43] : memref<128x128xf32, #tpu.memory_space<vmem>> -> memref<128x128xf32, #tpu.memory_space<vmem>>
      %dma_start3A_45 = arith.constant 0 : i32
      %dma_start3A_46 = tpu.memref_slice %arg13[%add3A_10, %dma_start3A_45] : memref<10112x128xf32, #tpu.memory_space<vmem_shared>> -> memref<128x128xf32, #tpu.memory_space<vmem_shared>>
      %dma_start3A_47 = arith.constant 0 : i32
      %dma_start3A_48 = tpu.memref_slice %arg13[%add3A_10, %dma_start3A_47] : memref<10112x128xf32, #tpu.memory_space<vmem_shared>> -> memref<128x128xf32, #tpu.memory_space<vmem_shared>>
      %dma_start3A_49 = arith.constant 0 : i32
      %dma_start3A_50 = arith.constant 0 : i32
      %dma_start3A_51 = tpu.memref_slice %arg11[%dma_start3A_49, %dma_start3A_50] : memref<128x128xf32, #tpu.memory_space<vmem>> -> memref<128x128xf32, #tpu.memory_space<vmem>>
      tpu.enqueue_dma source(%dma_start3A_51 : memref<128x128xf32, #tpu.memory_space<vmem>>) target(%dma_start3A_48 : memref<128x128xf32, #tpu.memory_space<vmem_shared>>) target_semaphore(%run_scoped3A : memref<!tpu.dma_semaphore, #tpu.memory_space<semaphore_mem>>)
      %dma_wait3A = arith.constant 0 : i32
      %dma_wait3A_52 = arith.constant 0 : i32
      %dma_wait3A_53 = tpu.memref_slice %arg11[%dma_wait3A, %dma_wait3A_52] : memref<128x128xf32, #tpu.memory_space<vmem>> -> memref<128x128xf32, #tpu.memory_space<vmem>>
      %dma_wait3A_54 = arith.constant 0 : i32
      %dma_wait3A_55 = tpu.memref_slice %arg13[%add3A_10, %dma_wait3A_54] : memref<10112x128xf32, #tpu.memory_space<vmem_shared>> -> memref<128x128xf32, #tpu.memory_space<vmem_shared>>
      %dma_wait3A_56 = arith.constant 0 : i32
      %dma_wait3A_57 = tpu.memref_slice %arg13[%add3A_10, %dma_wait3A_56] : memref<10112x128xf32, #tpu.memory_space<vmem_shared>> -> memref<128x128xf32, #tpu.memory_space<vmem_shared>>
      %dma_wait3A_58 = arith.constant 0 : i32
      %dma_wait3A_59 = arith.constant 0 : i32
      %dma_wait3A_60 = tpu.memref_slice %arg11[%dma_wait3A_58, %dma_wait3A_59] : memref<128x128xf32, #tpu.memory_space<vmem>> -> memref<128x128xf32, #tpu.memory_space<vmem>>
      tpu.wait_dma2 semaphore(%run_scoped3A : memref<!tpu.dma_semaphore, #tpu.memory_space<semaphore_mem>>) src(%dma_wait3A_60 : memref<128x128xf32, #tpu.memory_space<vmem>>) dst(%dma_wait3A_57 : memref<128x128xf32, #tpu.memory_space<vmem_shared>>)
      tpu.yield
    }) : () -> ()
    %add3A_11 = arith.constant 512 : i32
    %add3A_12 = arith.addi %mul3A_2, %add3A_11 : i32
    "tpu.region"() ({
      %run_scoped3A = tpu.sem_alloc : memref<!tpu.dma_semaphore, #tpu.memory_space<semaphore_mem>>
      %dma_start3A = arith.constant 0 : i32
      %dma_start3A_43 = arith.constant 0 : i32
      %dma_start3A_44 = tpu.memref_slice %arg11[%dma_start3A, %dma_start3A_43] : memref<128x128xf32, #tpu.memory_space<vmem>> -> memref<120x128xf32, #tpu.memory_space<vmem>>
      %dma_start3A_45 = arith.constant 0 : i32
      %dma_start3A_46 = tpu.memref_slice %arg13[%add3A_12, %dma_start3A_45] : memref<10112x128xf32, #tpu.memory_space<vmem_shared>> -> memref<120x128xf32, #tpu.memory_space<vmem_shared>>
      %dma_start3A_47 = arith.constant 0 : i32
      %dma_start3A_48 = tpu.memref_slice %arg13[%add3A_12, %dma_start3A_47] : memref<10112x128xf32, #tpu.memory_space<vmem_shared>> -> memref<120x128xf32, #tpu.memory_space<vmem_shared>>
      %dma_start3A_49 = arith.constant 0 : i32
      %dma_start3A_50 = arith.constant 0 : i32
      %dma_start3A_51 = tpu.memref_slice %arg11[%dma_start3A_49, %dma_start3A_50] : memref<128x128xf32, #tpu.memory_space<vmem>> -> memref<120x128xf32, #tpu.memory_space<vmem>>
      tpu.enqueue_dma source(%dma_start3A_51 : memref<120x128xf32, #tpu.memory_space<vmem>>) target(%dma_start3A_48 : memref<120x128xf32, #tpu.memory_space<vmem_shared>>) target_semaphore(%run_scoped3A : memref<!tpu.dma_semaphore, #tpu.memory_space<semaphore_mem>>)
      %dma_wait3A = arith.constant 0 : i32
      %dma_wait3A_52 = arith.constant 0 : i32
      %dma_wait3A_53 = tpu.memref_slice %arg11[%dma_wait3A, %dma_wait3A_52] : memref<128x128xf32, #tpu.memory_space<vmem>> -> memref<120x128xf32, #tpu.memory_space<vmem>>
      %dma_wait3A_54 = arith.constant 0 : i32
      %dma_wait3A_55 = tpu.memref_slice %arg13[%add3A_12, %dma_wait3A_54] : memref<10112x128xf32, #tpu.memory_space<vmem_shared>> -> memref<120x128xf32, #tpu.memory_space<vmem_shared>>
      %dma_wait3A_56 = arith.constant 0 : i32
      %dma_wait3A_57 = tpu.memref_slice %arg13[%add3A_12, %dma_wait3A_56] : memref<10112x128xf32, #tpu.memory_space<vmem_shared>> -> memref<120x128xf32, #tpu.memory_space<vmem_shared>>
      %dma_wait3A_58 = arith.constant 0 : i32
      %dma_wait3A_59 = arith.constant 0 : i32
      %dma_wait3A_60 = tpu.memref_slice %arg11[%dma_wait3A_58, %dma_wait3A_59] : memref<128x128xf32, #tpu.memory_space<vmem>> -> memref<120x128xf32, #tpu.memory_space<vmem>>
      tpu.wait_dma2 semaphore(%run_scoped3A : memref<!tpu.dma_semaphore, #tpu.memory_space<semaphore_mem>>) src(%dma_wait3A_60 : memref<120x128xf32, #tpu.memory_space<vmem>>) dst(%dma_wait3A_57 : memref<120x128xf32, #tpu.memory_space<vmem_shared>>)
      tpu.yield
    }) : () -> ()
    %barrier3A = arith.constant 0 : index
    tpu.barrier barrier_id(%barrier3A)
    %scan3A = arith.constant 0 : i32
    %scan3A_13 = arith.constant 39 : i32
    %scan3A_14 = arith.addi %scan3A, %scan3A_13 : i32
    %scan3A_15 = arith.constant 1 : i32
    scf.for %scan3A_43 = %scan3A to %scan3A_14 step %scan3A_15  : i32 {
      %mul3A_44 = arith.constant 1 : i32
      %mul3A_45 = arith.muli %scan3A_43, %mul3A_44 : i32
      %add3A_46 = arith.constant 0 : i32
      %add3A_47 = arith.addi %add3A_46, %mul3A_45 : i32
      %mul3A_48 = arith.constant 2 : i32
      %mul3A_49 = arith.muli %add3A_47, %mul3A_48 : i32
      %mul3A_50 = arith.constant 32 : i32
      %mul3A_51 = arith.muli %mul3A_49, %mul3A_50 : i32
      %add3A_52 = arith.addi %add3A, %mul3A_51 : i32
      %mul3A_53 = arith.constant 128 : i32
      %mul3A_54 = arith.muli %add3A_52, %mul3A_53 : i32
      "tpu.region"() ({
        %run_scoped3A = tpu.sem_alloc : memref<!tpu.dma_semaphore, #tpu.memory_space<semaphore_mem>>
        %dma_start3A_69 = tpu.memref_slice %arg3[%mul3A_54] : memref<320000xi32, #tpu.memory_space<hbm>> -> memref<128xi32, #tpu.memory_space<hbm>>
        %dma_start3A_70 = tpu.memref_slice %arg3[%mul3A_54] : memref<320000xi32, #tpu.memory_space<hbm>> -> memref<128xi32, #tpu.memory_space<hbm>>
        tpu.enqueue_dma source(%dma_start3A_70 : memref<128xi32, #tpu.memory_space<hbm>>) target(%arg7 : memref<128xi32, #tpu.memory_space<vmem>>) target_semaphore(%run_scoped3A : memref<!tpu.dma_semaphore, #tpu.memory_space<semaphore_mem>>)
        %dma_wait3A_71 = tpu.memref_slice %arg3[%mul3A_54] : memref<320000xi32, #tpu.memory_space<hbm>> -> memref<128xi32, #tpu.memory_space<hbm>>
        %dma_wait3A_72 = tpu.memref_slice %arg3[%mul3A_54] : memref<320000xi32, #tpu.memory_space<hbm>> -> memref<128xi32, #tpu.memory_space<hbm>>
        tpu.wait_dma2 semaphore(%run_scoped3A : memref<!tpu.dma_semaphore, #tpu.memory_space<semaphore_mem>>) src(%dma_wait3A_72 : memref<128xi32, #tpu.memory_space<hbm>>) dst(%arg7 : memref<128xi32, #tpu.memory_space<vmem>>)
        tpu.yield
      }) : () -> ()
      %dma_start3A = arith.constant 0 : i32
      %dma_start3A_55 = arith.constant 0 : i32
      %dma_start3A_56 = tpu.memref_slice %arg2[%dma_start3A, %dma_start3A_55] : memref<10112x128xf32, #tpu.memory_space<hbm>> -> memref<10112x128xf32, #tpu.memory_space<hbm>>
      tpu.enqueue_indirect_dma source(%dma_start3A_56 : memref<10112x128xf32, #tpu.memory_space<hbm>>) target(%arg11 : memref<128x128xf32, #tpu.memory_space<vmem>>) offsets(%arg7 : memref<128xi32, #tpu.memory_space<vmem>>) semaphore(%arg14 : memref<!tpu.dma_semaphore, #tpu.memory_space<semaphore_mem>>)
      %add3A_57 = arith.constant 4096 : i32
      %add3A_58 = arith.addi %mul3A_54, %add3A_57 : i32
      "tpu.region"() ({
        %run_scoped3A = tpu.sem_alloc : memref<!tpu.dma_semaphore, #tpu.memory_space<semaphore_mem>>
        %dma_start3A_69 = tpu.memref_slice %arg3[%add3A_58] : memref<320000xi32, #tpu.memory_space<hbm>> -> memref<128xi32, #tpu.memory_space<hbm>>
        %dma_start3A_70 = tpu.memref_slice %arg3[%add3A_58] : memref<320000xi32, #tpu.memory_space<hbm>> -> memref<128xi32, #tpu.memory_space<hbm>>
        tpu.enqueue_dma source(%dma_start3A_70 : memref<128xi32, #tpu.memory_space<hbm>>) target(%arg8 : memref<128xi32, #tpu.memory_space<vmem>>) target_semaphore(%run_scoped3A : memref<!tpu.dma_semaphore, #tpu.memory_space<semaphore_mem>>)
        %dma_wait3A_71 = tpu.memref_slice %arg3[%add3A_58] : memref<320000xi32, #tpu.memory_space<hbm>> -> memref<128xi32, #tpu.memory_space<hbm>>
        %dma_wait3A_72 = tpu.memref_slice %arg3[%add3A_58] : memref<320000xi32, #tpu.memory_space<hbm>> -> memref<128xi32, #tpu.memory_space<hbm>>
        tpu.wait_dma2 semaphore(%run_scoped3A : memref<!tpu.dma_semaphore, #tpu.memory_space<semaphore_mem>>) src(%dma_wait3A_72 : memref<128xi32, #tpu.memory_space<hbm>>) dst(%arg8 : memref<128xi32, #tpu.memory_space<vmem>>)
        tpu.yield
      }) : () -> ()
      %dma_start3A_59 = arith.constant 0 : i32
      %dma_start3A_60 = arith.constant 0 : i32
      %dma_start3A_61 = tpu.memref_slice %arg2[%dma_start3A_59, %dma_start3A_60] : memref<10112x128xf32, #tpu.memory_space<hbm>> -> memref<10112x128xf32, #tpu.memory_space<hbm>>
      tpu.enqueue_indirect_dma source(%dma_start3A_61 : memref<10112x128xf32, #tpu.memory_space<hbm>>) target(%arg12 : memref<128x128xf32, #tpu.memory_space<vmem>>) offsets(%arg8 : memref<128xi32, #tpu.memory_space<vmem>>) semaphore(%arg15 : memref<!tpu.dma_semaphore, #tpu.memory_space<semaphore_mem>>)
      "tpu.region"() ({
        %run_scoped3A = tpu.sem_alloc : memref<!tpu.dma_semaphore, #tpu.memory_space<semaphore_mem>>
        %dma_start3A_69 = tpu.memref_slice %arg4[%mul3A_54] : memref<320000xi32, #tpu.memory_space<hbm>> -> memref<128xi32, #tpu.memory_space<hbm>>
        %dma_start3A_70 = tpu.memref_slice %arg4[%mul3A_54] : memref<320000xi32, #tpu.memory_space<hbm>> -> memref<128xi32, #tpu.memory_space<hbm>>
        tpu.enqueue_dma source(%dma_start3A_70 : memref<128xi32, #tpu.memory_space<hbm>>) target(%arg9 : memref<128xi32, #tpu.memory_space<vmem>>) target_semaphore(%run_scoped3A : memref<!tpu.dma_semaphore, #tpu.memory_space<semaphore_mem>>)
        %dma_wait3A_71 = tpu.memref_slice %arg4[%mul3A_54] : memref<320000xi32, #tpu.memory_space<hbm>> -> memref<128xi32, #tpu.memory_space<hbm>>
        %dma_wait3A_72 = tpu.memref_slice %arg4[%mul3A_54] : memref<320000xi32, #tpu.memory_space<hbm>> -> memref<128xi32, #tpu.memory_space<hbm>>
        tpu.wait_dma2 semaphore(%run_scoped3A : memref<!tpu.dma_semaphore, #tpu.memory_space<semaphore_mem>>) src(%dma_wait3A_72 : memref<128xi32, #tpu.memory_space<hbm>>) dst(%arg9 : memref<128xi32, #tpu.memory_space<vmem>>)
        tpu.yield
      }) : () -> ()
      %add3A_62 = arith.constant 4096 : i32
      %add3A_63 = arith.addi %mul3A_54, %add3A_62 : i32
      "tpu.region"() ({
        %run_scoped3A = tpu.sem_alloc : memref<!tpu.dma_semaphore, #tpu.memory_space<semaphore_mem>>
        %dma_start3A_69 = tpu.memref_slice %arg4[%add3A_63] : memref<320000xi32, #tpu.memory_space<hbm>> -> memref<128xi32, #tpu.memory_space<hbm>>
        %dma_start3A_70 = tpu.memref_slice %arg4[%add3A_63] : memref<320000xi32, #tpu.memory_space<hbm>> -> memref<128xi32, #tpu.memory_space<hbm>>
        tpu.enqueue_dma source(%dma_start3A_70 : memref<128xi32, #tpu.memory_space<hbm>>) target(%arg10 : memref<128xi32, #tpu.memory_space<vmem>>) target_semaphore(%run_scoped3A : memref<!tpu.dma_semaphore, #tpu.memory_space<semaphore_mem>>)
        %dma_wait3A_71 = tpu.memref_slice %arg4[%add3A_63] : memref<320000xi32, #tpu.memory_space<hbm>> -> memref<128xi32, #tpu.memory_space<hbm>>
        %dma_wait3A_72 = tpu.memref_slice %arg4[%add3A_63] : memref<320000xi32, #tpu.memory_space<hbm>> -> memref<128xi32, #tpu.memory_space<hbm>>
        tpu.wait_dma2 semaphore(%run_scoped3A : memref<!tpu.dma_semaphore, #tpu.memory_space<semaphore_mem>>) src(%dma_wait3A_72 : memref<128xi32, #tpu.memory_space<hbm>>) dst(%arg10 : memref<128xi32, #tpu.memory_space<vmem>>)
        tpu.yield
      }) : () -> ()
      %dma_wait3A = arith.constant 0 : i32
      %dma_wait3A_64 = arith.constant 0 : i32
      %dma_wait3A_65 = tpu.memref_slice %arg2[%dma_wait3A, %dma_wait3A_64] : memref<10112x128xf32, #tpu.memory_space<hbm>> -> memref<10112x128xf32, #tpu.memory_space<hbm>>
      tpu.wait_indirect_dma semaphore(%arg14 : memref<!tpu.dma_semaphore, #tpu.memory_space<semaphore_mem>>) src(%dma_wait3A_65 : memref<10112x128xf32, #tpu.memory_space<hbm>>) dst(%arg11 : memref<128x128xf32, #tpu.memory_space<vmem>>)
      "tpu.region"() ({
        %run_scoped3A = tpu.sem_alloc : memref<!tpu.dma_semaphore, #tpu.memory_space<semaphore_mem>>
        %dma_start3A_69 = arith.constant 0 : i32
        %dma_start3A_70 = arith.constant 0 : i32
        %dma_start3A_71 = tpu.memref_slice %arg13[%dma_start3A_69, %dma_start3A_70] : memref<10112x128xf32, #tpu.memory_space<vmem_shared>> -> memref<10112x128xf32, #tpu.memory_space<vmem_shared>>
        tpu.enqueue_indirect_dma source(%arg11 : memref<128x128xf32, #tpu.memory_space<vmem>>) target(%dma_start3A_71 : memref<10112x128xf32, #tpu.memory_space<vmem_shared>>) offsets(%arg9 : memref<128xi32, #tpu.memory_space<vmem>>) semaphore(%run_scoped3A : memref<!tpu.dma_semaphore, #tpu.memory_space<semaphore_mem>>) {add = true}
        %dma_wait3A_72 = arith.constant 0 : i32
        %dma_wait3A_73 = arith.constant 0 : i32
        %dma_wait3A_74 = tpu.memref_slice %arg13[%dma_wait3A_72, %dma_wait3A_73] : memref<10112x128xf32, #tpu.memory_space<vmem_shared>> -> memref<10112x128xf32, #tpu.memory_space<vmem_shared>>
        tpu.wait_indirect_dma semaphore(%run_scoped3A : memref<!tpu.dma_semaphore, #tpu.memory_space<semaphore_mem>>) src(%arg11 : memref<128x128xf32, #tpu.memory_space<vmem>>) dst(%dma_wait3A_74 : memref<10112x128xf32, #tpu.memory_space<vmem_shared>>)
        tpu.yield
      }) : () -> ()
      %dma_wait3A_66 = arith.constant 0 : i32
      %dma_wait3A_67 = arith.constant 0 : i32
      %dma_wait3A_68 = tpu.memref_slice %arg2[%dma_wait3A_66, %dma_wait3A_67] : memref<10112x128xf32, #tpu.memory_space<hbm>> -> memref<10112x128xf32, #tpu.memory_space<hbm>>
      tpu.wait_indirect_dma semaphore(%arg15 : memref<!tpu.dma_semaphore, #tpu.memory_space<semaphore_mem>>) src(%dma_wait3A_68 : memref<10112x128xf32, #tpu.memory_space<hbm>>) dst(%arg12 : memref<128x128xf32, #tpu.memory_space<vmem>>)
      "tpu.region"() ({
        %run_scoped3A = tpu.sem_alloc : memref<!tpu.dma_semaphore, #tpu.memory_space<semaphore_mem>>
        %dma_start3A_69 = arith.constant 0 : i32
        %dma_start3A_70 = arith.constant 0 : i32
        %dma_start3A_71 = tpu.memref_slice %arg13[%dma_start3A_69, %dma_start3A_70] : memref<10112x128xf32, #tpu.memory_space<vmem_shared>> -> memref<10112x128xf32, #tpu.memory_space<vmem_shared>>
        tpu.enqueue_indirect_dma source(%arg12 : memref<128x128xf32, #tpu.memory_space<vmem>>) target(%dma_start3A_71 : memref<10112x128xf32, #tpu.memory_space<vmem_shared>>) offsets(%arg10 : memref<128xi32, #tpu.memory_space<vmem>>) semaphore(%run_scoped3A : memref<!tpu.dma_semaphore, #tpu.memory_space<semaphore_mem>>) {add = true}
        %dma_wait3A_72 = arith.constant 0 : i32
        %dma_wait3A_73 = arith.constant 0 : i32
        %dma_wait3A_74 = tpu.memref_slice %arg13[%dma_wait3A_72, %dma_wait3A_73] : memref<10112x128xf32, #tpu.memory_space<vmem_shared>> -> memref<10112x128xf32, #tpu.memory_space<vmem_shared>>
        tpu.wait_indirect_dma semaphore(%run_scoped3A : memref<!tpu.dma_semaphore, #tpu.memory_space<semaphore_mem>>) src(%arg12 : memref<128x128xf32, #tpu.memory_space<vmem>>) dst(%dma_wait3A_74 : memref<10112x128xf32, #tpu.memory_space<vmem_shared>>)
        tpu.yield
      }) : () -> ()
    }
    %scan3A_16 = arith.constant 39 : i32
    %lt3A = arith.constant 4 : i32
    %lt3A_17 = arith.cmpi slt, %add3A, %lt3A : i32
    %convert_element_type3A = arith.extui %lt3A_17 : i1 to i32
    %cond3A = arith.constant 0 : i32
    %cond3A_18 = arith.cmpi ne, %convert_element_type3A, %cond3A : i32
    scf.if %cond3A_18 {
      %add3A_43 = arith.constant 2496 : i32
      %add3A_44 = arith.addi %add3A, %add3A_43 : i32
      %mul3A_45 = arith.constant 128 : i32
      %mul3A_46 = arith.muli %add3A_44, %mul3A_45 : i32
      "tpu.region"() ({
        %run_scoped3A = tpu.sem_alloc : memref<!tpu.dma_semaphore, #tpu.memory_space<semaphore_mem>>
        %dma_start3A_51 = tpu.memref_slice %arg3[%mul3A_46] : memref<320000xi32, #tpu.memory_space<hbm>> -> memref<128xi32, #tpu.memory_space<hbm>>
        %dma_start3A_52 = tpu.memref_slice %arg3[%mul3A_46] : memref<320000xi32, #tpu.memory_space<hbm>> -> memref<128xi32, #tpu.memory_space<hbm>>
        tpu.enqueue_dma source(%dma_start3A_52 : memref<128xi32, #tpu.memory_space<hbm>>) target(%arg7 : memref<128xi32, #tpu.memory_space<vmem>>) target_semaphore(%run_scoped3A : memref<!tpu.dma_semaphore, #tpu.memory_space<semaphore_mem>>)
        %dma_wait3A_53 = tpu.memref_slice %arg3[%mul3A_46] : memref<320000xi32, #tpu.memory_space<hbm>> -> memref<128xi32, #tpu.memory_space<hbm>>
        %dma_wait3A_54 = tpu.memref_slice %arg3[%mul3A_46] : memref<320000xi32, #tpu.memory_space<hbm>> -> memref<128xi32, #tpu.memory_space<hbm>>
        tpu.wait_dma2 semaphore(%run_scoped3A : memref<!tpu.dma_semaphore, #tpu.memory_space<semaphore_mem>>) src(%dma_wait3A_54 : memref<128xi32, #tpu.memory_space<hbm>>) dst(%arg7 : memref<128xi32, #tpu.memory_space<vmem>>)
        tpu.yield
      }) : () -> ()
      %dma_start3A = arith.constant 0 : i32
      %dma_start3A_47 = arith.constant 0 : i32
      %dma_start3A_48 = tpu.memref_slice %arg2[%dma_start3A, %dma_start3A_47] : memref<10112x128xf32, #tpu.memory_space<hbm>> -> memref<10112x128xf32, #tpu.memory_space<hbm>>
      tpu.enqueue_indirect_dma source(%dma_start3A_48 : memref<10112x128xf32, #tpu.memory_space<hbm>>) target(%arg11 : memref<128x128xf32, #tpu.memory_space<vmem>>) offsets(%arg7 : memref<128xi32, #tpu.memory_space<vmem>>) semaphore(%arg14 : memref<!tpu.dma_semaphore, #tpu.memory_space<semaphore_mem>>)
      "tpu.region"() ({
        %run_scoped3A = tpu.sem_alloc : memref<!tpu.dma_semaphore, #tpu.memory_space<semaphore_mem>>
        %dma_start3A_51 = tpu.memref_slice %arg4[%mul3A_46] : memref<320000xi32, #tpu.memory_space<hbm>> -> memref<128xi32, #tpu.memory_space<hbm>>
        %dma_start3A_52 = tpu.memref_slice %arg4[%mul3A_46] : memref<320000xi32, #tpu.memory_space<hbm>> -> memref<128xi32, #tpu.memory_space<hbm>>
        tpu.enqueue_dma source(%dma_start3A_52 : memref<128xi32, #tpu.memory_space<hbm>>) target(%arg9 : memref<128xi32, #tpu.memory_space<vmem>>) target_semaphore(%run_scoped3A : memref<!tpu.dma_semaphore, #tpu.memory_space<semaphore_mem>>)
        %dma_wait3A_53 = tpu.memref_slice %arg4[%mul3A_46] : memref<320000xi32, #tpu.memory_space<hbm>> -> memref<128xi32, #tpu.memory_space<hbm>>
        %dma_wait3A_54 = tpu.memref_slice %arg4[%mul3A_46] : memref<320000xi32, #tpu.memory_space<hbm>> -> memref<128xi32, #tpu.memory_space<hbm>>
        tpu.wait_dma2 semaphore(%run_scoped3A : memref<!tpu.dma_semaphore, #tpu.memory_space<semaphore_mem>>) src(%dma_wait3A_54 : memref<128xi32, #tpu.memory_space<hbm>>) dst(%arg9 : memref<128xi32, #tpu.memory_space<vmem>>)
        tpu.yield
      }) : () -> ()
      %dma_wait3A = arith.constant 0 : i32
      %dma_wait3A_49 = arith.constant 0 : i32
      %dma_wait3A_50 = tpu.memref_slice %arg2[%dma_wait3A, %dma_wait3A_49] : memref<10112x128xf32, #tpu.memory_space<hbm>> -> memref<10112x128xf32, #tpu.memory_space<hbm>>
      tpu.wait_indirect_dma semaphore(%arg14 : memref<!tpu.dma_semaphore, #tpu.memory_space<semaphore_mem>>) src(%dma_wait3A_50 : memref<10112x128xf32, #tpu.memory_space<hbm>>) dst(%arg11 : memref<128x128xf32, #tpu.memory_space<vmem>>)
      "tpu.region"() ({
        %run_scoped3A = tpu.sem_alloc : memref<!tpu.dma_semaphore, #tpu.memory_space<semaphore_mem>>
        %dma_start3A_51 = arith.constant 0 : i32
        %dma_start3A_52 = arith.constant 0 : i32
        %dma_start3A_53 = tpu.memref_slice %arg13[%dma_start3A_51, %dma_start3A_52] : memref<10112x128xf32, #tpu.memory_space<vmem_shared>> -> memref<10112x128xf32, #tpu.memory_space<vmem_shared>>
        tpu.enqueue_indirect_dma source(%arg11 : memref<128x128xf32, #tpu.memory_space<vmem>>) target(%dma_start3A_53 : memref<10112x128xf32, #tpu.memory_space<vmem_shared>>) offsets(%arg9 : memref<128xi32, #tpu.memory_space<vmem>>) semaphore(%run_scoped3A : memref<!tpu.dma_semaphore, #tpu.memory_space<semaphore_mem>>) {add = true}
        %dma_wait3A_54 = arith.constant 0 : i32
        %dma_wait3A_55 = arith.constant 0 : i32
        %dma_wait3A_56 = tpu.memref_slice %arg13[%dma_wait3A_54, %dma_wait3A_55] : memref<10112x128xf32, #tpu.memory_space<vmem_shared>> -> memref<10112x128xf32, #tpu.memory_space<vmem_shared>>
        tpu.wait_indirect_dma semaphore(%run_scoped3A : memref<!tpu.dma_semaphore, #tpu.memory_space<semaphore_mem>>) src(%arg11 : memref<128x128xf32, #tpu.memory_space<vmem>>) dst(%dma_wait3A_56 : memref<10112x128xf32, #tpu.memory_space<vmem_shared>>)
        tpu.yield
      }) : () -> ()
    } else {
    }
    %barrier3A_19 = arith.constant 0 : index
    tpu.barrier barrier_id(%barrier3A_19)
    %mul3A_20 = arith.constant 10112 : i32
    %mul3A_21 = arith.muli %arg0, %mul3A_20 : i32
    %add3A_22 = arith.addi %mul3A_21, %mul3A_2 : i32
    %add3A_23 = arith.constant 0 : i32
    %add3A_24 = arith.addi %mul3A_2, %add3A_23 : i32
    "tpu.region"() ({
      %run_scoped3A = tpu.sem_alloc : memref<!tpu.dma_semaphore, #tpu.memory_space<semaphore_mem>>
      %dma_start3A = arith.constant 0 : i32
      %dma_start3A_43 = arith.constant 0 : i32
      %dma_start3A_44 = tpu.memref_slice %arg11[%dma_start3A, %dma_start3A_43] : memref<128x128xf32, #tpu.memory_space<vmem>> -> memref<128x128xf32, #tpu.memory_space<vmem>>
      %dma_start3A_45 = arith.constant 0 : i32
      %dma_start3A_46 = tpu.memref_slice %arg13[%add3A_24, %dma_start3A_45] : memref<10112x128xf32, #tpu.memory_space<vmem_shared>> -> memref<128x128xf32, #tpu.memory_space<vmem_shared>>
      %dma_start3A_47 = arith.constant 0 : i32
      %dma_start3A_48 = arith.constant 0 : i32
      %dma_start3A_49 = tpu.memref_slice %arg11[%dma_start3A_47, %dma_start3A_48] : memref<128x128xf32, #tpu.memory_space<vmem>> -> memref<128x128xf32, #tpu.memory_space<vmem>>
      %dma_start3A_50 = arith.constant 0 : i32
      %dma_start3A_51 = tpu.memref_slice %arg13[%add3A_24, %dma_start3A_50] : memref<10112x128xf32, #tpu.memory_space<vmem_shared>> -> memref<128x128xf32, #tpu.memory_space<vmem_shared>>
      tpu.enqueue_dma source(%dma_start3A_51 : memref<128x128xf32, #tpu.memory_space<vmem_shared>>) target(%dma_start3A_49 : memref<128x128xf32, #tpu.memory_space<vmem>>) target_semaphore(%run_scoped3A : memref<!tpu.dma_semaphore, #tpu.memory_space<semaphore_mem>>)
      %dma_wait3A = arith.constant 0 : i32
      %dma_wait3A_52 = arith.constant 0 : i32
      %dma_wait3A_53 = tpu.memref_slice %arg11[%dma_wait3A, %dma_wait3A_52] : memref<128x128xf32, #tpu.memory_space<vmem>> -> memref<128x128xf32, #tpu.memory_space<vmem>>
      %dma_wait3A_54 = arith.constant 0 : i32
      %dma_wait3A_55 = tpu.memref_slice %arg13[%add3A_24, %dma_wait3A_54] : memref<10112x128xf32, #tpu.memory_space<vmem_shared>> -> memref<128x128xf32, #tpu.memory_space<vmem_shared>>
      %dma_wait3A_56 = arith.constant 0 : i32
      %dma_wait3A_57 = arith.constant 0 : i32
      %dma_wait3A_58 = tpu.memref_slice %arg11[%dma_wait3A_56, %dma_wait3A_57] : memref<128x128xf32, #tpu.memory_space<vmem>> -> memref<128x128xf32, #tpu.memory_space<vmem>>
      %dma_wait3A_59 = arith.constant 0 : i32
      %dma_wait3A_60 = tpu.memref_slice %arg13[%add3A_24, %dma_wait3A_59] : memref<10112x128xf32, #tpu.memory_space<vmem_shared>> -> memref<128x128xf32, #tpu.memory_space<vmem_shared>>
      tpu.wait_dma2 semaphore(%run_scoped3A : memref<!tpu.dma_semaphore, #tpu.memory_space<semaphore_mem>>) src(%dma_wait3A_60 : memref<128x128xf32, #tpu.memory_space<vmem_shared>>) dst(%dma_wait3A_58 : memref<128x128xf32, #tpu.memory_space<vmem>>)
      tpu.yield
    }) : () -> ()
    %add3A_25 = arith.constant 0 : i32
    %add3A_26 = arith.addi %add3A_22, %add3A_25 : i32
    "tpu.region"() ({
      %run_scoped3A = tpu.sem_alloc : memref<!tpu.dma_semaphore, #tpu.memory_space<semaphore_mem>>
      %dma_start3A = arith.constant 0 : i32
      %dma_start3A_43 = arith.constant 0 : i32
      %dma_start3A_44 = tpu.memref_slice %arg11[%dma_start3A, %dma_start3A_43] : memref<128x128xf32, #tpu.memory_space<vmem>> -> memref<128x128xf32, #tpu.memory_space<vmem>>
      %dma_start3A_45 = arith.constant 0 : i32
      %dma_start3A_46 = tpu.memref_slice %arg6[%add3A_26, %dma_start3A_45] : memref<20224x128xf32, #tpu.memory_space<hbm>> -> memref<128x128xf32, #tpu.memory_space<hbm>>
      %dma_start3A_47 = arith.constant 0 : i32
      %dma_start3A_48 = tpu.memref_slice %arg6[%add3A_26, %dma_start3A_47] : memref<20224x128xf32, #tpu.memory_space<hbm>> -> memref<128x128xf32, #tpu.memory_space<hbm>>
      %dma_start3A_49 = arith.constant 0 : i32
      %dma_start3A_50 = arith.constant 0 : i32
      %dma_start3A_51 = tpu.memref_slice %arg11[%dma_start3A_49, %dma_start3A_50] : memref<128x128xf32, #tpu.memory_space<vmem>> -> memref<128x128xf32, #tpu.memory_space<vmem>>
      tpu.enqueue_dma source(%dma_start3A_51 : memref<128x128xf32, #tpu.memory_space<vmem>>) target(%dma_start3A_48 : memref<128x128xf32, #tpu.memory_space<hbm>>) target_semaphore(%run_scoped3A : memref<!tpu.dma_semaphore, #tpu.memory_space<semaphore_mem>>)
      %dma_wait3A = arith.constant 0 : i32
      %dma_wait3A_52 = arith.constant 0 : i32
      %dma_wait3A_53 = tpu.memref_slice %arg11[%dma_wait3A, %dma_wait3A_52] : memref<128x128xf32, #tpu.memory_space<vmem>> -> memref<128x128xf32, #tpu.memory_space<vmem>>
      %dma_wait3A_54 = arith.constant 0 : i32
      %dma_wait3A_55 = tpu.memref_slice %arg6[%add3A_26, %dma_wait3A_54] : memref<20224x128xf32, #tpu.memory_space<hbm>> -> memref<128x128xf32, #tpu.memory_space<hbm>>
      %dma_wait3A_56 = arith.constant 0 : i32
      %dma_wait3A_57 = tpu.memref_slice %arg6[%add3A_26, %dma_wait3A_56] : memref<20224x128xf32, #tpu.memory_space<hbm>> -> memref<128x128xf32, #tpu.memory_space<hbm>>
      %dma_wait3A_58 = arith.constant 0 : i32
      %dma_wait3A_59 = arith.constant 0 : i32
      %dma_wait3A_60 = tpu.memref_slice %arg11[%dma_wait3A_58, %dma_wait3A_59] : memref<128x128xf32, #tpu.memory_space<vmem>> -> memref<128x128xf32, #tpu.memory_space<vmem>>
      tpu.wait_dma2 semaphore(%run_scoped3A : memref<!tpu.dma_semaphore, #tpu.memory_space<semaphore_mem>>) src(%dma_wait3A_60 : memref<128x128xf32, #tpu.memory_space<vmem>>) dst(%dma_wait3A_57 : memref<128x128xf32, #tpu.memory_space<hbm>>)
      tpu.yield
    }) : () -> ()
    %add3A_27 = arith.constant 128 : i32
    %add3A_28 = arith.addi %mul3A_2, %add3A_27 : i32
    "tpu.region"() ({
      %run_scoped3A = tpu.sem_alloc : memref<!tpu.dma_semaphore, #tpu.memory_space<semaphore_mem>>
      %dma_start3A = arith.constant 0 : i32
      %dma_start3A_43 = arith.constant 0 : i32
      %dma_start3A_44 = tpu.memref_slice %arg11[%dma_start3A, %dma_start3A_43] : memref<128x128xf32, #tpu.memory_space<vmem>> -> memref<128x128xf32, #tpu.memory_space<vmem>>
      %dma_start3A_45 = arith.constant 0 : i32
      %dma_start3A_46 = tpu.memref_slice %arg13[%add3A_28, %dma_start3A_45] : memref<10112x128xf32, #tpu.memory_space<vmem_shared>> -> memref<128x128xf32, #tpu.memory_space<vmem_shared>>
      %dma_start3A_47 = arith.constant 0 : i32
      %dma_start3A_48 = arith.constant 0 : i32
      %dma_start3A_49 = tpu.memref_slice %arg11[%dma_start3A_47, %dma_start3A_48] : memref<128x128xf32, #tpu.memory_space<vmem>> -> memref<128x128xf32, #tpu.memory_space<vmem>>
      %dma_start3A_50 = arith.constant 0 : i32
      %dma_start3A_51 = tpu.memref_slice %arg13[%add3A_28, %dma_start3A_50] : memref<10112x128xf32, #tpu.memory_space<vmem_shared>> -> memref<128x128xf32, #tpu.memory_space<vmem_shared>>
      tpu.enqueue_dma source(%dma_start3A_51 : memref<128x128xf32, #tpu.memory_space<vmem_shared>>) target(%dma_start3A_49 : memref<128x128xf32, #tpu.memory_space<vmem>>) target_semaphore(%run_scoped3A : memref<!tpu.dma_semaphore, #tpu.memory_space<semaphore_mem>>)
      %dma_wait3A = arith.constant 0 : i32
      %dma_wait3A_52 = arith.constant 0 : i32
      %dma_wait3A_53 = tpu.memref_slice %arg11[%dma_wait3A, %dma_wait3A_52] : memref<128x128xf32, #tpu.memory_space<vmem>> -> memref<128x128xf32, #tpu.memory_space<vmem>>
      %dma_wait3A_54 = arith.constant 0 : i32
      %dma_wait3A_55 = tpu.memref_slice %arg13[%add3A_28, %dma_wait3A_54] : memref<10112x128xf32, #tpu.memory_space<vmem_shared>> -> memref<128x128xf32, #tpu.memory_space<vmem_shared>>
      %dma_wait3A_56 = arith.constant 0 : i32
      %dma_wait3A_57 = arith.constant 0 : i32
      %dma_wait3A_58 = tpu.memref_slice %arg11[%dma_wait3A_56, %dma_wait3A_57] : memref<128x128xf32, #tpu.memory_space<vmem>> -> memref<128x128xf32, #tpu.memory_space<vmem>>
      %dma_wait3A_59 = arith.constant 0 : i32
      %dma_wait3A_60 = tpu.memref_slice %arg13[%add3A_28, %dma_wait3A_59] : memref<10112x128xf32, #tpu.memory_space<vmem_shared>> -> memref<128x128xf32, #tpu.memory_space<vmem_shared>>
      tpu.wait_dma2 semaphore(%run_scoped3A : memref<!tpu.dma_semaphore, #tpu.memory_space<semaphore_mem>>) src(%dma_wait3A_60 : memref<128x128xf32, #tpu.memory_space<vmem_shared>>) dst(%dma_wait3A_58 : memref<128x128xf32, #tpu.memory_space<vmem>>)
      tpu.yield
    }) : () -> ()
    %add3A_29 = arith.constant 128 : i32
    %add3A_30 = arith.addi %add3A_22, %add3A_29 : i32
    "tpu.region"() ({
      %run_scoped3A = tpu.sem_alloc : memref<!tpu.dma_semaphore, #tpu.memory_space<semaphore_mem>>
      %dma_start3A = arith.constant 0 : i32
      %dma_start3A_43 = arith.constant 0 : i32
      %dma_start3A_44 = tpu.memref_slice %arg11[%dma_start3A, %dma_start3A_43] : memref<128x128xf32, #tpu.memory_space<vmem>> -> memref<128x128xf32, #tpu.memory_space<vmem>>
      %dma_start3A_45 = arith.constant 0 : i32
      %dma_start3A_46 = tpu.memref_slice %arg6[%add3A_30, %dma_start3A_45] : memref<20224x128xf32, #tpu.memory_space<hbm>> -> memref<128x128xf32, #tpu.memory_space<hbm>>
      %dma_start3A_47 = arith.constant 0 : i32
      %dma_start3A_48 = tpu.memref_slice %arg6[%add3A_30, %dma_start3A_47] : memref<20224x128xf32, #tpu.memory_space<hbm>> -> memref<128x128xf32, #tpu.memory_space<hbm>>
      %dma_start3A_49 = arith.constant 0 : i32
      %dma_start3A_50 = arith.constant 0 : i32
      %dma_start3A_51 = tpu.memref_slice %arg11[%dma_start3A_49, %dma_start3A_50] : memref<128x128xf32, #tpu.memory_space<vmem>> -> memref<128x128xf32, #tpu.memory_space<vmem>>
      tpu.enqueue_dma source(%dma_start3A_51 : memref<128x128xf32, #tpu.memory_space<vmem>>) target(%dma_start3A_48 : memref<128x128xf32, #tpu.memory_space<hbm>>) target_semaphore(%run_scoped3A : memref<!tpu.dma_semaphore, #tpu.memory_space<semaphore_mem>>)
      %dma_wait3A = arith.constant 0 : i32
      %dma_wait3A_52 = arith.constant 0 : i32
      %dma_wait3A_53 = tpu.memref_slice %arg11[%dma_wait3A, %dma_wait3A_52] : memref<128x128xf32, #tpu.memory_space<vmem>> -> memref<128x128xf32, #tpu.memory_space<vmem>>
      %dma_wait3A_54 = arith.constant 0 : i32
      %dma_wait3A_55 = tpu.memref_slice %arg6[%add3A_30, %dma_wait3A_54] : memref<20224x128xf32, #tpu.memory_space<hbm>> -> memref<128x128xf32, #tpu.memory_space<hbm>>
      %dma_wait3A_56 = arith.constant 0 : i32
      %dma_wait3A_57 = tpu.memref_slice %arg6[%add3A_30, %dma_wait3A_56] : memref<20224x128xf32, #tpu.memory_space<hbm>> -> memref<128x128xf32, #tpu.memory_space<hbm>>
      %dma_wait3A_58 = arith.constant 0 : i32
      %dma_wait3A_59 = arith.constant 0 : i32
      %dma_wait3A_60 = tpu.memref_slice %arg11[%dma_wait3A_58, %dma_wait3A_59] : memref<128x128xf32, #tpu.memory_space<vmem>> -> memref<128x128xf32, #tpu.memory_space<vmem>>
      tpu.wait_dma2 semaphore(%run_scoped3A : memref<!tpu.dma_semaphore, #tpu.memory_space<semaphore_mem>>) src(%dma_wait3A_60 : memref<128x128xf32, #tpu.memory_space<vmem>>) dst(%dma_wait3A_57 : memref<128x128xf32, #tpu.memory_space<hbm>>)
      tpu.yield
    }) : () -> ()
    %add3A_31 = arith.constant 256 : i32
    %add3A_32 = arith.addi %mul3A_2, %add3A_31 : i32
    "tpu.region"() ({
      %run_scoped3A = tpu.sem_alloc : memref<!tpu.dma_semaphore, #tpu.memory_space<semaphore_mem>>
      %dma_start3A = arith.constant 0 : i32
      %dma_start3A_43 = arith.constant 0 : i32
      %dma_start3A_44 = tpu.memref_slice %arg11[%dma_start3A, %dma_start3A_43] : memref<128x128xf32, #tpu.memory_space<vmem>> -> memref<128x128xf32, #tpu.memory_space<vmem>>
      %dma_start3A_45 = arith.constant 0 : i32
      %dma_start3A_46 = tpu.memref_slice %arg13[%add3A_32, %dma_start3A_45] : memref<10112x128xf32, #tpu.memory_space<vmem_shared>> -> memref<128x128xf32, #tpu.memory_space<vmem_shared>>
      %dma_start3A_47 = arith.constant 0 : i32
      %dma_start3A_48 = arith.constant 0 : i32
      %dma_start3A_49 = tpu.memref_slice %arg11[%dma_start3A_47, %dma_start3A_48] : memref<128x128xf32, #tpu.memory_space<vmem>> -> memref<128x128xf32, #tpu.memory_space<vmem>>
      %dma_start3A_50 = arith.constant 0 : i32
      %dma_start3A_51 = tpu.memref_slice %arg13[%add3A_32, %dma_start3A_50] : memref<10112x128xf32, #tpu.memory_space<vmem_shared>> -> memref<128x128xf32, #tpu.memory_space<vmem_shared>>
      tpu.enqueue_dma source(%dma_start3A_51 : memref<128x128xf32, #tpu.memory_space<vmem_shared>>) target(%dma_start3A_49 : memref<128x128xf32, #tpu.memory_space<vmem>>) target_semaphore(%run_scoped3A : memref<!tpu.dma_semaphore, #tpu.memory_space<semaphore_mem>>)
      %dma_wait3A = arith.constant 0 : i32
      %dma_wait3A_52 = arith.constant 0 : i32
      %dma_wait3A_53 = tpu.memref_slice %arg11[%dma_wait3A, %dma_wait3A_52] : memref<128x128xf32, #tpu.memory_space<vmem>> -> memref<128x128xf32, #tpu.memory_space<vmem>>
      %dma_wait3A_54 = arith.constant 0 : i32
      %dma_wait3A_55 = tpu.memref_slice %arg13[%add3A_32, %dma_wait3A_54] : memref<10112x128xf32, #tpu.memory_space<vmem_shared>> -> memref<128x128xf32, #tpu.memory_space<vmem_shared>>
      %dma_wait3A_56 = arith.constant 0 : i32
      %dma_wait3A_57 = arith.constant 0 : i32
      %dma_wait3A_58 = tpu.memref_slice %arg11[%dma_wait3A_56, %dma_wait3A_57] : memref<128x128xf32, #tpu.memory_space<vmem>> -> memref<128x128xf32, #tpu.memory_space<vmem>>
      %dma_wait3A_59 = arith.constant 0 : i32
      %dma_wait3A_60 = tpu.memref_slice %arg13[%add3A_32, %dma_wait3A_59] : memref<10112x128xf32, #tpu.memory_space<vmem_shared>> -> memref<128x128xf32, #tpu.memory_space<vmem_shared>>
      tpu.wait_dma2 semaphore(%run_scoped3A : memref<!tpu.dma_semaphore, #tpu.memory_space<semaphore_mem>>) src(%dma_wait3A_60 : memref<128x128xf32, #tpu.memory_space<vmem_shared>>) dst(%dma_wait3A_58 : memref<128x128xf32, #tpu.memory_space<vmem>>)
      tpu.yield
    }) : () -> ()
    %add3A_33 = arith.constant 256 : i32
    %add3A_34 = arith.addi %add3A_22, %add3A_33 : i32
    "tpu.region"() ({
      %run_scoped3A = tpu.sem_alloc : memref<!tpu.dma_semaphore, #tpu.memory_space<semaphore_mem>>
      %dma_start3A = arith.constant 0 : i32
      %dma_start3A_43 = arith.constant 0 : i32
      %dma_start3A_44 = tpu.memref_slice %arg11[%dma_start3A, %dma_start3A_43] : memref<128x128xf32, #tpu.memory_space<vmem>> -> memref<128x128xf32, #tpu.memory_space<vmem>>
      %dma_start3A_45 = arith.constant 0 : i32
      %dma_start3A_46 = tpu.memref_slice %arg6[%add3A_34, %dma_start3A_45] : memref<20224x128xf32, #tpu.memory_space<hbm>> -> memref<128x128xf32, #tpu.memory_space<hbm>>
      %dma_start3A_47 = arith.constant 0 : i32
      %dma_start3A_48 = tpu.memref_slice %arg6[%add3A_34, %dma_start3A_47] : memref<20224x128xf32, #tpu.memory_space<hbm>> -> memref<128x128xf32, #tpu.memory_space<hbm>>
      %dma_start3A_49 = arith.constant 0 : i32
      %dma_start3A_50 = arith.constant 0 : i32
      %dma_start3A_51 = tpu.memref_slice %arg11[%dma_start3A_49, %dma_start3A_50] : memref<128x128xf32, #tpu.memory_space<vmem>> -> memref<128x128xf32, #tpu.memory_space<vmem>>
      tpu.enqueue_dma source(%dma_start3A_51 : memref<128x128xf32, #tpu.memory_space<vmem>>) target(%dma_start3A_48 : memref<128x128xf32, #tpu.memory_space<hbm>>) target_semaphore(%run_scoped3A : memref<!tpu.dma_semaphore, #tpu.memory_space<semaphore_mem>>)
      %dma_wait3A = arith.constant 0 : i32
      %dma_wait3A_52 = arith.constant 0 : i32
      %dma_wait3A_53 = tpu.memref_slice %arg11[%dma_wait3A, %dma_wait3A_52] : memref<128x128xf32, #tpu.memory_space<vmem>> -> memref<128x128xf32, #tpu.memory_space<vmem>>
      %dma_wait3A_54 = arith.constant 0 : i32
      %dma_wait3A_55 = tpu.memref_slice %arg6[%add3A_34, %dma_wait3A_54] : memref<20224x128xf32, #tpu.memory_space<hbm>> -> memref<128x128xf32, #tpu.memory_space<hbm>>
      %dma_wait3A_56 = arith.constant 0 : i32
      %dma_wait3A_57 = tpu.memref_slice %arg6[%add3A_34, %dma_wait3A_56] : memref<20224x128xf32, #tpu.memory_space<hbm>> -> memref<128x128xf32, #tpu.memory_space<hbm>>
      %dma_wait3A_58 = arith.constant 0 : i32
      %dma_wait3A_59 = arith.constant 0 : i32
      %dma_wait3A_60 = tpu.memref_slice %arg11[%dma_wait3A_58, %dma_wait3A_59] : memref<128x128xf32, #tpu.memory_space<vmem>> -> memref<128x128xf32, #tpu.memory_space<vmem>>
      tpu.wait_dma2 semaphore(%run_scoped3A : memref<!tpu.dma_semaphore, #tpu.memory_space<semaphore_mem>>) src(%dma_wait3A_60 : memref<128x128xf32, #tpu.memory_space<vmem>>) dst(%dma_wait3A_57 : memref<128x128xf32, #tpu.memory_space<hbm>>)
      tpu.yield
    }) : () -> ()
    %add3A_35 = arith.constant 384 : i32
    %add3A_36 = arith.addi %mul3A_2, %add3A_35 : i32
    "tpu.region"() ({
      %run_scoped3A = tpu.sem_alloc : memref<!tpu.dma_semaphore, #tpu.memory_space<semaphore_mem>>
      %dma_start3A = arith.constant 0 : i32
      %dma_start3A_43 = arith.constant 0 : i32
      %dma_start3A_44 = tpu.memref_slice %arg11[%dma_start3A, %dma_start3A_43] : memref<128x128xf32, #tpu.memory_space<vmem>> -> memref<128x128xf32, #tpu.memory_space<vmem>>
      %dma_start3A_45 = arith.constant 0 : i32
      %dma_start3A_46 = tpu.memref_slice %arg13[%add3A_36, %dma_start3A_45] : memref<10112x128xf32, #tpu.memory_space<vmem_shared>> -> memref<128x128xf32, #tpu.memory_space<vmem_shared>>
      %dma_start3A_47 = arith.constant 0 : i32
      %dma_start3A_48 = arith.constant 0 : i32
      %dma_start3A_49 = tpu.memref_slice %arg11[%dma_start3A_47, %dma_start3A_48] : memref<128x128xf32, #tpu.memory_space<vmem>> -> memref<128x128xf32, #tpu.memory_space<vmem>>
      %dma_start3A_50 = arith.constant 0 : i32
      %dma_start3A_51 = tpu.memref_slice %arg13[%add3A_36, %dma_start3A_50] : memref<10112x128xf32, #tpu.memory_space<vmem_shared>> -> memref<128x128xf32, #tpu.memory_space<vmem_shared>>
      tpu.enqueue_dma source(%dma_start3A_51 : memref<128x128xf32, #tpu.memory_space<vmem_shared>>) target(%dma_start3A_49 : memref<128x128xf32, #tpu.memory_space<vmem>>) target_semaphore(%run_scoped3A : memref<!tpu.dma_semaphore, #tpu.memory_space<semaphore_mem>>)
      %dma_wait3A = arith.constant 0 : i32
      %dma_wait3A_52 = arith.constant 0 : i32
      %dma_wait3A_53 = tpu.memref_slice %arg11[%dma_wait3A, %dma_wait3A_52] : memref<128x128xf32, #tpu.memory_space<vmem>> -> memref<128x128xf32, #tpu.memory_space<vmem>>
      %dma_wait3A_54 = arith.constant 0 : i32
      %dma_wait3A_55 = tpu.memref_slice %arg13[%add3A_36, %dma_wait3A_54] : memref<10112x128xf32, #tpu.memory_space<vmem_shared>> -> memref<128x128xf32, #tpu.memory_space<vmem_shared>>
      %dma_wait3A_56 = arith.constant 0 : i32
      %dma_wait3A_57 = arith.constant 0 : i32
      %dma_wait3A_58 = tpu.memref_slice %arg11[%dma_wait3A_56, %dma_wait3A_57] : memref<128x128xf32, #tpu.memory_space<vmem>> -> memref<128x128xf32, #tpu.memory_space<vmem>>
      %dma_wait3A_59 = arith.constant 0 : i32
      %dma_wait3A_60 = tpu.memref_slice %arg13[%add3A_36, %dma_wait3A_59] : memref<10112x128xf32, #tpu.memory_space<vmem_shared>> -> memref<128x128xf32, #tpu.memory_space<vmem_shared>>
      tpu.wait_dma2 semaphore(%run_scoped3A : memref<!tpu.dma_semaphore, #tpu.memory_space<semaphore_mem>>) src(%dma_wait3A_60 : memref<128x128xf32, #tpu.memory_space<vmem_shared>>) dst(%dma_wait3A_58 : memref<128x128xf32, #tpu.memory_space<vmem>>)
      tpu.yield
    }) : () -> ()
    %add3A_37 = arith.constant 384 : i32
    %add3A_38 = arith.addi %add3A_22, %add3A_37 : i32
    "tpu.region"() ({
      %run_scoped3A = tpu.sem_alloc : memref<!tpu.dma_semaphore, #tpu.memory_space<semaphore_mem>>
      %dma_start3A = arith.constant 0 : i32
      %dma_start3A_43 = arith.constant 0 : i32
      %dma_start3A_44 = tpu.memref_slice %arg11[%dma_start3A, %dma_start3A_43] : memref<128x128xf32, #tpu.memory_space<vmem>> -> memref<128x128xf32, #tpu.memory_space<vmem>>
      %dma_start3A_45 = arith.constant 0 : i32
      %dma_start3A_46 = tpu.memref_slice %arg6[%add3A_38, %dma_start3A_45] : memref<20224x128xf32, #tpu.memory_space<hbm>> -> memref<128x128xf32, #tpu.memory_space<hbm>>
      %dma_start3A_47 = arith.constant 0 : i32
      %dma_start3A_48 = tpu.memref_slice %arg6[%add3A_38, %dma_start3A_47] : memref<20224x128xf32, #tpu.memory_space<hbm>> -> memref<128x128xf32, #tpu.memory_space<hbm>>
      %dma_start3A_49 = arith.constant 0 : i32
      %dma_start3A_50 = arith.constant 0 : i32
      %dma_start3A_51 = tpu.memref_slice %arg11[%dma_start3A_49, %dma_start3A_50] : memref<128x128xf32, #tpu.memory_space<vmem>> -> memref<128x128xf32, #tpu.memory_space<vmem>>
      tpu.enqueue_dma source(%dma_start3A_51 : memref<128x128xf32, #tpu.memory_space<vmem>>) target(%dma_start3A_48 : memref<128x128xf32, #tpu.memory_space<hbm>>) target_semaphore(%run_scoped3A : memref<!tpu.dma_semaphore, #tpu.memory_space<semaphore_mem>>)
      %dma_wait3A = arith.constant 0 : i32
      %dma_wait3A_52 = arith.constant 0 : i32
      %dma_wait3A_53 = tpu.memref_slice %arg11[%dma_wait3A, %dma_wait3A_52] : memref<128x128xf32, #tpu.memory_space<vmem>> -> memref<128x128xf32, #tpu.memory_space<vmem>>
      %dma_wait3A_54 = arith.constant 0 : i32
      %dma_wait3A_55 = tpu.memref_slice %arg6[%add3A_38, %dma_wait3A_54] : memref<20224x128xf32, #tpu.memory_space<hbm>> -> memref<128x128xf32, #tpu.memory_space<hbm>>
      %dma_wait3A_56 = arith.constant 0 : i32
      %dma_wait3A_57 = tpu.memref_slice %arg6[%add3A_38, %dma_wait3A_56] : memref<20224x128xf32, #tpu.memory_space<hbm>> -> memref<128x128xf32, #tpu.memory_space<hbm>>
      %dma_wait3A_58 = arith.constant 0 : i32
      %dma_wait3A_59 = arith.constant 0 : i32
      %dma_wait3A_60 = tpu.memref_slice %arg11[%dma_wait3A_58, %dma_wait3A_59] : memref<128x128xf32, #tpu.memory_space<vmem>> -> memref<128x128xf32, #tpu.memory_space<vmem>>
      tpu.wait_dma2 semaphore(%run_scoped3A : memref<!tpu.dma_semaphore, #tpu.memory_space<semaphore_mem>>) src(%dma_wait3A_60 : memref<128x128xf32, #tpu.memory_space<vmem>>) dst(%dma_wait3A_57 : memref<128x128xf32, #tpu.memory_space<hbm>>)
      tpu.yield
    }) : () -> ()
    %add3A_39 = arith.constant 512 : i32
    %add3A_40 = arith.addi %mul3A_2, %add3A_39 : i32
    "tpu.region"() ({
      %run_scoped3A = tpu.sem_alloc : memref<!tpu.dma_semaphore, #tpu.memory_space<semaphore_mem>>
      %dma_start3A = arith.constant 0 : i32
      %dma_start3A_43 = arith.constant 0 : i32
      %dma_start3A_44 = tpu.memref_slice %arg11[%dma_start3A, %dma_start3A_43] : memref<128x128xf32, #tpu.memory_space<vmem>> -> memref<120x128xf32, #tpu.memory_space<vmem>>
      %dma_start3A_45 = arith.constant 0 : i32
      %dma_start3A_46 = tpu.memref_slice %arg13[%add3A_40, %dma_start3A_45] : memref<10112x128xf32, #tpu.memory_space<vmem_shared>> -> memref<120x128xf32, #tpu.memory_space<vmem_shared>>
      %dma_start3A_47 = arith.constant 0 : i32
      %dma_start3A_48 = arith.constant 0 : i32
      %dma_start3A_49 = tpu.memref_slice %arg11[%dma_start3A_47, %dma_start3A_48] : memref<128x128xf32, #tpu.memory_space<vmem>> -> memref<120x128xf32, #tpu.memory_space<vmem>>
      %dma_start3A_50 = arith.constant 0 : i32
      %dma_start3A_51 = tpu.memref_slice %arg13[%add3A_40, %dma_start3A_50] : memref<10112x128xf32, #tpu.memory_space<vmem_shared>> -> memref<120x128xf32, #tpu.memory_space<vmem_shared>>
      tpu.enqueue_dma source(%dma_start3A_51 : memref<120x128xf32, #tpu.memory_space<vmem_shared>>) target(%dma_start3A_49 : memref<120x128xf32, #tpu.memory_space<vmem>>) target_semaphore(%run_scoped3A : memref<!tpu.dma_semaphore, #tpu.memory_space<semaphore_mem>>)
      %dma_wait3A = arith.constant 0 : i32
      %dma_wait3A_52 = arith.constant 0 : i32
      %dma_wait3A_53 = tpu.memref_slice %arg11[%dma_wait3A, %dma_wait3A_52] : memref<128x128xf32, #tpu.memory_space<vmem>> -> memref<120x128xf32, #tpu.memory_space<vmem>>
      %dma_wait3A_54 = arith.constant 0 : i32
      %dma_wait3A_55 = tpu.memref_slice %arg13[%add3A_40, %dma_wait3A_54] : memref<10112x128xf32, #tpu.memory_space<vmem_shared>> -> memref<120x128xf32, #tpu.memory_space<vmem_shared>>
      %dma_wait3A_56 = arith.constant 0 : i32
      %dma_wait3A_57 = arith.constant 0 : i32
      %dma_wait3A_58 = tpu.memref_slice %arg11[%dma_wait3A_56, %dma_wait3A_57] : memref<128x128xf32, #tpu.memory_space<vmem>> -> memref<120x128xf32, #tpu.memory_space<vmem>>
      %dma_wait3A_59 = arith.constant 0 : i32
      %dma_wait3A_60 = tpu.memref_slice %arg13[%add3A_40, %dma_wait3A_59] : memref<10112x128xf32, #tpu.memory_space<vmem_shared>> -> memref<120x128xf32, #tpu.memory_space<vmem_shared>>
      tpu.wait_dma2 semaphore(%run_scoped3A : memref<!tpu.dma_semaphore, #tpu.memory_space<semaphore_mem>>) src(%dma_wait3A_60 : memref<120x128xf32, #tpu.memory_space<vmem_shared>>) dst(%dma_wait3A_58 : memref<120x128xf32, #tpu.memory_space<vmem>>)
      tpu.yield
    }) : () -> ()
    %add3A_41 = arith.constant 512 : i32
    %add3A_42 = arith.addi %add3A_22, %add3A_41 : i32
    "tpu.region"() ({
      %run_scoped3A = tpu.sem_alloc : memref<!tpu.dma_semaphore, #tpu.memory_space<semaphore_mem>>
      %dma_start3A = arith.constant 0 : i32
      %dma_start3A_43 = arith.constant 0 : i32
      %dma_start3A_44 = tpu.memref_slice %arg11[%dma_start3A, %dma_start3A_43] : memref<128x128xf32, #tpu.memory_space<vmem>> -> memref<120x128xf32, #tpu.memory_space<vmem>>
      %dma_start3A_45 = arith.constant 0 : i32
      %dma_start3A_46 = tpu.memref_slice %arg6[%add3A_42, %dma_start3A_45] : memref<20224x128xf32, #tpu.memory_space<hbm>> -> memref<120x128xf32, #tpu.memory_space<hbm>>
      %dma_start3A_47 = arith.constant 0 : i32
      %dma_start3A_48 = tpu.memref_slice %arg6[%add3A_42, %dma_start3A_47] : memref<20224x128xf32, #tpu.memory_space<hbm>> -> memref<120x128xf32, #tpu.memory_space<hbm>>
      %dma_start3A_49 = arith.constant 0 : i32
      %dma_start3A_50 = arith.constant 0 : i32
      %dma_start3A_51 = tpu.memref_slice %arg11[%dma_start3A_49, %dma_start3A_50] : memref<128x128xf32, #tpu.memory_space<vmem>> -> memref<120x128xf32, #tpu.memory_space<vmem>>
      tpu.enqueue_dma source(%dma_start3A_51 : memref<120x128xf32, #tpu.memory_space<vmem>>) target(%dma_start3A_48 : memref<120x128xf32, #tpu.memory_space<hbm>>) target_semaphore(%run_scoped3A : memref<!tpu.dma_semaphore, #tpu.memory_space<semaphore_mem>>)
      %dma_wait3A = arith.constant 0 : i32
      %dma_wait3A_52 = arith.constant 0 : i32
      %dma_wait3A_53 = tpu.memref_slice %arg11[%dma_wait3A, %dma_wait3A_52] : memref<128x128xf32, #tpu.memory_space<vmem>> -> memref<120x128xf32, #tpu.memory_space<vmem>>
      %dma_wait3A_54 = arith.constant 0 : i32
      %dma_wait3A_55 = tpu.memref_slice %arg6[%add3A_42, %dma_wait3A_54] : memref<20224x128xf32, #tpu.memory_space<hbm>> -> memref<120x128xf32, #tpu.memory_space<hbm>>
      %dma_wait3A_56 = arith.constant 0 : i32
      %dma_wait3A_57 = tpu.memref_slice %arg6[%add3A_42, %dma_wait3A_56] : memref<20224x128xf32, #tpu.memory_space<hbm>> -> memref<120x128xf32, #tpu.memory_space<hbm>>
      %dma_wait3A_58 = arith.constant 0 : i32
      %dma_wait3A_59 = arith.constant 0 : i32
      %dma_wait3A_60 = tpu.memref_slice %arg11[%dma_wait3A_58, %dma_wait3A_59] : memref<128x128xf32, #tpu.memory_space<vmem>> -> memref<120x128xf32, #tpu.memory_space<vmem>>
      tpu.wait_dma2 semaphore(%run_scoped3A : memref<!tpu.dma_semaphore, #tpu.memory_space<semaphore_mem>>) src(%dma_wait3A_60 : memref<120x128xf32, #tpu.memory_space<vmem>>) dst(%dma_wait3A_57 : memref<120x128xf32, #tpu.memory_space<hbm>>)
      tpu.yield
    }) : () -> ()
    return
  }
}

module attributes {stable_mosaic.version = 14 : i64} {
  func.func @_tc_layer_body(%arg0: i32, %arg1: memref<2x1264x128xf32, #tpu.memory_space<vmem>>, %arg2: memref<2x1264x128xf32, #tpu.memory_space<vmem>>, %arg3: memref<1264x128xf32, #tpu.memory_space<vmem>>, %arg4: memref<128x128xf32, #tpu.memory_space<vmem>>, %arg5: memref<1x128xf32, #tpu.memory_space<vmem>>, %arg6: memref<128x128xf32, #tpu.memory_space<vmem>>, %arg7: memref<1264x128xf32, #tpu.memory_space<vmem>>) attributes {dimension_semantics = [#tpu.dimension_semantics<arbitrary>], iteration_bounds = array<i64: 8>, scalar_prefetch = 0 : i64, scratch_operands = 0 : i64, tpu.core_type = #tpu.core_type<tc>, window_params = [{transform_indices = @transform_0, window_bounds = array<i64: 2, 1264, 128>}, {transform_indices = @transform_1, window_bounds = array<i64: 2, 1264, 128>}, {transform_indices = @transform_2, window_bounds = array<i64: 1264, 128>}, {pipeline_mode = #tpu.pipeline_mode<synchronous>, transform_indices = @transform_3, window_bounds = array<i64: 128, 128>}, {pipeline_mode = #tpu.pipeline_mode<synchronous>, transform_indices = @transform_4, window_bounds = array<i64: 1, 128>}, {pipeline_mode = #tpu.pipeline_mode<synchronous>, transform_indices = @transform_5, window_bounds = array<i64: 128, 128>}, {transform_indices = @transform_6, window_bounds = array<i64: 1264, 128>}]} {
    %get3A = arith.constant 0 : index
    %get3A_0 = arith.constant 0 : index
    %get3A_1 = arith.constant 0 : index
    %get3A_2 = vector.load %arg1[%get3A, %get3A_0, %get3A_1] : memref<2x1264x128xf32, #tpu.memory_space<vmem>>, vector<1x1264x128xf32>
    %get3A_3 = vector.shape_cast %get3A_2 : vector<1x1264x128xf32> to vector<1264x128xf32>
    %get3A_4 = arith.constant 1 : index
    %get3A_5 = arith.constant 0 : index
    %get3A_6 = arith.constant 0 : index
    %get3A_7 = vector.load %arg1[%get3A_4, %get3A_5, %get3A_6] : memref<2x1264x128xf32, #tpu.memory_space<vmem>>, vector<1x1264x128xf32>
    %get3A_8 = vector.shape_cast %get3A_7 : vector<1x1264x128xf32> to vector<1264x128xf32>
    %add3A = arith.addf %get3A_3, %get3A_8 : vector<1264x128xf32>
    %get3A_9 = arith.constant 0 : index
    %get3A_10 = arith.constant 0 : index
    %get3A_11 = arith.constant 0 : index
    %get3A_12 = vector.load %arg2[%get3A_9, %get3A_10, %get3A_11] : memref<2x1264x128xf32, #tpu.memory_space<vmem>>, vector<1x1264x1xf32>
    %get3A_13 = vector.shape_cast %get3A_12 : vector<1x1264x1xf32> to vector<1264x1xf32>
    %get3A_14 = arith.constant 1 : index
    %get3A_15 = arith.constant 0 : index
    %get3A_16 = arith.constant 0 : index
    %get3A_17 = vector.load %arg2[%get3A_14, %get3A_15, %get3A_16] : memref<2x1264x128xf32, #tpu.memory_space<vmem>>, vector<1x1264x1xf32>
    %get3A_18 = vector.shape_cast %get3A_17 : vector<1x1264x1xf32> to vector<1264x1xf32>
    %add3A_19 = arith.addf %get3A_13, %get3A_18 : vector<1264x1xf32>
    %max3A = arith.constant 1.000000e+00 : f32
    %max3A_20 = vector.broadcast %max3A : f32 to vector<1264x1xf32>
    %max3A_21 = arith.maximumf %add3A_19, %max3A_20 : vector<1264x1xf32>
    %div3A = vector.broadcast %max3A_21 : vector<1264x1xf32> to vector<1264x128xf32>
    %div3A_22 = arith.divf %add3A, %div3A : vector<1264x128xf32>
    %get3A_23 = arith.constant 0 : index
    %get3A_24 = arith.constant 0 : index
    %get3A_25 = vector.load %arg4[%get3A_23, %get3A_24] : memref<128x128xf32, #tpu.memory_space<vmem>>, vector<128x128xf32>
    %dot_general3A = arith.constant dense<0.000000e+00> : vector<1264x128xf32>
    %dot_general3A_26 = tpu.matmul %div3A_22, %get3A_25, %dot_general3A {dimension_numbers = #tpu.dot_dimension_numbers<[1], [0], [0], [1], [0, 0, 1, 1], [], []>, transpose_lhs_hint = false} : vector<1264x128xf32>, vector<128x128xf32>, vector<1264x128xf32> -> vector<1264x128xf32>
    %get3A_27 = arith.constant 0 : index
    %get3A_28 = arith.constant 0 : index
    %get3A_29 = vector.load %arg5[%get3A_27, %get3A_28] : memref<1x128xf32, #tpu.memory_space<vmem>>, vector<1x128xf32>
    %add3A_30 = vector.broadcast %get3A_29 : vector<1x128xf32> to vector<1264x128xf32>
    %add3A_31 = arith.addf %dot_general3A_26, %add3A_30 : vector<1264x128xf32>
    %get3A_32 = arith.constant 0 : index
    %get3A_33 = arith.constant 0 : index
    %get3A_34 = vector.load %arg3[%get3A_32, %get3A_33] : memref<1264x128xf32, #tpu.memory_space<vmem>>, vector<1264x128xf32>
    %get3A_35 = arith.constant 0 : index
    %get3A_36 = arith.constant 0 : index
    %get3A_37 = vector.load %arg6[%get3A_35, %get3A_36] : memref<128x128xf32, #tpu.memory_space<vmem>>, vector<128x128xf32>
    %dot_general3A_38 = arith.constant dense<0.000000e+00> : vector<1264x128xf32>
    %dot_general3A_39 = tpu.matmul %get3A_34, %get3A_37, %dot_general3A_38 {dimension_numbers = #tpu.dot_dimension_numbers<[1], [0], [0], [1], [0, 0, 1, 1], [], []>, transpose_lhs_hint = false} : vector<1264x128xf32>, vector<128x128xf32>, vector<1264x128xf32> -> vector<1264x128xf32>
    %add3A_40 = arith.addf %add3A_31, %dot_general3A_39 : vector<1264x128xf32>
    %max3A_41 = arith.constant 0.000000e+00 : f32
    %max3A_42 = vector.broadcast %max3A_41 : f32 to vector<1264x128xf32>
    %max3A_43 = arith.maximumf %add3A_40, %max3A_42 : vector<1264x128xf32>
    %swap3A = arith.constant 0 : index
    %swap3A_44 = arith.constant 0 : index
    %swap3A_45 = vector.load %arg7[%swap3A, %swap3A_44] : memref<1264x128xf32, #tpu.memory_space<vmem>>, vector<1264x128xf32>
    tpu.vector_store %arg7[%swap3A, %swap3A_44], %max3A_43 {strides = array<i32>} : memref<1264x128xf32, #tpu.memory_space<vmem>>, vector<1264x128xf32>,
    return
  }
  func.func @transform_0(%arg0: i32) -> (i32, i32, i32) {
    %c0_i32 = arith.constant 0 : i32
    %c0_i32_0 = arith.constant 0 : i32
    %c0_i32_1 = arith.constant 0 : i32
    return %c0_i32, %arg0, %c0_i32_0 : i32, i32, i32
  }
  func.func @transform_1(%arg0: i32) -> (i32, i32, i32) {
    %c0_i32 = arith.constant 0 : i32
    %c0_i32_0 = arith.constant 0 : i32
    %c0_i32_1 = arith.constant 0 : i32
    return %c0_i32, %arg0, %c0_i32_0 : i32, i32, i32
  }
  func.func @transform_2(%arg0: i32) -> (i32, i32) {
    %c0_i32 = arith.constant 0 : i32
    %c0_i32_0 = arith.constant 0 : i32
    return %arg0, %c0_i32 : i32, i32
  }
  func.func @transform_3(%arg0: i32) -> (i32, i32) {
    %c0_i32 = arith.constant 0 : i32
    %c0_i32_0 = arith.constant 0 : i32
    %c0_i32_1 = arith.constant 0 : i32
    return %c0_i32, %c0_i32_0 : i32, i32
  }
  func.func @transform_4(%arg0: i32) -> (i32, i32) {
    %c0_i32 = arith.constant 0 : i32
    %c0_i32_0 = arith.constant 0 : i32
    %c0_i32_1 = arith.constant 0 : i32
    return %c0_i32, %c0_i32_0 : i32, i32
  }
  func.func @transform_5(%arg0: i32) -> (i32, i32) {
    %c0_i32 = arith.constant 0 : i32
    %c0_i32_0 = arith.constant 0 : i32
    %c0_i32_1 = arith.constant 0 : i32
    return %c0_i32, %c0_i32_0 : i32, i32
  }
  func.func @transform_6(%arg0: i32) -> (i32, i32) {
    %c0_i32 = arith.constant 0 : i32
    %c0_i32_0 = arith.constant 0 : i32
    return %arg0, %c0_i32 : i32, i32
  }
}

module attributes {stable_mosaic.version = 14 : i64} {
  func.func @_tc_layer_body(%arg0: i32, %arg1: memref<2x1264x128xf32, #tpu.memory_space<vmem>>, %arg2: memref<2x1264x128xf32, #tpu.memory_space<vmem>>, %arg3: memref<1264x128xf32, #tpu.memory_space<vmem>>, %arg4: memref<128x128xf32, #tpu.memory_space<vmem>>, %arg5: memref<1x128xf32, #tpu.memory_space<vmem>>, %arg6: memref<128x128xf32, #tpu.memory_space<vmem>>, %arg7: memref<1264x128xf32, #tpu.memory_space<vmem>>) attributes {dimension_semantics = [#tpu.dimension_semantics<arbitrary>], iteration_bounds = array<i64: 8>, scalar_prefetch = 0 : i64, scratch_operands = 0 : i64, tpu.core_type = #tpu.core_type<tc>, window_params = [{transform_indices = @transform_0, window_bounds = array<i64: 2, 1264, 128>}, {transform_indices = @transform_1, window_bounds = array<i64: 2, 1264, 128>}, {transform_indices = @transform_2, window_bounds = array<i64: 1264, 128>}, {pipeline_mode = #tpu.pipeline_mode<synchronous>, transform_indices = @transform_3, window_bounds = array<i64: 128, 128>}, {pipeline_mode = #tpu.pipeline_mode<synchronous>, transform_indices = @transform_4, window_bounds = array<i64: 1, 128>}, {pipeline_mode = #tpu.pipeline_mode<synchronous>, transform_indices = @transform_5, window_bounds = array<i64: 128, 128>}, {transform_indices = @transform_6, window_bounds = array<i64: 1264, 128>}]} {
    %get3A = arith.constant 0 : index
    %get3A_0 = arith.constant 0 : index
    %get3A_1 = arith.constant 0 : index
    %get3A_2 = vector.load %arg1[%get3A, %get3A_0, %get3A_1] : memref<2x1264x128xf32, #tpu.memory_space<vmem>>, vector<1x1264x128xf32>
    %get3A_3 = vector.shape_cast %get3A_2 : vector<1x1264x128xf32> to vector<1264x128xf32>
    %get3A_4 = arith.constant 1 : index
    %get3A_5 = arith.constant 0 : index
    %get3A_6 = arith.constant 0 : index
    %get3A_7 = vector.load %arg1[%get3A_4, %get3A_5, %get3A_6] : memref<2x1264x128xf32, #tpu.memory_space<vmem>>, vector<1x1264x128xf32>
    %get3A_8 = vector.shape_cast %get3A_7 : vector<1x1264x128xf32> to vector<1264x128xf32>
    %add3A = arith.addf %get3A_3, %get3A_8 : vector<1264x128xf32>
    %get3A_9 = arith.constant 0 : index
    %get3A_10 = arith.constant 0 : index
    %get3A_11 = arith.constant 0 : index
    %get3A_12 = vector.load %arg2[%get3A_9, %get3A_10, %get3A_11] : memref<2x1264x128xf32, #tpu.memory_space<vmem>>, vector<1x1264x1xf32>
    %get3A_13 = vector.shape_cast %get3A_12 : vector<1x1264x1xf32> to vector<1264x1xf32>
    %get3A_14 = arith.constant 1 : index
    %get3A_15 = arith.constant 0 : index
    %get3A_16 = arith.constant 0 : index
    %get3A_17 = vector.load %arg2[%get3A_14, %get3A_15, %get3A_16] : memref<2x1264x128xf32, #tpu.memory_space<vmem>>, vector<1x1264x1xf32>
    %get3A_18 = vector.shape_cast %get3A_17 : vector<1x1264x1xf32> to vector<1264x1xf32>
    %add3A_19 = arith.addf %get3A_13, %get3A_18 : vector<1264x1xf32>
    %max3A = arith.constant 1.000000e+00 : f32
    %max3A_20 = vector.broadcast %max3A : f32 to vector<1264x1xf32>
    %max3A_21 = arith.maximumf %add3A_19, %max3A_20 : vector<1264x1xf32>
    %div3A = vector.broadcast %max3A_21 : vector<1264x1xf32> to vector<1264x128xf32>
    %div3A_22 = arith.divf %add3A, %div3A : vector<1264x128xf32>
    %get3A_23 = arith.constant 0 : index
    %get3A_24 = arith.constant 0 : index
    %get3A_25 = vector.load %arg4[%get3A_23, %get3A_24] : memref<128x128xf32, #tpu.memory_space<vmem>>, vector<128x128xf32>
    %dot_general3A = arith.constant dense<0.000000e+00> : vector<1264x128xf32>
    %dot_general3A_26 = tpu.matmul %div3A_22, %get3A_25, %dot_general3A {dimension_numbers = #tpu.dot_dimension_numbers<[1], [0], [0], [1], [0, 0, 1, 1], [], []>, transpose_lhs_hint = false} : vector<1264x128xf32>, vector<128x128xf32>, vector<1264x128xf32> -> vector<1264x128xf32>
    %get3A_27 = arith.constant 0 : index
    %get3A_28 = arith.constant 0 : index
    %get3A_29 = vector.load %arg5[%get3A_27, %get3A_28] : memref<1x128xf32, #tpu.memory_space<vmem>>, vector<1x128xf32>
    %add3A_30 = vector.broadcast %get3A_29 : vector<1x128xf32> to vector<1264x128xf32>
    %add3A_31 = arith.addf %dot_general3A_26, %add3A_30 : vector<1264x128xf32>
    %get3A_32 = arith.constant 0 : index
    %get3A_33 = arith.constant 0 : index
    %get3A_34 = vector.load %arg3[%get3A_32, %get3A_33] : memref<1264x128xf32, #tpu.memory_space<vmem>>, vector<1264x128xf32>
    %get3A_35 = arith.constant 0 : index
    %get3A_36 = arith.constant 0 : index
    %get3A_37 = vector.load %arg6[%get3A_35, %get3A_36] : memref<128x128xf32, #tpu.memory_space<vmem>>, vector<128x128xf32>
    %dot_general3A_38 = arith.constant dense<0.000000e+00> : vector<1264x128xf32>
    %dot_general3A_39 = tpu.matmul %get3A_34, %get3A_37, %dot_general3A_38 {dimension_numbers = #tpu.dot_dimension_numbers<[1], [0], [0], [1], [0, 0, 1, 1], [], []>, transpose_lhs_hint = false} : vector<1264x128xf32>, vector<128x128xf32>, vector<1264x128xf32> -> vector<1264x128xf32>
    %add3A_40 = arith.addf %add3A_31, %dot_general3A_39 : vector<1264x128xf32>
    %reduce_max3A = arith.constant dense<0xFF800000> : vector<1264xf32>
    %reduce_max3A_41 = vector.multi_reduction <maximumf>, %add3A_40, %reduce_max3A [1] : vector<1264x128xf32> to vector<1264xf32>
    %broadcast_in_dim3A = vector.shape_cast %reduce_max3A_41 : vector<1264xf32> to vector<1264x1xf32>
    %sub3A = vector.broadcast %broadcast_in_dim3A : vector<1264x1xf32> to vector<1264x128xf32>
    %sub3A_42 = arith.subf %add3A_40, %sub3A : vector<1264x128xf32>
    %exp3A = math.exp %sub3A_42 : vector<1264x128xf32>
    %reduce_sum3A = arith.constant dense<0.000000e+00> : vector<1264xf32>
    %reduce_sum3A_43 = vector.multi_reduction <add>, %exp3A, %reduce_sum3A [1] : vector<1264x128xf32> to vector<1264xf32>
    %broadcast_in_dim3A_44 = vector.shape_cast %reduce_sum3A_43 : vector<1264xf32> to vector<1264x1xf32>
    %log3A = math.log %broadcast_in_dim3A_44 : vector<1264x1xf32>
    %add3A_45 = arith.addf %log3A, %broadcast_in_dim3A : vector<1264x1xf32>
    %sub3A_46 = vector.broadcast %add3A_45 : vector<1264x1xf32> to vector<1264x128xf32>
    %sub3A_47 = arith.subf %add3A_40, %sub3A_46 : vector<1264x128xf32>
    %swap3A = arith.constant 0 : index
    %swap3A_48 = arith.constant 0 : index
    %swap3A_49 = vector.load %arg7[%swap3A, %swap3A_48] : memref<1264x128xf32, #tpu.memory_space<vmem>>, vector<1264x128xf32>
    tpu.vector_store %arg7[%swap3A, %swap3A_48], %sub3A_47 {strides = array<i32>} : memref<1264x128xf32, #tpu.memory_space<vmem>>, vector<1264x128xf32>,
    return
  }
  func.func @transform_0(%arg0: i32) -> (i32, i32, i32) {
    %c0_i32 = arith.constant 0 : i32
    %c0_i32_0 = arith.constant 0 : i32
    %c0_i32_1 = arith.constant 0 : i32
    return %c0_i32, %arg0, %c0_i32_0 : i32, i32, i32
  }
  func.func @transform_1(%arg0: i32) -> (i32, i32, i32) {
    %c0_i32 = arith.constant 0 : i32
    %c0_i32_0 = arith.constant 0 : i32
    %c0_i32_1 = arith.constant 0 : i32
    return %c0_i32, %arg0, %c0_i32_0 : i32, i32, i32
  }
  func.func @transform_2(%arg0: i32) -> (i32, i32) {
    %c0_i32 = arith.constant 0 : i32
    %c0_i32_0 = arith.constant 0 : i32
    return %arg0, %c0_i32 : i32, i32
  }
  func.func @transform_3(%arg0: i32) -> (i32, i32) {
    %c0_i32 = arith.constant 0 : i32
    %c0_i32_0 = arith.constant 0 : i32
    %c0_i32_1 = arith.constant 0 : i32
    return %c0_i32, %c0_i32_0 : i32, i32
  }
  func.func @transform_4(%arg0: i32) -> (i32, i32) {
    %c0_i32 = arith.constant 0 : i32
    %c0_i32_0 = arith.constant 0 : i32
    %c0_i32_1 = arith.constant 0 : i32
    return %c0_i32, %c0_i32_0 : i32, i32
  }
  func.func @transform_5(%arg0: i32) -> (i32, i32) {
    %c0_i32 = arith.constant 0 : i32
    %c0_i32_0 = arith.constant 0 : i32
    %c0_i32_1 = arith.constant 0 : i32
    return %c0_i32, %c0_i32_0 : i32, i32
  }
  func.func @transform_6(%arg0: i32) -> (i32, i32) {
    %c0_i32 = arith.constant 0 : i32
    %c0_i32_0 = arith.constant 0 : i32
    return %arg0, %c0_i32 : i32, i32
  }
}

</mosaic_0001>

<sc_bundles>
// kernel: kernel.10.cloned.1.call-start
scs
__scs_entry_jumppad:
0x0: {  	(pc) =	sbr.rel $0x88, $3  }
0x1: {  	(tag) =	ssettag $0x0;
	lr =	simm.s32 $0x1  }
0x2: {  	[smem:$0x3F99] =	sst lr;
	_ =	strace $0xD0000000  }
0x3: {  	_ = 	snop  }
0x4: {  	_ = 	snop  }
0x5: {  	_ = 	snop  }
0x6: {  	_ = 	snop  }
0x7: {  	_ = 	snop  }
__scs_overlays_trampoline_lowered:
0x8: {  	[smem:$0x3FA8] =	sst s0  }
0x9: {  	[smem:$0x3FA9] =	sst s1  }
0xa: {  	[smem:$0x3FAA] =	sst s2  }
0xb: {  	[smem:$0x3FAB] =	sst s3  }
0xc: {  	[smem:$0x3FAC] =	sst s4  }
0xd: {  	[smem:$0x3FAD] =	sst s5  }
0xe: {  	[smem:$0x3FAE] =	sst s6  }
0xf: {  	[smem:$0x3FAF] =	sst s7  }
0x10: {  	[smem:$0x3FB0] =	sst s8  }
0x11: {  	[smem:$0x3FB1] =	sst s9;
	s0 =	simm.s32 @!p0 $0x0  }
0x12: {  	s1 =	sld [smem:$0x3F97];
	s0 =	simm.s32 @p0 $0x1  }
0x13: {  	[smem:$0x3FB2] =	sst s0;
	s0 =	simm.s32 @!p1 $0x0  }
0x14: {  	s2 =	sld [smem:$0x3F96];
	s0 =	simm.s32 @p1 $0x1  }
0x15: {  	[smem:$0x3FB3] =	sst s0;
	s0 =	simm.s32 @!p2 $0x0  }
0x16: {  	s3 =	sld [smem:$0x3FDB];
	s0 =	simm.s32 @p2 $0x1  }
0x17: {  	s4 =	simm.s32 $0x1BF5;
	[smem:$0x3FB5] =	sst s0  }
0x18: {  	s0 =	sld [smem:$0x3F98];
	_ =	swait.ge [sflag:s4], $0x0  }
0x19: {  	s7 =	sld [smem:$0x3F99]  }
0x1a: {  	s8 =	sadd.s32 $0xFFFFE003, lr  }
0x1b: {  	s9 =	sadd.s32 $0xFFFFFEF7, lr;
	s5 =	simm.s32 $0xFFFFFFFF;
	p2 =	slt.u32 s8, $0xFFFFF086  }
0x1c: {  	p1 =	slt.u32 s9, $0xF7A;
	s5 =	simm.s32 @!p2 $0x0  }
0x1d: {  	s5 =	simm.s32 @p1 $0x1;
	p0 =	seq.s32 s7, s2  }
0x1e: {  	s7 =	smul.u32 @!p0 $0xF7A, s2;
	p2 =	seq.s32 @!p0 s5, $0x0  }
0x1f: {  	s9 =	smul.u32 $0xF7A, s1;
	s8 =	simm.s32 @!p0 $0x1BF5;
	p2 =	por !p2, p0  }
0x20: {  	[sflag:s8] =	ssyncset.s32 @!p0 $0xFFFFF086;
	s6 =	sadd.s32 @!p0 s3, s7;
	s7 =	simm.s32 @!p0 $0x108  }
0x21: {  	s3 =	sadd.s32 s3, s9;
	s6 =	sadd.s32 @!p0 $0x88, s6;
	s7 =	simm.s32 @p2 $0x1082  }
0x22: {  	[simem:s7], [sflag:s8] =	dma.local @!p0 [hbm:s6], $0xF7A  }
0x23: {  	s9 =	sor.u32 $0xD0000000, s2;
	s6 =	simm.s32 $0x108;
	_ =	swait.ge @!p0 [sflag:s8], $0x0  }
0x24: {  	s3 =	sadd.s32 $0x88, s3;
	s6 =	simm.s32 @!p1 $0x1082;
	[sflag:s4] =	ssyncset.s32 $0xFFFFF086  }
0x25: {  	[simem:s6], [sflag:s4] =	dma.local [hbm:s3], $0xF7A  }
0x26: {  	[smem:$0x3F99] =	sst s1;
	(tag) =	ssettag s2;
	_ =	strace s9  }
0x27: {  	s1 =	sld [smem:$0x3FA9]  }
0x28: {  	s2 =	sld [smem:$0x3FAA]  }
0x29: {  	s4 =	sld [smem:$0x3FAC]  }
0x2a: {  	p0 =	seq.s32 s5, $0x0;
	s5 =	sld [smem:$0x3FAD]  }
0x2b: {  	s6 =	sld [smem:$0x3FAE]  }
0x2c: {  	s7 =	sld [smem:$0x3FAF]  }
0x2d: {  	s3 =	simm.s32 $0x108;
	s8 =	sld [smem:$0x3FB0]  }
0x2e: {  	s3 =	simm.s32 @!p0 $0x1082;
	s9 =	sld [smem:$0x3FB1]  }
0x2f: {  	lr =	sadd.s32 s0, s3;
	s0 =	sld [smem:$0x3FA8]  }
0x30: {  	s3 =	sld [smem:$0x3FAB]  }
0x31: {  	[smem:$0x3FB4] =	sst s10  }
0x32: {  	s10 =	sld [smem:$0x3FB2];
	_ =	sdelay $0x3  }
0x33: {  	p0 =	seq.s32 s10, $0x1;
	s10 =	sld [smem:$0x3FB4];
	_ =	sdelay $0x3  }
0x34: {  	[smem:$0x3FB4] =	sst s10  }
0x35: {  	s10 =	sld [smem:$0x3FB3];
	_ =	sdelay $0x3  }
0x36: {  	p1 =	seq.s32 s10, $0x1;
	s10 =	sld [smem:$0x3FB4];
	_ =	sdelay $0x3  }
0x37: {  	[smem:$0x3FB4] =	sst s10  }
0x38: {  	s10 =	sld [smem:$0x3FB5]  }
0x39: {  	_ = 	snop;
	(pc) =	sbr.ind lr, $3  }
0x3a: {  	_ = 	snop  }
0x3b: {  	_ = 	snop  }
0x3c: {  	p2 =	seq.s32 s10, $0x1;
	s10 =	sld [smem:$0x3FB4]  }
0x3d: {  	_ =	shalt  }
0x3e: {  	_ =	shalt  }
0x3f: {  	_ =	shalt  }
0x40: {  	_ =	shalt  }
0x41: {  	_ =	shalt  }
0x42: {  	_ =	shalt  }
0x43: {  	_ =	shalt  }
0x44: {  	_ =	shalt  }
0x45: {  	_ =	shalt  }
0x46: {  	_ =	shalt  }
0x47: {  	_ =	shalt  }
0x48: {  	_ =	shalt  }
0x49: {  	_ =	shalt  }
0x4a: {  	_ =	shalt  }
0x4b: {  	_ =	shalt  }
0x4c: {  	_ =	shalt  }
0x4d: {  	_ =	shalt  }
0x4e: {  	_ =	shalt  }
0x4f: {  	_ =	shalt  }
0x50: {  	_ =	shalt  }
0x51: {  	_ =	shalt  }
0x52: {  	_ =	shalt  }
0x53: {  	_ =	shalt  }
0x54: {  	_ =	shalt  }
0x55: {  	_ =	shalt  }
0x56: {  	_ =	shalt  }
0x57: {  	_ =	shalt  }
0x58: {  	_ =	shalt  }
0x59: {  	_ =	shalt  }
0x5a: {  	_ =	shalt  }
0x5b: {  	_ =	shalt  }
0x5c: {  	_ =	shalt  }
0x5d: {  	_ =	shalt  }
0x5e: {  	_ =	shalt  }
0x5f: {  	_ =	shalt  }
0x60: {  	_ =	shalt  }
0x61: {  	_ =	shalt  }
0x62: {  	_ =	shalt  }
0x63: {  	_ =	shalt  }
0x64: {  	_ =	shalt  }
0x65: {  	_ =	shalt  }
0x66: {  	_ =	shalt  }
0x67: {  	_ =	shalt  }
0x68: {  	_ =	shalt  }
0x69: {  	_ =	shalt  }
0x6a: {  	_ =	shalt  }
0x6b: {  	_ =	shalt  }
0x6c: {  	_ =	shalt  }
0x6d: {  	_ =	shalt  }
0x6e: {  	_ =	shalt  }
0x6f: {  	_ =	shalt  }
0x70: {  	_ =	shalt  }
0x71: {  	_ =	shalt  }
0x72: {  	_ =	shalt  }
0x73: {  	_ =	shalt  }
0x74: {  	_ =	shalt  }
0x75: {  	_ =	shalt  }
0x76: {  	_ =	shalt  }
0x77: {  	_ =	shalt  }
0x78: {  	_ =	shalt  }
0x79: {  	_ =	shalt  }
0x7a: {  	_ =	shalt  }
0x7b: {  	_ =	shalt  }
0x7c: {  	_ =	shalt  }
0x7d: {  	_ =	shalt  }
0x7e: {  	_ =	shalt  }
0x7f: {  	_ =	shalt  }
0x80: {  	_ =	shalt  }
0x81: {  	_ =	shalt  }
0x82: {  	_ =	shalt  }
0x83: {  	_ =	shalt  }
0x84: {  	_ =	shalt  }
0x85: {  	_ =	shalt  }
0x86: {  	_ =	shalt  }
0x87: {  	_ =	shalt  }
.Lfunc_end0:
.L_simem_size_0:
called_computation.1_lowered:
.L_overlay_start_0:
0x88: {  	s2 =	sld [smem:$0x3FD9]  }
0x89: {  	s3 =	sld [smem:$0x3FFE];
	_ =	sdelay $0x1  }
0x8a: {  	s1 =	srdreg.scid  }
0x8b: {  	s0 =	sand.u32 $0x1, s1  }
0x8c: {  	s17 =	sshll.u32 s0, $0xA;
	s2 =	sadd.s32 s3, s2  }
0x8d: {  	s2 =	sadd.s32 s2, s17  }
0x8e: {  	[smem:$0x3FC0] =	sst s2  }
0x8f: {  	_ = 	snop  }
0x90: {  	s2 =	sld [smem:$0x3FC9]  }
0x91: {  	s18 =	sld [smem:$0x3FD0];
	(tm) =	ssettm $0x1  }
0x92: {  	s4 =	sld [smem:$0x3FFB];
	_ =	sdelay $0x3  }
0x93: {  	_ =	strace s4  }
0x94: {  	s4 =	sld [smem:$0x3FFC];
	_ =	sdelay $0x3  }
0x95: {  	_ =	strace s4  }
0x96: {  	s4 =	sld [smem:$0x3FFD];
	_ =	sdelay $0x3  }
0x97: {  	_ =	strace s4  }
0x98: {  	_ =	strace $0x8FFFFFFF  }
0x99: {  	s19 =	sld [smem:$0x3FDB];
	_ =	sdelay $0x1  }
0x9a: {  	s5 =	simm.s32 $_scs_section_size  }
0x9b: {  	s6 =	simm.s32 $_size__tile_overlayer_lowered;
	s7 =	simm.s32 $_tile_overlayer_lowered  }
0x9c: {  	s22 =	simm.s32 $0x1BFF;
	s21 =	sshll.u32 s7, $0x1;
	s4 =	sadd.s32 s5, s19  }
0x9d: {  	s8 =	simm.s32 $0x0;
	s20 =	sshll.u32 s6, $0x1;
	s6 =	sadd.s32 s21, s4  }
0x9e: {  	[timem:s8], [sflag:s22] =	dma.local [hbm:s6], s20  }
0x9f: {  	_ =	swait.ge [sflag:s22], s20  }
0xa0: {  	s5 =	ssub.s32 $0x0, s20;
	[sflag:s22] =	ssyncset.done $0x0  }
0xa1: {  	[sflag:s22] =	ssyncadd.s32 s5;
	_ =	sdelay $0x1  }
0xa2: {  	s23 =	simm.s32 $0x1B8B  }
0xa3: {  	_ =	swait.ge [sflag:s23], $0x1  }
0xa4: {  	[sflag:s23] =	ssyncset.done $0x0  }
0xa5: {  	s25 =	simm.s32 $0x1B8E;
	s24 =	sld [smem:$0x3FFE];
	[sflag:s23] =	ssyncadd.s32 $0xFFFFFFFF  }
0xa6: {  	s26 =	simm.s32 $execute0_lowered;
	[smem:$0x3FD2] =	sst s25  }
0xa7: {  	s6 =	sshll.u32 s26, $0x1;
	_ =	strace $0x80000046;
	[dreg:$0x1] =	wrdreg $0xFFFFFFFF  }
0xa8: {  	s28 =	simm.s32 $_size_execute0_lowered;
	s4 =	sadd.s32 s4, s6;
	[dreg:$0x0] =	wrdreg $0x0  }
0xa9: {  	s6 =	sshll.u32 s28, $0x1;
	[dreg:$0x2] =	wrdreg s4  }
0xaa: {  	[dreg:$0x3] =	wrdreg s6  }
0xab: {  	[dreg:$0x4] =	wrdreg $0xC0  }
0xac: {  	_ =	task [dreg:s8], $0x5FFFF  }
0xad: {  	[dreg:$0x1] =	wrdreg $0xFFFFFFFF  }
0xae: {  	[dreg:$0x0] =	wrdreg $0x60  }
0xaf: {  	[dreg:$0x2] =	wrdreg s2  }
0xb0: {  	[dreg:$0x3] =	wrdreg s24  }
0xb1: {  	[dreg:$0x4] =	wrdreg s18  }
0xb2: {  	[dreg:$0x5] =	wrdreg $0x82000  }
0xb3: {  	[dreg:$0x6] =	wrdreg $0xA  }
0xb4: {  	_ =	task.clear_ibuf [dreg:s8], $0x7FFFF;
	_ =	strace $0x90000046  }
0xb5: {  	s29 =	simm.s32 $0xA;
	_ =	strace $0x80000048  }
0xb6: {  	_ =	swait.ge [sflag:s29], $0x1  }
0xb7: {  	[sflag:s29] =	ssyncadd.s32 $0xFFFFFFFF  }
0xb8: {  	_ =	strace $0x90000048  }
0xb9: {  	_ =	sfence  }
0xba: {  	s30 =	sld [smem:$0x0];
	_ =	sdelay $0x2  }
0xbb: {  	s31 =	sshll.u32 s1, $0xD;
	s1 =	sshrl.u32 s1, $0x2  }
0xbc: {  	s3 =	sand.u32 $0x4000, s31;
	s1 =	sadd.s32 s1, s30  }
0xbd: {  	s0 =	sor.u32 s3, s0;
	s1 =	sshll.u32 s1, $0x11  }
0xbe: {  	s0 =	sor.u32 s1, s0  }
0xbf: {  	s0 =	sadd.s32 $0x8F2B, s0  }
0xc0: {  	[sflag:s0] =	ssyncadd.remote.s32 $0x1  }
0xc1: {  	_ =	sfence.sel $0xFFFF  }
0xc2: {  	[dreg:$0x0] =	wrdreg $0xFFFFFFFF;
	(pc) =	sbr.abs _section_cstart, $3  }
0xc3: {  	[dreg:$0x1] =	wrdreg $0xFFFFFFFF  }
0xc4: {  	_ =	task.clear_ibuf [dreg:s8], $0x2FFFF;
	_ =	strace $0x9FFFFFFF  }
0xc5: {  	(tm) =	ssettm $0x7FFFFFFF  }
tec
execute0_lowered:
.L_overlay_start_1:
0x0: {  	(tag) =	ssettag $0x1  }
0x1: {  	s1 =	rddreg [dreg:$0x0]  }
0x2: {  	s0 =	rddreg [dreg:$0x1]  }
0x3: {  	s2 =	rddreg [dreg:$0x2]  }
0x4: {  	s3 =	rddreg [dreg:$0x3];
	s5 =	srdreg.scid  }
0x5: {  	s9 =	stileid.u32;
	s4 =	simm.s32 $0x0;
	s28 =	simm.s32 $0x1  }
0x6: {  	s29 =	simm.s32 $0x2;
	s30 =	simm.s32 $0x0;
	s18 =	sand.u32 $0x1, s5  }
0x7: {  	s22 =	smul.u32 $0x278, s9;
	[smem:$0x7FF] =	sst s4;
	s19 =	sadd.s32 $0x2000, s0  }
0x8: {  	s7 =	smul.u32 $0x4F000, s9;
	s23 =	sadd.s32 $0xBE00, s0;
	s21 =	sshll.u32 s9, $0x4  }
0x9: {  	s6 =	smul.u32 $0x2780, s18;
	_ =	strace $0x80000047;
	[dreg:$0x5] =	wrdreg s23  }
0xa: {  	s8 =	ssub.s32 $0x2, s18;
	s25 =	sshll.u32 s18, $0x4;
	s12 =	sor.u32 $0x9C00, s21  }
0xb: {  	s31 =	sshll.u32 s18, $0x8;
	s23 =	simm.s32 $0x80;
	s24 =	sshrl.u32 s8, $0x1  }
0xc: {  	s7 =	sshrl.u32 s7, $0x2;
	s25 =	sor.u32 s9, s25;
	s26 =	sadd.s32 s19, s12  }
0xd: {  	s12 =	sadd.s32 s2, s12;
	s19 =	sadd.s32 s31, s19;
	s6 =	sadd.s32 s22, s6  }
0xe: {  	s20 =	ssub.s32 s8, s24;
	[dreg:$0x6] =	wrdreg s26;
	s19 =	sadd.s32 s21, s19  }
0xf: {  	s22 =	simm.s32 $0x3;
	s24 =	simm.s32 $0x4200;
	p0 =	sgt.u32 s25, $0x3  }
0x10: {  	s25 =	simm.s32 $0x100;
	s26 =	simm.s32 $0x180;
	s6 =	sshll.u32 s6, $0x4  }
0x11: {  	s18 =	smax.u32 s20, $0x1;
	s0 =	sadd.s32 s6, s0;
	s6 =	sadd.s32 s7, s3  }
0x12: {  	s7 =	sadd.s32 $0x4000, s6;
	s8 =	sadd.s32 $0x8000, s6;
	s9 =	sadd.s32 $0xC000, s6  }
0x13: {  	s13 =	sadd.s32 $0xC600, s0;
	s14 =	sadd.s32 $0xCE00, s0;
	s15 =	sadd.s32 $0xD600, s0  }
0x14: {  	s16 =	sadd.s32 $0xDE00, s0;
	s17 =	sadd.s32 $0xE600, s0;
	s0 =	sadd.s32 s31, s2  }
0x15: {  	s10 =	sadd.s32 $0x10000, s6;
	s20 =	sadd.s32 s21, s0;
	s21 =	simm.s32 $0x200  }
.LBB2_1:
0x16: {  	s0 =	rddreg [dreg:$0x5]  }
0x17: {  	[tilespmem:s21], [sflag:$0x3] =	stream.linear.gather [hbm4b:s0+s4], $0x4000, $0x38;
	[tilespmem:$0x1BE00] =	vst v63  }
0x18: {  	_ =	swait.ge [sflag:s22], $0x4000  }
0x19: {  	[sflag:s22] =	ssyncset.done $0x0  }
0x1a: {  	[sflag:s22] =	ssyncadd.s32 $0xFFFFC000  }
0x1b: {  	[spmem:s6] =	stream.linear.scatter [tilespmem:s21], [sflag:$0x3], $0x4000, $0x38;
	[tilespmem:$0x1BE00] =	vst v63  }
0x1c: {  	_ =	swait.ge [sflag:s22], $0x4000  }
0x1d: {  	[sflag:s22] =	ssyncset.done $0x0  }
0x1e: {  	[sflag:s22] =	ssyncadd.s32 $0xFFFFC000  }
0x1f: {  	[spmem:s7] =	stream.linear.scatter [tilespmem:s21], [sflag:$0x3], $0x4000, $0x38;
	[tilespmem:$0x1BE00] =	vst v63  }
0x20: {  	_ =	swait.ge [sflag:s22], $0x4000  }
0x21: {  	[sflag:s22] =	ssyncset.done $0x0  }
0x22: {  	[sflag:s22] =	ssyncadd.s32 $0xFFFFC000  }
0x23: {  	[spmem:s8] =	stream.linear.scatter [tilespmem:s21], [sflag:$0x3], $0x4000, $0x38;
	[tilespmem:$0x1BE00] =	vst v63  }
0x24: {  	_ =	swait.ge [sflag:s22], $0x4000  }
0x25: {  	[sflag:s22] =	ssyncset.done $0x0  }
0x26: {  	[sflag:s22] =	ssyncadd.s32 $0xFFFFC000  }
0x27: {  	[spmem:s9] =	stream.linear.scatter [tilespmem:s21], [sflag:$0x3], $0x4000, $0x38;
	[tilespmem:$0x1BE00] =	vst v63  }
0x28: {  	_ =	swait.ge [sflag:s22], $0x4000  }
0x29: {  	[sflag:s22] =	ssyncset.done $0x0  }
0x2a: {  	[sflag:s22] =	ssyncadd.s32 $0xFFFFC000  }
0x2b: {  	[spmem:s10] =	stream.linear.scatter [tilespmem:s21], [sflag:$0x3], $0x3C00, $0x38;
	[tilespmem:$0x1BE00] =	vst v63  }
0x2c: {  	_ =	swait.ge [sflag:s22], $0x3C00  }
0x2d: {  	[sflag:s22] =	ssyncset.done $0x0  }
0x2e: {  	[sflag:s22] =	ssyncadd.s32 $0xFFFFC400  }
0x2f: {  	s5 =	sadd.s32 $0x0, s19;
	[bflag:$0x0] =	sbarrier.arrive $0xFFFF  }
0x30: {  	[tilespmem:s4], [sflag:$0x3] =	stream.linear.gather [hbm4b:s5+s4], $0x80, $0x38;
	[tilespmem:$0x1BE00] =	vst v63  }
0x31: {  	_ =	swait.ge [sflag:s22], $0x80  }
0x32: {  	[sflag:s22] =	ssyncset.done $0x0  }
0x33: {  	[sflag:s22] =	ssyncadd.s32 $0xFFFFFF80  }
0x34: {  	[tilespmem:s21], [sflag:$0x1] =	stream.indirect.gather [hbm4b:s1+s23], $0x80, s4, s23, $0xb8;
	[tilespmem:$0x1BE00] =	vst v63  }
0x35: {  	s0 =	sadd.s32 $0x200, s5  }
0x36: {  	[tilespmem:s23], [sflag:$0x3] =	stream.linear.gather [hbm4b:s0+s4], $0x80, $0x38;
	[tilespmem:$0x1BE00] =	vst v63  }
0x37: {  	_ =	swait.ge [sflag:s22], $0x80  }
0x38: {  	[sflag:s22] =	ssyncset.done $0x0  }
0x39: {  	[sflag:s22] =	ssyncadd.s32 $0xFFFFFF80  }
0x3a: {  	[tilespmem:s24], [sflag:$0x2] =	stream.indirect.gather [hbm4b:s1+s23], $0x80, s23, s23, $0xb8;
	[tilespmem:$0x1BE00] =	vst v63  }
0x3b: {  	s11 =	sadd.s32 $0x0, s20  }
0x3c: {  	[tilespmem:s25], [sflag:$0x3] =	stream.linear.gather [hbm4b:s11+s4], $0x80, $0x38;
	[tilespmem:$0x1BE00] =	vst v63  }
0x3d: {  	_ =	swait.ge [sflag:s22], $0x80  }
0x3e: {  	[sflag:s22] =	ssyncset.done $0x0  }
0x3f: {  	s0 =	sadd.s32 $0x200, s11;
	[sflag:s22] =	ssyncadd.s32 $0xFFFFFF80  }
0x40: {  	[tilespmem:s26], [sflag:$0x3] =	stream.linear.gather [hbm4b:s0+s4], $0x80, $0x38;
	[tilespmem:$0x1BE00] =	vst v63  }
0x41: {  	_ =	swait.ge [sflag:s22], $0x80  }
0x42: {  	[sflag:s22] =	ssyncset.done $0x0  }
0x43: {  	[sflag:s22] =	ssyncadd.s32 $0xFFFFFF80  }
0x44: {  	_ =	swait.ge [sflag:s28], $0x4000  }
0x45: {  	[sflag:s28] =	ssyncset.done $0x0  }
0x46: {  	[sflag:s28] =	ssyncadd.s32 $0xFFFFC000  }
0x47: {  	[spmem:s3] =	stream.indirect.scatter.add.f32 [tilespmem:s21], [sflag:$0x3], $0x80, s25, s23, $0xb8;
	[tilespmem:$0x1BE00] =	vst v63  }
0x48: {  	_ =	swait.ge [sflag:s22], $0x4000  }
0x49: {  	[sflag:s22] =	ssyncset.done $0x0  }
0x4a: {  	[sflag:s22] =	ssyncadd.s32 $0xFFFFC000  }
0x4b: {  	_ =	swait.ge [sflag:s29], $0x4000  }
0x4c: {  	[sflag:s29] =	ssyncset.done $0x0  }
0x4d: {  	[sflag:s29] =	ssyncadd.s32 $0xFFFFC000  }
0x4e: {  	[spmem:s3] =	stream.indirect.scatter.add.f32 [tilespmem:s24], [sflag:$0x3], $0x80, s26, s23, $0xb8;
	[tilespmem:$0x1BE00] =	vst v63  }
0x4f: {  	_ =	swait.ge [sflag:s22], $0x4000  }
0x50: {  	s31 =	simm.s32 $0x400;
	s0 =	simm.s32 $0x800;
	[sflag:s22] =	ssyncset.done $0x0  }
.LBB2_2:
0x51: {  	s5 =	sadd.s32 s31, s19  }
0x52: {  	[sflag:s22] =	ssyncadd.s32 $0xFFFFC000;
	s11 =	smov.u32 s0;
	s2 =	sadd.s32 $0x400, s0  }
0x53: {  	[tilespmem:s4], [sflag:$0x3] =	stream.linear.gather [hbm4b:s5+s4], $0x80, $0x38;
	[tilespmem:$0x1BE00] =	vst v63  }
0x54: {  	p1 =	sne.s32 s0, $0x9800;
	_ =	swait.ge [sflag:s22], $0x80  }
0x55: {  	[sflag:s22] =	ssyncset.done $0x0  }
0x56: {  	[sflag:s22] =	ssyncadd.s32 $0xFFFFFF80  }
0x57: {  	[tilespmem:s21], [sflag:$0x1] =	stream.indirect.gather [hbm4b:s1+s23], $0x80, s4, s23, $0xb8;
	[tilespmem:$0x1BE00] =	vst v63  }
0x58: {  	s0 =	sadd.s32 $0x200, s5  }
0x59: {  	[tilespmem:s23], [sflag:$0x3] =	stream.linear.gather [hbm4b:s0+s4], $0x80, $0x38;
	[tilespmem:$0x1BE00] =	vst v63  }
0x5a: {  	_ =	swait.ge [sflag:s22], $0x80  }
0x5b: {  	[sflag:s22] =	ssyncset.done $0x0  }
0x5c: {  	[sflag:s22] =	ssyncadd.s32 $0xFFFFFF80  }
0x5d: {  	[tilespmem:s24], [sflag:$0x2] =	stream.indirect.gather [hbm4b:s1+s23], $0x80, s23, s23, $0xb8;
	[tilespmem:$0x1BE00] =	vst v63  }
0x5e: {  	s0 =	sadd.s32 s31, s20;
	s31 =	smov.u32 s11  }
0x5f: {  	[tilespmem:s25], [sflag:$0x3] =	stream.linear.gather [hbm4b:s0+s4], $0x80, $0x38;
	[tilespmem:$0x1BE00] =	vst v63  }
0x60: {  	_ =	swait.ge [sflag:s22], $0x80  }
0x61: {  	[sflag:s22] =	ssyncset.done $0x0  }
0x62: {  	s0 =	sadd.s32 $0x200, s0;
	[sflag:s22] =	ssyncadd.s32 $0xFFFFFF80  }
0x63: {  	[tilespmem:s26], [sflag:$0x3] =	stream.linear.gather [hbm4b:s0+s4], $0x80, $0x38;
	[tilespmem:$0x1BE00] =	vst v63  }
0x64: {  	_ =	swait.ge [sflag:s22], $0x80  }
0x65: {  	[sflag:s22] =	ssyncset.done $0x0  }
0x66: {  	[sflag:s22] =	ssyncadd.s32 $0xFFFFFF80  }
0x67: {  	_ =	swait.ge [sflag:s28], $0x4000  }
0x68: {  	[sflag:s28] =	ssyncset.done $0x0  }
0x69: {  	[sflag:s28] =	ssyncadd.s32 $0xFFFFC000  }
0x6a: {  	[spmem:s3] =	stream.indirect.scatter.add.f32 [tilespmem:s21], [sflag:$0x3], $0x80, s25, s23, $0xb8;
	[tilespmem:$0x1BE00] =	vst v63  }
0x6b: {  	_ =	swait.ge [sflag:s22], $0x4000  }
0x6c: {  	[sflag:s22] =	ssyncset.done $0x0  }
0x6d: {  	[sflag:s22] =	ssyncadd.s32 $0xFFFFC000  }
0x6e: {  	_ =	swait.ge [sflag:s29], $0x4000  }
.Ltmp0:
0x6f: {  	[sflag:s29] =	ssyncset.done $0x0;
	(pc) =	sbr.rel @p1 .LBB2_2-.Ltmp0, $4  }
0x70: {  	[sflag:s29] =	ssyncadd.s32 $0xFFFFC000  }
0x71: {  	[spmem:s3] =	stream.indirect.scatter.add.f32 [tilespmem:s24], [sflag:$0x3], $0x80, s26, s23, $0xb8;
	[tilespmem:$0x1BE00] =	vst v63  }
0x72: {  	_ =	swait.ge [sflag:s22], $0x4000  }
0x73: {  	s0 =	smov.u32 s2;
	[sflag:s22] =	ssyncset.done $0x0  }
0x74: {  	s0 =	sadd.s32 s31, s19;
	[sflag:s22] =	ssyncadd.s32 $0xFFFFC000  }
0x75: {  	[tilespmem:s4], [sflag:$0x3] =	stream.linear.gather [hbm4b:s0+s4], $0x80, $0x38;
	[tilespmem:$0x1BE00] =	vst v63  }
0x76: {  	_ =	swait.ge [sflag:s22], $0x80  }
0x77: {  	[sflag:s22] =	ssyncset.done $0x0  }
0x78: {  	[sflag:s22] =	ssyncadd.s32 $0xFFFFFF80  }
0x79: {  	[tilespmem:s21], [sflag:$0x1] =	stream.indirect.gather [hbm4b:s1+s23], $0x80, s4, s23, $0xb8;
	[tilespmem:$0x1BE00] =	vst v63  }
0x7a: {  	s0 =	sadd.s32 $0x200, s0  }
0x7b: {  	[tilespmem:s23], [sflag:$0x3] =	stream.linear.gather [hbm4b:s0+s4], $0x80, $0x38;
	[tilespmem:$0x1BE00] =	vst v63  }
0x7c: {  	_ =	swait.ge [sflag:s22], $0x80  }
0x7d: {  	[sflag:s22] =	ssyncset.done $0x0  }
0x7e: {  	[sflag:s22] =	ssyncadd.s32 $0xFFFFFF80  }
0x7f: {  	[tilespmem:s24], [sflag:$0x2] =	stream.indirect.gather [hbm4b:s1+s23], $0x80, s23, s23, $0xb8;
	[tilespmem:$0x1BE00] =	vst v63  }
0x80: {  	s31 =	sadd.s32 s31, s20  }
0x81: {  	[tilespmem:s25], [sflag:$0x3] =	stream.linear.gather [hbm4b:s31+s4], $0x80, $0x38;
	[tilespmem:$0x1BE00] =	vst v63  }
0x82: {  	_ =	swait.ge [sflag:s22], $0x80  }
0x83: {  	[sflag:s22] =	ssyncset.done $0x0  }
0x84: {  	s0 =	sadd.s32 $0x200, s31;
	[sflag:s22] =	ssyncadd.s32 $0xFFFFFF80  }
0x85: {  	[tilespmem:s26], [sflag:$0x3] =	stream.linear.gather [hbm4b:s0+s4], $0x80, $0x38;
	[tilespmem:$0x1BE00] =	vst v63  }
0x86: {  	_ =	swait.ge [sflag:s22], $0x80  }
0x87: {  	[sflag:s22] =	ssyncset.done $0x0  }
0x88: {  	[sflag:s22] =	ssyncadd.s32 $0xFFFFFF80  }
0x89: {  	_ =	swait.ge [sflag:s28], $0x4000  }
0x8a: {  	[sflag:s28] =	ssyncset.done $0x0  }
0x8b: {  	[sflag:s28] =	ssyncadd.s32 $0xFFFFC000  }
0x8c: {  	[spmem:s3] =	stream.indirect.scatter.add.f32 [tilespmem:s21], [sflag:$0x3], $0x80, s25, s23, $0xb8;
	[tilespmem:$0x1BE00] =	vst v63  }
0x8d: {  	_ =	swait.ge [sflag:s22], $0x4000  }
0x8e: {  	[sflag:s22] =	ssyncset.done $0x0  }
0x8f: {  	[sflag:s22] =	ssyncadd.s32 $0xFFFFC000  }
0x90: {  	_ =	swait.ge [sflag:s29], $0x4000  }
0x91: {  	[sflag:s29] =	ssyncset.done $0x0  }
0x92: {  	[sflag:s29] =	ssyncadd.s32 $0xFFFFC000  }
0x93: {  	[spmem:s3] =	stream.indirect.scatter.add.f32 [tilespmem:s24], [sflag:$0x3], $0x80, s26, s23, $0xb8;
	[tilespmem:$0x1BE00] =	vst v63  }
0x94: {  	_ =	swait.ge [sflag:s22], $0x4000  }
0x95: {  	[sflag:s22] =	ssyncset.done $0x0  }
0x96: {  	s0 =	simm.s32 @!p0 $0x0;
	s2 =	rddreg [dreg:$0x6];
	[sflag:s22] =	ssyncadd.s32 $0xFFFFC000  }
0x97: {  	[tilespmem:s0], [sflag:$0x3] =	stream.linear.gather @!p0 [hbm4b:s2+s0], $0x80, $0x38;
	[tilespmem:$0x1BE00] =	vst v63  }
0x98: {  	s2 =	simm.s32 @!p0 $0x3  }
0x99: {  	_ =	swait.ge @!p0 [sflag:s2], $0x80  }
0x9a: {  	[sflag:s2] =	ssyncset.done @!p0 $0x0  }
0x9b: {  	s5 =	simm.s32 @!p0 $0x80;
	s11 =	simm.s32 @!p0 $0x200;
	[sflag:s2] =	ssyncadd.s32 @!p0 $0xFFFFFF80  }
0x9c: {  	[tilespmem:s11], [sflag:$0x1] =	stream.indirect.gather @!p0 [hbm4b:s1+s5], $0x80, s0, s5, $0xb8;
	[tilespmem:$0x1BE00] =	vst v63  }
0x9d: {  	s31 =	simm.s32 @!p0 $0x100  }
0x9e: {  	[tilespmem:s31], [sflag:$0x3] =	stream.linear.gather @!p0 [hbm4b:s12+s0], $0x80, $0x38;
	[tilespmem:$0x1BE00] =	vst v63  }
0x9f: {  	_ =	swait.ge @!p0 [sflag:s2], $0x80  }
0xa0: {  	[sflag:s2] =	ssyncset.done @!p0 $0x0  }
0xa1: {  	s0 =	simm.s32 @!p0 $0x1;
	[sflag:s2] =	ssyncadd.s32 @!p0 $0xFFFFFF80  }
0xa2: {  	_ =	swait.ge @!p0 [sflag:s0], $0x4000  }
0xa3: {  	[sflag:s0] =	ssyncset.done @!p0 $0x0  }
0xa4: {  	[sflag:s0] =	ssyncadd.s32 @!p0 $0xFFFFC000  }
0xa5: {  	[spmem:s3] =	stream.indirect.scatter.add.f32 @!p0 [tilespmem:s11], [sflag:$0x3], $0x80, s31, s5, $0xb8;
	[tilespmem:$0x1BE00] =	vst v63  }
0xa6: {  	_ =	swait.ge @!p0 [sflag:s2], $0x4000  }
0xa7: {  	[sflag:s2] =	ssyncset.done @!p0 $0x0  }
0xa8: {  	[sflag:s2] =	ssyncadd.s32 @!p0 $0xFFFFC000  }
0xa9: {  	[bflag:$0x0] =	sbarrier.arrive $0xFFFF  }
0xaa: {  	[tilespmem:s21], [sflag:$0x3] =	stream.linear.gather [spmem:s6], $0x4000, $0x38;
	[tilespmem:$0x1BE00] =	vst v63  }
0xab: {  	_ =	swait.ge [sflag:s22], $0x4000  }
0xac: {  	[sflag:s22] =	ssyncset.done $0x0  }
0xad: {  	[sflag:s22] =	ssyncadd.s32 $0xFFFFC000  }
0xae: {  	[hbm4b:s13+s4] =	stream.linear.scatter [tilespmem:s21], [sflag:$0x3], $0x4000, $0x38;
	[tilespmem:$0x1BE00] =	vst v63  }
0xaf: {  	_ =	swait.ge [sflag:s22], $0x4000  }
0xb0: {  	[sflag:s22] =	ssyncset.done $0x0  }
0xb1: {  	[sflag:s22] =	ssyncadd.s32 $0xFFFFC000  }
0xb2: {  	[tilespmem:s21], [sflag:$0x3] =	stream.linear.gather [spmem:s7], $0x4000, $0x38;
	[tilespmem:$0x1BE00] =	vst v63  }
0xb3: {  	_ =	swait.ge [sflag:s22], $0x4000  }
0xb4: {  	[sflag:s22] =	ssyncset.done $0x0  }
0xb5: {  	[sflag:s22] =	ssyncadd.s32 $0xFFFFC000  }
0xb6: {  	[hbm4b:s14+s4] =	stream.linear.scatter [tilespmem:s21], [sflag:$0x3], $0x4000, $0x38;
	[tilespmem:$0x1BE00] =	vst v63  }
0xb7: {  	_ =	swait.ge [sflag:s22], $0x4000  }
0xb8: {  	[sflag:s22] =	ssyncset.done $0x0  }
0xb9: {  	[sflag:s22] =	ssyncadd.s32 $0xFFFFC000  }
0xba: {  	[tilespmem:s21], [sflag:$0x3] =	stream.linear.gather [spmem:s8], $0x4000, $0x38;
	[tilespmem:$0x1BE00] =	vst v63  }
0xbb: {  	_ =	swait.ge [sflag:s22], $0x4000  }
0xbc: {  	[sflag:s22] =	ssyncset.done $0x0  }
0xbd: {  	[sflag:s22] =	ssyncadd.s32 $0xFFFFC000  }
0xbe: {  	[hbm4b:s15+s4] =	stream.linear.scatter [tilespmem:s21], [sflag:$0x3], $0x4000, $0x38;
	[tilespmem:$0x1BE00] =	vst v63  }
0xbf: {  	_ =	swait.ge [sflag:s22], $0x4000  }
0xc0: {  	[sflag:s22] =	ssyncset.done $0x0  }
0xc1: {  	[sflag:s22] =	ssyncadd.s32 $0xFFFFC000  }
0xc2: {  	[tilespmem:s21], [sflag:$0x3] =	stream.linear.gather [spmem:s9], $0x4000, $0x38;
	[tilespmem:$0x1BE00] =	vst v63  }
0xc3: {  	_ =	swait.ge [sflag:s22], $0x4000  }
0xc4: {  	[sflag:s22] =	ssyncset.done $0x0  }
0xc5: {  	[sflag:s22] =	ssyncadd.s32 $0xFFFFC000  }
0xc6: {  	[hbm4b:s16+s4] =	stream.linear.scatter [tilespmem:s21], [sflag:$0x3], $0x4000, $0x38;
	[tilespmem:$0x1BE00] =	vst v63  }
0xc7: {  	_ =	swait.ge [sflag:s22], $0x4000  }
0xc8: {  	[sflag:s22] =	ssyncset.done $0x0  }
0xc9: {  	[sflag:s22] =	ssyncadd.s32 $0xFFFFC000  }
0xca: {  	[tilespmem:s21], [sflag:$0x3] =	stream.linear.gather [spmem:s10], $0x3C00, $0x38;
	[tilespmem:$0x1BE00] =	vst v63  }
0xcb: {  	s30 =	sadd.s32 $0x1, s30;
	_ =	swait.ge [sflag:s22], $0x3C00  }
0xcc: {  	p1 =	sne.s32 s30, s18;
	[sflag:s22] =	ssyncset.done $0x0  }
.Ltmp1:
0xcd: {  	[sflag:s22] =	ssyncadd.s32 $0xFFFFC400;
	(pc) =	sbr.rel @p1 .LBB2_1-.Ltmp1, $4  }
0xce: {  	[hbm4b:s17+s4] =	stream.linear.scatter [tilespmem:s21], [sflag:$0x3], $0x3C00, $0x38;
	[tilespmem:$0x1BE00] =	vst v63  }
0xcf: {  	_ =	swait.ge [sflag:s22], $0x3C00  }
0xd0: {  	[sflag:s22] =	ssyncset.done $0x0  }
0xd1: {  	[sflag:s22] =	ssyncadd.s32 $0xFFFFC400  }
0xd2: {  	_ =	sfence.sel $0x180000  }
0xd3: {  	[bflag:$0x0] =	sbarrier.arrive $0xFFFF  }
0xd4: {  	_ =	strace $0x90000047  }
0xd5: {  	s0 =	stileid.u32;
	[bflag:$0x2] =	sbarrier.arrive $0xFFFF  }
0xd6: {  	p0 =	sne.s32 s0, $0x0;
	s0 =	rddreg [dreg:$0x4]  }
0xd7: {  	s0 =	sadd.s32 @!p0 $0x100000, s0  }
0xd8: {  	[sflag:s0] =	ssyncadd.tile.s32 @!p0 $0x1;
	_ =	shalt  }
.Lfunc_end2:
_tile_overlayer_lowered:
.L_overlay_start_2:
0xd9: {  	(tag) =	ssettag $0x2  }
0xda: {  	s0 =	rddreg [dreg:$0x0];
	s2 =	stileid.u32  }
0xdb: {  	s1 =	rddreg [dreg:$0x1];
	p0 =	sne.s32 s2, $0x0  }
0xdc: {  	s3 =	rddreg [dreg:$0x2];
	[bflag:$0x3] =	sbarrier.arrive $0xFFFF;
	s2 =	simm.s32 @!p0 $0x1C03  }
0xdd: {  	[timem:s3], [sflag:s2] =	dma.local @!p0 [hbm:s0], s1  }
0xde: {  	s0 =	simm.s32 @!p0 $0x3  }
0xdf: {  	_ =	swait.ge @!p0 [sflag:s0], s1  }
0xe0: {  	s1 =	ssub.s32 @!p0 $0x0, s1;
	[sflag:s0] =	ssyncset.done @!p0 $0x0  }
0xe1: {  	[sflag:s0] =	ssyncadd.s32 @!p0 s1  }
0xe2: {  	[bflag:$0x3] =	sbarrier.arrive $0xFFFF  }
0xe3: {  	_ =	shalt  }

// kernel: kernel.13.cloned.1.call-start
scs
__scs_entry_jumppad:
0x0: {  	(pc) =	sbr.rel $0x88, $3  }
0x1: {  	(tag) =	ssettag $0x0;
	lr =	simm.s32 $0x1  }
0x2: {  	[smem:$0x3F99] =	sst lr;
	_ =	strace $0xD0000000  }
0x3: {  	_ = 	snop  }
0x4: {  	_ = 	snop  }
0x5: {  	_ = 	snop  }
0x6: {  	_ = 	snop  }
0x7: {  	_ = 	snop  }
__scs_overlays_trampoline_lowered:
0x8: {  	[smem:$0x3FA8] =	sst s0  }
0x9: {  	[smem:$0x3FA9] =	sst s1  }
0xa: {  	[smem:$0x3FAA] =	sst s2  }
0xb: {  	[smem:$0x3FAB] =	sst s3  }
0xc: {  	[smem:$0x3FAC] =	sst s4  }
0xd: {  	[smem:$0x3FAD] =	sst s5  }
0xe: {  	[smem:$0x3FAE] =	sst s6  }
0xf: {  	[smem:$0x3FAF] =	sst s7  }
0x10: {  	[smem:$0x3FB0] =	sst s8  }
0x11: {  	[smem:$0x3FB1] =	sst s9;
	s0 =	simm.s32 @!p0 $0x0  }
0x12: {  	s1 =	sld [smem:$0x3F97];
	s0 =	simm.s32 @p0 $0x1  }
0x13: {  	[smem:$0x3FB2] =	sst s0;
	s0 =	simm.s32 @!p1 $0x0  }
0x14: {  	s2 =	sld [smem:$0x3F96];
	s0 =	simm.s32 @p1 $0x1  }
0x15: {  	[smem:$0x3FB3] =	sst s0;
	s0 =	simm.s32 @!p2 $0x0  }
0x16: {  	s3 =	sld [smem:$0x3FDB];
	s0 =	simm.s32 @p2 $0x1  }
0x17: {  	s4 =	simm.s32 $0x1BF5;
	[smem:$0x3FB5] =	sst s0  }
0x18: {  	s0 =	sld [smem:$0x3F98];
	_ =	swait.ge [sflag:s4], $0x0  }
0x19: {  	s7 =	sld [smem:$0x3F99]  }
0x1a: {  	s8 =	sadd.s32 $0xFFFFE003, lr  }
0x1b: {  	s9 =	sadd.s32 $0xFFFFFEF7, lr;
	s5 =	simm.s32 $0xFFFFFFFF;
	p2 =	slt.u32 s8, $0xFFFFF086  }
0x1c: {  	p1 =	slt.u32 s9, $0xF7A;
	s5 =	simm.s32 @!p2 $0x0  }
0x1d: {  	s5 =	simm.s32 @p1 $0x1;
	p0 =	seq.s32 s7, s2  }
0x1e: {  	s7 =	smul.u32 @!p0 $0xF7A, s2;
	p2 =	seq.s32 @!p0 s5, $0x0  }
0x1f: {  	s9 =	smul.u32 $0xF7A, s1;
	s8 =	simm.s32 @!p0 $0x1BF5;
	p2 =	por !p2, p0  }
0x20: {  	[sflag:s8] =	ssyncset.s32 @!p0 $0xFFFFF086;
	s6 =	sadd.s32 @!p0 s3, s7;
	s7 =	simm.s32 @!p0 $0x108  }
0x21: {  	s3 =	sadd.s32 s3, s9;
	s6 =	sadd.s32 @!p0 $0x88, s6;
	s7 =	simm.s32 @p2 $0x1082  }
0x22: {  	[simem:s7], [sflag:s8] =	dma.local @!p0 [hbm:s6], $0xF7A  }
0x23: {  	s9 =	sor.u32 $0xD0000000, s2;
	s6 =	simm.s32 $0x108;
	_ =	swait.ge @!p0 [sflag:s8], $0x0  }
0x24: {  	s3 =	sadd.s32 $0x88, s3;
	s6 =	simm.s32 @!p1 $0x1082;
	[sflag:s4] =	ssyncset.s32 $0xFFFFF086  }
0x25: {  	[simem:s6], [sflag:s4] =	dma.local [hbm:s3], $0xF7A  }
0x26: {  	[smem:$0x3F99] =	sst s1;
	(tag) =	ssettag s2;
	_ =	strace s9  }
0x27: {  	s1 =	sld [smem:$0x3FA9]  }
0x28: {  	s2 =	sld [smem:$0x3FAA]  }
0x29: {  	s4 =	sld [smem:$0x3FAC]  }
0x2a: {  	p0 =	seq.s32 s5, $0x0;
	s5 =	sld [smem:$0x3FAD]  }
0x2b: {  	s6 =	sld [smem:$0x3FAE]  }
0x2c: {  	s7 =	sld [smem:$0x3FAF]  }
0x2d: {  	s3 =	simm.s32 $0x108;
	s8 =	sld [smem:$0x3FB0]  }
0x2e: {  	s3 =	simm.s32 @!p0 $0x1082;
	s9 =	sld [smem:$0x3FB1]  }
0x2f: {  	lr =	sadd.s32 s0, s3;
	s0 =	sld [smem:$0x3FA8]  }
0x30: {  	s3 =	sld [smem:$0x3FAB]  }
0x31: {  	[smem:$0x3FB4] =	sst s10  }
0x32: {  	s10 =	sld [smem:$0x3FB2];
	_ =	sdelay $0x3  }
0x33: {  	p0 =	seq.s32 s10, $0x1;
	s10 =	sld [smem:$0x3FB4];
	_ =	sdelay $0x3  }
0x34: {  	[smem:$0x3FB4] =	sst s10  }
0x35: {  	s10 =	sld [smem:$0x3FB3];
	_ =	sdelay $0x3  }
0x36: {  	p1 =	seq.s32 s10, $0x1;
	s10 =	sld [smem:$0x3FB4];
	_ =	sdelay $0x3  }
0x37: {  	[smem:$0x3FB4] =	sst s10  }
0x38: {  	s10 =	sld [smem:$0x3FB5]  }
0x39: {  	_ = 	snop;
	(pc) =	sbr.ind lr, $3  }
0x3a: {  	_ = 	snop  }
0x3b: {  	_ = 	snop  }
0x3c: {  	p2 =	seq.s32 s10, $0x1;
	s10 =	sld [smem:$0x3FB4]  }
0x3d: {  	_ =	shalt  }
0x3e: {  	_ =	shalt  }
0x3f: {  	_ =	shalt  }
0x40: {  	_ =	shalt  }
0x41: {  	_ =	shalt  }
0x42: {  	_ =	shalt  }
0x43: {  	_ =	shalt  }
0x44: {  	_ =	shalt  }
0x45: {  	_ =	shalt  }
0x46: {  	_ =	shalt  }
0x47: {  	_ =	shalt  }
0x48: {  	_ =	shalt  }
0x49: {  	_ =	shalt  }
0x4a: {  	_ =	shalt  }
0x4b: {  	_ =	shalt  }
0x4c: {  	_ =	shalt  }
0x4d: {  	_ =	shalt  }
0x4e: {  	_ =	shalt  }
0x4f: {  	_ =	shalt  }
0x50: {  	_ =	shalt  }
0x51: {  	_ =	shalt  }
0x52: {  	_ =	shalt  }
0x53: {  	_ =	shalt  }
0x54: {  	_ =	shalt  }
0x55: {  	_ =	shalt  }
0x56: {  	_ =	shalt  }
0x57: {  	_ =	shalt  }
0x58: {  	_ =	shalt  }
0x59: {  	_ =	shalt  }
0x5a: {  	_ =	shalt  }
0x5b: {  	_ =	shalt  }
0x5c: {  	_ =	shalt  }
0x5d: {  	_ =	shalt  }
0x5e: {  	_ =	shalt  }
0x5f: {  	_ =	shalt  }
0x60: {  	_ =	shalt  }
0x61: {  	_ =	shalt  }
0x62: {  	_ =	shalt  }
0x63: {  	_ =	shalt  }
0x64: {  	_ =	shalt  }
0x65: {  	_ =	shalt  }
0x66: {  	_ =	shalt  }
0x67: {  	_ =	shalt  }
0x68: {  	_ =	shalt  }
0x69: {  	_ =	shalt  }
0x6a: {  	_ =	shalt  }
0x6b: {  	_ =	shalt  }
0x6c: {  	_ =	shalt  }
0x6d: {  	_ =	shalt  }
0x6e: {  	_ =	shalt  }
0x6f: {  	_ =	shalt  }
0x70: {  	_ =	shalt  }
0x71: {  	_ =	shalt  }
0x72: {  	_ =	shalt  }
0x73: {  	_ =	shalt  }
0x74: {  	_ =	shalt  }
0x75: {  	_ =	shalt  }
0x76: {  	_ =	shalt  }
0x77: {  	_ =	shalt  }
0x78: {  	_ =	shalt  }
0x79: {  	_ =	shalt  }
0x7a: {  	_ =	shalt  }
0x7b: {  	_ =	shalt  }
0x7c: {  	_ =	shalt  }
0x7d: {  	_ =	shalt  }
0x7e: {  	_ =	shalt  }
0x7f: {  	_ =	shalt  }
0x80: {  	_ =	shalt  }
0x81: {  	_ =	shalt  }
0x82: {  	_ =	shalt  }
0x83: {  	_ =	shalt  }
0x84: {  	_ =	shalt  }
0x85: {  	_ =	shalt  }
0x86: {  	_ =	shalt  }
0x87: {  	_ =	shalt  }
.Lfunc_end0:
.L_simem_size_0:
called_computation.2_lowered:
.L_overlay_start_0:
0x88: {  	s2 =	sld [smem:$0x3FD9]  }
0x89: {  	s3 =	sld [smem:$0x3FFE];
	_ =	sdelay $0x1  }
0x8a: {  	s1 =	srdreg.scid  }
0x8b: {  	s0 =	sand.u32 $0x1, s1  }
0x8c: {  	s17 =	sshll.u32 s0, $0xA;
	s2 =	sadd.s32 s3, s2  }
0x8d: {  	s2 =	sadd.s32 s2, s17  }
0x8e: {  	[smem:$0x3FC0] =	sst s2  }
0x8f: {  	_ = 	snop  }
0x90: {  	s2 =	sld [smem:$0x3FD0];
	(tm) =	ssettm $0x1  }
0x91: {  	s18 =	sld [smem:$0x3FFB];
	_ =	sdelay $0x3  }
0x92: {  	_ =	strace s18  }
0x93: {  	s3 =	sld [smem:$0x3FFC];
	_ =	sdelay $0x3  }
0x94: {  	_ =	strace s3  }
0x95: {  	s3 =	sld [smem:$0x3FFD];
	_ =	sdelay $0x3  }
0x96: {  	_ =	strace s3  }
0x97: {  	_ =	strace $0x8FFFFFFF  }
0x98: {  	s19 =	sld [smem:$0x3FDB];
	_ =	sdelay $0x1  }
0x99: {  	s4 =	simm.s32 $_scs_section_size  }
0x9a: {  	s5 =	simm.s32 $_size__tile_overlayer_lowered;
	s6 =	simm.s32 $_tile_overlayer_lowered  }
0x9b: {  	s22 =	simm.s32 $0x1BFF;
	s21 =	sshll.u32 s6, $0x1;
	s3 =	sadd.s32 s4, s19  }
0x9c: {  	s7 =	simm.s32 $0x0;
	s20 =	sshll.u32 s5, $0x1;
	s5 =	sadd.s32 s21, s3  }
0x9d: {  	[timem:s7], [sflag:s22] =	dma.local [hbm:s5], s20  }
0x9e: {  	_ =	swait.ge [sflag:s22], s20  }
0x9f: {  	s4 =	ssub.s32 $0x0, s20;
	[sflag:s22] =	ssyncset.done $0x0  }
0xa0: {  	[sflag:s22] =	ssyncadd.s32 s4;
	_ =	sdelay $0x1  }
0xa1: {  	s23 =	simm.s32 $0x1B8B  }
0xa2: {  	_ =	swait.ge [sflag:s23], $0x1  }
0xa3: {  	[sflag:s23] =	ssyncset.done $0x0  }
0xa4: {  	s25 =	simm.s32 $0x1B8E;
	s24 =	sld [smem:$0x3FFE];
	[sflag:s23] =	ssyncadd.s32 $0xFFFFFFFF  }
0xa5: {  	s26 =	simm.s32 $execute0_lowered;
	[smem:$0x3FD2] =	sst s25  }
0xa6: {  	s5 =	sshll.u32 s26, $0x1;
	_ =	strace $0x8000004C;
	[dreg:$0x1] =	wrdreg $0xFFFFFFFF  }
0xa7: {  	s28 =	simm.s32 $_size_execute0_lowered;
	s3 =	sadd.s32 s3, s5;
	[dreg:$0x0] =	wrdreg $0x0  }
0xa8: {  	s5 =	sshll.u32 s28, $0x1;
	[dreg:$0x2] =	wrdreg s3  }
0xa9: {  	[dreg:$0x3] =	wrdreg s5  }
0xaa: {  	[dreg:$0x4] =	wrdreg $0xC0  }
0xab: {  	_ =	task [dreg:s7], $0x5FFFF  }
0xac: {  	[dreg:$0x1] =	wrdreg $0xFFFFFFFF  }
0xad: {  	[dreg:$0x0] =	wrdreg $0x60  }
0xae: {  	[dreg:$0x2] =	wrdreg s24  }
0xaf: {  	[dreg:$0x3] =	wrdreg s2  }
0xb0: {  	[dreg:$0x4] =	wrdreg $0x82000  }
0xb1: {  	[dreg:$0x5] =	wrdreg $0x9  }
0xb2: {  	_ =	task.clear_ibuf [dreg:s7], $0x6FFFF;
	_ =	strace $0x9000004C  }
0xb3: {  	s29 =	simm.s32 $0x9;
	_ =	strace $0x8000004E  }
0xb4: {  	_ =	swait.ge [sflag:s29], $0x1  }
0xb5: {  	[sflag:s29] =	ssyncadd.s32 $0xFFFFFFFF  }
0xb6: {  	_ =	strace $0x9000004E  }
0xb7: {  	_ =	sfence  }
0xb8: {  	s30 =	sld [smem:$0x0];
	_ =	sdelay $0x2  }
0xb9: {  	s31 =	sshll.u32 s1, $0xD;
	s1 =	sshrl.u32 s1, $0x2  }
0xba: {  	s3 =	sand.u32 $0x4000, s31;
	s1 =	sadd.s32 s1, s30  }
0xbb: {  	s0 =	sor.u32 s3, s0;
	s1 =	sshll.u32 s1, $0x11  }
0xbc: {  	s0 =	sor.u32 s1, s0  }
0xbd: {  	s0 =	sadd.s32 $0x8F2B, s0  }
0xbe: {  	[sflag:s0] =	ssyncadd.remote.s32 $0x1  }
0xbf: {  	_ =	sfence.sel $0xFFFF  }
0xc0: {  	[dreg:$0x0] =	wrdreg $0xFFFFFFFF;
	(pc) =	sbr.abs _section_cstart, $3  }
0xc1: {  	[dreg:$0x1] =	wrdreg $0xFFFFFFFF  }
0xc2: {  	_ =	task.clear_ibuf [dreg:s7], $0x2FFFF;
	_ =	strace $0x9FFFFFFF  }
0xc3: {  	(tm) =	ssettm $0x7FFFFFFF  }
tec
execute0_lowered:
.L_overlay_start_1:
0x0: {  	(tag) =	ssettag $0x1  }
0x1: {  	s0 =	rddreg [dreg:$0x0]  }
0x2: {  	s1 =	rddreg [dreg:$0x1]  }
0x3: {  	s2 =	rddreg [dreg:$0x2]  }
0x4: {  	s4 =	srdreg.scid;
	s9 =	stileid.u32  }
0x5: {  	s3 =	simm.s32 $0x0;
	s22 =	simm.s32 $0x3;
	s28 =	simm.s32 $0x1  }
0x6: {  	s29 =	simm.s32 $0x2;
	s30 =	simm.s32 $0x0;
	s18 =	sand.u32 $0x1, s4  }
0x7: {  	s5 =	smul.u32 $0x278, s9;
	[smem:$0x7FF] =	sst s3;
	s4 =	sadd.s32 $0xC600, s0  }
0x8: {  	s19 =	sadd.s32 $0x2000, s0;
	s7 =	smul.u32 $0x4F000, s9;
	s23 =	sadd.s32 $0xBE00, s0  }
0x9: {  	s21 =	sshll.u32 s9, $0x4;
	s6 =	smul.u32 $0x2780, s18;
	_ =	strace $0x8000004D  }
0xa: {  	[dreg:$0x4] =	wrdreg s23;
	s8 =	ssub.s32 $0x2, s18;
	s25 =	sshll.u32 s18, $0x4  }
0xb: {  	s12 =	sor.u32 $0x9C00, s21;
	s31 =	sshll.u32 s18, $0x8;
	s23 =	simm.s32 $0x80  }
0xc: {  	s24 =	sshrl.u32 s8, $0x1;
	s7 =	sshrl.u32 s7, $0x2;
	s25 =	sor.u32 s9, s25  }
0xd: {  	s26 =	sadd.s32 s19, s12;
	s12 =	sadd.s32 s1, s12;
	s19 =	sadd.s32 s31, s19  }
0xe: {  	s6 =	sadd.s32 s5, s6;
	s20 =	ssub.s32 s8, s24;
	[dreg:$0x5] =	wrdreg s26  }
0xf: {  	s19 =	sadd.s32 s21, s19;
	s24 =	simm.s32 $0x4200;
	p0 =	sgt.u32 s25, $0x3  }
0x10: {  	s25 =	simm.s32 $0x100;
	s26 =	simm.s32 $0x180;
	s6 =	sshll.u32 s6, $0x4  }
0x11: {  	s18 =	smax.u32 s20, $0x1;
	s0 =	sadd.s32 s6, s0;
	s6 =	sadd.s32 s7, s2  }
0x12: {  	s7 =	sadd.s32 $0x4000, s6;
	s8 =	sadd.s32 $0x8000, s6;
	s9 =	sadd.s32 $0xC000, s6  }
0x13: {  	s13 =	sadd.s32 $0xAAE00, s0;
	s14 =	sadd.s32 $0xAB600, s0;
	s15 =	sadd.s32 $0xABE00, s0  }
0x14: {  	s16 =	sadd.s32 $0xAC600, s0;
	s17 =	sadd.s32 $0xACE00, s0;
	s0 =	sadd.s32 s31, s1  }
0x15: {  	s10 =	sadd.s32 $0x10000, s6;
	s20 =	sadd.s32 s21, s0;
	s21 =	simm.s32 $0x200  }
.LBB2_1:
0x16: {  	s0 =	rddreg [dreg:$0x4]  }
0x17: {  	[tilespmem:s21], [sflag:$0x3] =	stream.linear.gather [hbm4b:s0+s3], $0x4000, $0x38;
	[tilespmem:$0x1BE00] =	vst v63  }
0x18: {  	_ =	swait.ge [sflag:s22], $0x4000  }
0x19: {  	[sflag:s22] =	ssyncset.done $0x0  }
0x1a: {  	[sflag:s22] =	ssyncadd.s32 $0xFFFFC000  }
0x1b: {  	[spmem:s6] =	stream.linear.scatter [tilespmem:s21], [sflag:$0x3], $0x4000, $0x38;
	[tilespmem:$0x1BE00] =	vst v63  }
0x1c: {  	_ =	swait.ge [sflag:s22], $0x4000  }
0x1d: {  	[sflag:s22] =	ssyncset.done $0x0  }
0x1e: {  	[sflag:s22] =	ssyncadd.s32 $0xFFFFC000  }
0x1f: {  	[spmem:s7] =	stream.linear.scatter [tilespmem:s21], [sflag:$0x3], $0x4000, $0x38;
	[tilespmem:$0x1BE00] =	vst v63  }
0x20: {  	_ =	swait.ge [sflag:s22], $0x4000  }
0x21: {  	[sflag:s22] =	ssyncset.done $0x0  }
0x22: {  	[sflag:s22] =	ssyncadd.s32 $0xFFFFC000  }
0x23: {  	[spmem:s8] =	stream.linear.scatter [tilespmem:s21], [sflag:$0x3], $0x4000, $0x38;
	[tilespmem:$0x1BE00] =	vst v63  }
0x24: {  	_ =	swait.ge [sflag:s22], $0x4000  }
0x25: {  	[sflag:s22] =	ssyncset.done $0x0  }
0x26: {  	[sflag:s22] =	ssyncadd.s32 $0xFFFFC000  }
0x27: {  	[spmem:s9] =	stream.linear.scatter [tilespmem:s21], [sflag:$0x3], $0x4000, $0x38;
	[tilespmem:$0x1BE00] =	vst v63  }
0x28: {  	_ =	swait.ge [sflag:s22], $0x4000  }
0x29: {  	[sflag:s22] =	ssyncset.done $0x0  }
0x2a: {  	[sflag:s22] =	ssyncadd.s32 $0xFFFFC000  }
0x2b: {  	[spmem:s10] =	stream.linear.scatter [tilespmem:s21], [sflag:$0x3], $0x3C00, $0x38;
	[tilespmem:$0x1BE00] =	vst v63  }
0x2c: {  	_ =	swait.ge [sflag:s22], $0x3C00  }
0x2d: {  	[sflag:s22] =	ssyncset.done $0x0  }
0x2e: {  	[sflag:s22] =	ssyncadd.s32 $0xFFFFC400  }
0x2f: {  	s5 =	sadd.s32 $0x0, s19;
	[bflag:$0x0] =	sbarrier.arrive $0xFFFF  }
0x30: {  	[tilespmem:s3], [sflag:$0x3] =	stream.linear.gather [hbm4b:s5+s3], $0x80, $0x38;
	[tilespmem:$0x1BE00] =	vst v63  }
0x31: {  	_ =	swait.ge [sflag:s22], $0x80  }
0x32: {  	[sflag:s22] =	ssyncset.done $0x0  }
0x33: {  	[sflag:s22] =	ssyncadd.s32 $0xFFFFFF80  }
0x34: {  	[tilespmem:s21], [sflag:$0x1] =	stream.indirect.gather [hbm4b:s4+s23], $0x80, s3, s23, $0xb8;
	[tilespmem:$0x1BE00] =	vst v63  }
0x35: {  	s0 =	sadd.s32 $0x200, s5  }
0x36: {  	[tilespmem:s23], [sflag:$0x3] =	stream.linear.gather [hbm4b:s0+s3], $0x80, $0x38;
	[tilespmem:$0x1BE00] =	vst v63  }
0x37: {  	_ =	swait.ge [sflag:s22], $0x80  }
0x38: {  	[sflag:s22] =	ssyncset.done $0x0  }
0x39: {  	[sflag:s22] =	ssyncadd.s32 $0xFFFFFF80  }
0x3a: {  	[tilespmem:s24], [sflag:$0x2] =	stream.indirect.gather [hbm4b:s4+s23], $0x80, s23, s23, $0xb8;
	[tilespmem:$0x1BE00] =	vst v63  }
0x3b: {  	s11 =	sadd.s32 $0x0, s20  }
0x3c: {  	[tilespmem:s25], [sflag:$0x3] =	stream.linear.gather [hbm4b:s11+s3], $0x80, $0x38;
	[tilespmem:$0x1BE00] =	vst v63  }
0x3d: {  	_ =	swait.ge [sflag:s22], $0x80  }
0x3e: {  	[sflag:s22] =	ssyncset.done $0x0  }
0x3f: {  	s0 =	sadd.s32 $0x200, s11;
	[sflag:s22] =	ssyncadd.s32 $0xFFFFFF80  }
0x40: {  	[tilespmem:s26], [sflag:$0x3] =	stream.linear.gather [hbm4b:s0+s3], $0x80, $0x38;
	[tilespmem:$0x1BE00] =	vst v63  }
0x41: {  	_ =	swait.ge [sflag:s22], $0x80  }
0x42: {  	[sflag:s22] =	ssyncset.done $0x0  }
0x43: {  	[sflag:s22] =	ssyncadd.s32 $0xFFFFFF80  }
0x44: {  	_ =	swait.ge [sflag:s28], $0x4000  }
0x45: {  	[sflag:s28] =	ssyncset.done $0x0  }
0x46: {  	[sflag:s28] =	ssyncadd.s32 $0xFFFFC000  }
0x47: {  	[spmem:s2] =	stream.indirect.scatter.add.f32 [tilespmem:s21], [sflag:$0x3], $0x80, s25, s23, $0xb8;
	[tilespmem:$0x1BE00] =	vst v63  }
0x48: {  	_ =	swait.ge [sflag:s22], $0x4000  }
0x49: {  	[sflag:s22] =	ssyncset.done $0x0  }
0x4a: {  	[sflag:s22] =	ssyncadd.s32 $0xFFFFC000  }
0x4b: {  	_ =	swait.ge [sflag:s29], $0x4000  }
0x4c: {  	[sflag:s29] =	ssyncset.done $0x0  }
0x4d: {  	[sflag:s29] =	ssyncadd.s32 $0xFFFFC000  }
0x4e: {  	[spmem:s2] =	stream.indirect.scatter.add.f32 [tilespmem:s24], [sflag:$0x3], $0x80, s26, s23, $0xb8;
	[tilespmem:$0x1BE00] =	vst v63  }
0x4f: {  	_ =	swait.ge [sflag:s22], $0x4000  }
0x50: {  	s31 =	simm.s32 $0x400;
	s0 =	simm.s32 $0x800;
	[sflag:s22] =	ssyncset.done $0x0  }
.LBB2_2:
0x51: {  	s5 =	sadd.s32 s31, s19  }
0x52: {  	[sflag:s22] =	ssyncadd.s32 $0xFFFFC000;
	s11 =	smov.u32 s0;
	s1 =	sadd.s32 $0x400, s0  }
0x53: {  	[tilespmem:s3], [sflag:$0x3] =	stream.linear.gather [hbm4b:s5+s3], $0x80, $0x38;
	[tilespmem:$0x1BE00] =	vst v63  }
0x54: {  	p1 =	sne.s32 s0, $0x9800;
	_ =	swait.ge [sflag:s22], $0x80  }
0x55: {  	[sflag:s22] =	ssyncset.done $0x0  }
0x56: {  	[sflag:s22] =	ssyncadd.s32 $0xFFFFFF80  }
0x57: {  	[tilespmem:s21], [sflag:$0x1] =	stream.indirect.gather [hbm4b:s4+s23], $0x80, s3, s23, $0xb8;
	[tilespmem:$0x1BE00] =	vst v63  }
0x58: {  	s0 =	sadd.s32 $0x200, s5  }
0x59: {  	[tilespmem:s23], [sflag:$0x3] =	stream.linear.gather [hbm4b:s0+s3], $0x80, $0x38;
	[tilespmem:$0x1BE00] =	vst v63  }
0x5a: {  	_ =	swait.ge [sflag:s22], $0x80  }
0x5b: {  	[sflag:s22] =	ssyncset.done $0x0  }
0x5c: {  	[sflag:s22] =	ssyncadd.s32 $0xFFFFFF80  }
0x5d: {  	[tilespmem:s24], [sflag:$0x2] =	stream.indirect.gather [hbm4b:s4+s23], $0x80, s23, s23, $0xb8;
	[tilespmem:$0x1BE00] =	vst v63  }
0x5e: {  	s0 =	sadd.s32 s31, s20;
	s31 =	smov.u32 s11  }
0x5f: {  	[tilespmem:s25], [sflag:$0x3] =	stream.linear.gather [hbm4b:s0+s3], $0x80, $0x38;
	[tilespmem:$0x1BE00] =	vst v63  }
0x60: {  	_ =	swait.ge [sflag:s22], $0x80  }
0x61: {  	[sflag:s22] =	ssyncset.done $0x0  }
0x62: {  	s0 =	sadd.s32 $0x200, s0;
	[sflag:s22] =	ssyncadd.s32 $0xFFFFFF80  }
0x63: {  	[tilespmem:s26], [sflag:$0x3] =	stream.linear.gather [hbm4b:s0+s3], $0x80, $0x38;
	[tilespmem:$0x1BE00] =	vst v63  }
0x64: {  	_ =	swait.ge [sflag:s22], $0x80  }
0x65: {  	[sflag:s22] =	ssyncset.done $0x0  }
0x66: {  	[sflag:s22] =	ssyncadd.s32 $0xFFFFFF80  }
0x67: {  	_ =	swait.ge [sflag:s28], $0x4000  }
0x68: {  	[sflag:s28] =	ssyncset.done $0x0  }
0x69: {  	[sflag:s28] =	ssyncadd.s32 $0xFFFFC000  }
0x6a: {  	[spmem:s2] =	stream.indirect.scatter.add.f32 [tilespmem:s21], [sflag:$0x3], $0x80, s25, s23, $0xb8;
	[tilespmem:$0x1BE00] =	vst v63  }
0x6b: {  	_ =	swait.ge [sflag:s22], $0x4000  }
0x6c: {  	[sflag:s22] =	ssyncset.done $0x0  }
0x6d: {  	[sflag:s22] =	ssyncadd.s32 $0xFFFFC000  }
0x6e: {  	_ =	swait.ge [sflag:s29], $0x4000  }
.Ltmp0:
0x6f: {  	[sflag:s29] =	ssyncset.done $0x0;
	(pc) =	sbr.rel @p1 .LBB2_2-.Ltmp0, $4  }
0x70: {  	[sflag:s29] =	ssyncadd.s32 $0xFFFFC000  }
0x71: {  	[spmem:s2] =	stream.indirect.scatter.add.f32 [tilespmem:s24], [sflag:$0x3], $0x80, s26, s23, $0xb8;
	[tilespmem:$0x1BE00] =	vst v63  }
0x72: {  	_ =	swait.ge [sflag:s22], $0x4000  }
0x73: {  	s0 =	smov.u32 s1;
	[sflag:s22] =	ssyncset.done $0x0  }
0x74: {  	s0 =	sadd.s32 s31, s19;
	[sflag:s22] =	ssyncadd.s32 $0xFFFFC000  }
0x75: {  	[tilespmem:s3], [sflag:$0x3] =	stream.linear.gather [hbm4b:s0+s3], $0x80, $0x38;
	[tilespmem:$0x1BE00] =	vst v63  }
0x76: {  	_ =	swait.ge [sflag:s22], $0x80  }
0x77: {  	[sflag:s22] =	ssyncset.done $0x0  }
0x78: {  	[sflag:s22] =	ssyncadd.s32 $0xFFFFFF80  }
0x79: {  	[tilespmem:s21], [sflag:$0x1] =	stream.indirect.gather [hbm4b:s4+s23], $0x80, s3, s23, $0xb8;
	[tilespmem:$0x1BE00] =	vst v63  }
0x7a: {  	s0 =	sadd.s32 $0x200, s0  }
0x7b: {  	[tilespmem:s23], [sflag:$0x3] =	stream.linear.gather [hbm4b:s0+s3], $0x80, $0x38;
	[tilespmem:$0x1BE00] =	vst v63  }
0x7c: {  	_ =	swait.ge [sflag:s22], $0x80  }
0x7d: {  	[sflag:s22] =	ssyncset.done $0x0  }
0x7e: {  	[sflag:s22] =	ssyncadd.s32 $0xFFFFFF80  }
0x7f: {  	[tilespmem:s24], [sflag:$0x2] =	stream.indirect.gather [hbm4b:s4+s23], $0x80, s23, s23, $0xb8;
	[tilespmem:$0x1BE00] =	vst v63  }
0x80: {  	s31 =	sadd.s32 s31, s20  }
0x81: {  	[tilespmem:s25], [sflag:$0x3] =	stream.linear.gather [hbm4b:s31+s3], $0x80, $0x38;
	[tilespmem:$0x1BE00] =	vst v63  }
0x82: {  	_ =	swait.ge [sflag:s22], $0x80  }
0x83: {  	[sflag:s22] =	ssyncset.done $0x0  }
0x84: {  	s0 =	sadd.s32 $0x200, s31;
	[sflag:s22] =	ssyncadd.s32 $0xFFFFFF80  }
0x85: {  	[tilespmem:s26], [sflag:$0x3] =	stream.linear.gather [hbm4b:s0+s3], $0x80, $0x38;
	[tilespmem:$0x1BE00] =	vst v63  }
0x86: {  	_ =	swait.ge [sflag:s22], $0x80  }
0x87: {  	[sflag:s22] =	ssyncset.done $0x0  }
0x88: {  	[sflag:s22] =	ssyncadd.s32 $0xFFFFFF80  }
0x89: {  	_ =	swait.ge [sflag:s28], $0x4000  }
0x8a: {  	[sflag:s28] =	ssyncset.done $0x0  }
0x8b: {  	[sflag:s28] =	ssyncadd.s32 $0xFFFFC000  }
0x8c: {  	[spmem:s2] =	stream.indirect.scatter.add.f32 [tilespmem:s21], [sflag:$0x3], $0x80, s25, s23, $0xb8;
	[tilespmem:$0x1BE00] =	vst v63  }
0x8d: {  	_ =	swait.ge [sflag:s22], $0x4000  }
0x8e: {  	[sflag:s22] =	ssyncset.done $0x0  }
0x8f: {  	[sflag:s22] =	ssyncadd.s32 $0xFFFFC000  }
0x90: {  	_ =	swait.ge [sflag:s29], $0x4000  }
0x91: {  	[sflag:s29] =	ssyncset.done $0x0  }
0x92: {  	[sflag:s29] =	ssyncadd.s32 $0xFFFFC000  }
0x93: {  	[spmem:s2] =	stream.indirect.scatter.add.f32 [tilespmem:s24], [sflag:$0x3], $0x80, s26, s23, $0xb8;
	[tilespmem:$0x1BE00] =	vst v63  }
0x94: {  	_ =	swait.ge [sflag:s22], $0x4000  }
0x95: {  	[sflag:s22] =	ssyncset.done $0x0  }
0x96: {  	s0 =	simm.s32 @!p0 $0x0;
	s1 =	rddreg [dreg:$0x5];
	[sflag:s22] =	ssyncadd.s32 $0xFFFFC000  }
0x97: {  	[tilespmem:s0], [sflag:$0x3] =	stream.linear.gather @!p0 [hbm4b:s1+s0], $0x80, $0x38;
	[tilespmem:$0x1BE00] =	vst v63  }
0x98: {  	s1 =	simm.s32 @!p0 $0x3  }
0x99: {  	_ =	swait.ge @!p0 [sflag:s1], $0x80  }
0x9a: {  	[sflag:s1] =	ssyncset.done @!p0 $0x0  }
0x9b: {  	s5 =	simm.s32 @!p0 $0x80;
	s11 =	simm.s32 @!p0 $0x200;
	[sflag:s1] =	ssyncadd.s32 @!p0 $0xFFFFFF80  }
0x9c: {  	[tilespmem:s11], [sflag:$0x1] =	stream.indirect.gather @!p0 [hbm4b:s4+s5], $0x80, s0, s5, $0xb8;
	[tilespmem:$0x1BE00] =	vst v63  }
0x9d: {  	s31 =	simm.s32 @!p0 $0x100  }
0x9e: {  	[tilespmem:s31], [sflag:$0x3] =	stream.linear.gather @!p0 [hbm4b:s12+s0], $0x80, $0x38;
	[tilespmem:$0x1BE00] =	vst v63  }
0x9f: {  	_ =	swait.ge @!p0 [sflag:s1], $0x80  }
0xa0: {  	[sflag:s1] =	ssyncset.done @!p0 $0x0  }
0xa1: {  	s0 =	simm.s32 @!p0 $0x1;
	[sflag:s1] =	ssyncadd.s32 @!p0 $0xFFFFFF80  }
0xa2: {  	_ =	swait.ge @!p0 [sflag:s0], $0x4000  }
0xa3: {  	[sflag:s0] =	ssyncset.done @!p0 $0x0  }
0xa4: {  	[sflag:s0] =	ssyncadd.s32 @!p0 $0xFFFFC000  }
0xa5: {  	[spmem:s2] =	stream.indirect.scatter.add.f32 @!p0 [tilespmem:s11], [sflag:$0x3], $0x80, s31, s5, $0xb8;
	[tilespmem:$0x1BE00] =	vst v63  }
0xa6: {  	_ =	swait.ge @!p0 [sflag:s1], $0x4000  }
0xa7: {  	[sflag:s1] =	ssyncset.done @!p0 $0x0  }
0xa8: {  	[sflag:s1] =	ssyncadd.s32 @!p0 $0xFFFFC000  }
0xa9: {  	[bflag:$0x0] =	sbarrier.arrive $0xFFFF  }
0xaa: {  	[tilespmem:s21], [sflag:$0x3] =	stream.linear.gather [spmem:s6], $0x4000, $0x38;
	[tilespmem:$0x1BE00] =	vst v63  }
0xab: {  	_ =	swait.ge [sflag:s22], $0x4000  }
0xac: {  	[sflag:s22] =	ssyncset.done $0x0  }
0xad: {  	[sflag:s22] =	ssyncadd.s32 $0xFFFFC000  }
0xae: {  	[hbm4b:s13+s3] =	stream.linear.scatter [tilespmem:s21], [sflag:$0x3], $0x4000, $0x38;
	[tilespmem:$0x1BE00] =	vst v63  }
0xaf: {  	_ =	swait.ge [sflag:s22], $0x4000  }
0xb0: {  	[sflag:s22] =	ssyncset.done $0x0  }
0xb1: {  	[sflag:s22] =	ssyncadd.s32 $0xFFFFC000  }
0xb2: {  	[tilespmem:s21], [sflag:$0x3] =	stream.linear.gather [spmem:s7], $0x4000, $0x38;
	[tilespmem:$0x1BE00] =	vst v63  }
0xb3: {  	_ =	swait.ge [sflag:s22], $0x4000  }
0xb4: {  	[sflag:s22] =	ssyncset.done $0x0  }
0xb5: {  	[sflag:s22] =	ssyncadd.s32 $0xFFFFC000  }
0xb6: {  	[hbm4b:s14+s3] =	stream.linear.scatter [tilespmem:s21], [sflag:$0x3], $0x4000, $0x38;
	[tilespmem:$0x1BE00] =	vst v63  }
0xb7: {  	_ =	swait.ge [sflag:s22], $0x4000  }
0xb8: {  	[sflag:s22] =	ssyncset.done $0x0  }
0xb9: {  	[sflag:s22] =	ssyncadd.s32 $0xFFFFC000  }
0xba: {  	[tilespmem:s21], [sflag:$0x3] =	stream.linear.gather [spmem:s8], $0x4000, $0x38;
	[tilespmem:$0x1BE00] =	vst v63  }
0xbb: {  	_ =	swait.ge [sflag:s22], $0x4000  }
0xbc: {  	[sflag:s22] =	ssyncset.done $0x0  }
0xbd: {  	[sflag:s22] =	ssyncadd.s32 $0xFFFFC000  }
0xbe: {  	[hbm4b:s15+s3] =	stream.linear.scatter [tilespmem:s21], [sflag:$0x3], $0x4000, $0x38;
	[tilespmem:$0x1BE00] =	vst v63  }
0xbf: {  	_ =	swait.ge [sflag:s22], $0x4000  }
0xc0: {  	[sflag:s22] =	ssyncset.done $0x0  }
0xc1: {  	[sflag:s22] =	ssyncadd.s32 $0xFFFFC000  }
0xc2: {  	[tilespmem:s21], [sflag:$0x3] =	stream.linear.gather [spmem:s9], $0x4000, $0x38;
	[tilespmem:$0x1BE00] =	vst v63  }
0xc3: {  	_ =	swait.ge [sflag:s22], $0x4000  }
0xc4: {  	[sflag:s22] =	ssyncset.done $0x0  }
0xc5: {  	[sflag:s22] =	ssyncadd.s32 $0xFFFFC000  }
0xc6: {  	[hbm4b:s16+s3] =	stream.linear.scatter [tilespmem:s21], [sflag:$0x3], $0x4000, $0x38;
	[tilespmem:$0x1BE00] =	vst v63  }
0xc7: {  	_ =	swait.ge [sflag:s22], $0x4000  }
0xc8: {  	[sflag:s22] =	ssyncset.done $0x0  }
0xc9: {  	[sflag:s22] =	ssyncadd.s32 $0xFFFFC000  }
0xca: {  	[tilespmem:s21], [sflag:$0x3] =	stream.linear.gather [spmem:s10], $0x3C00, $0x38;
	[tilespmem:$0x1BE00] =	vst v63  }
0xcb: {  	s30 =	sadd.s32 $0x1, s30;
	_ =	swait.ge [sflag:s22], $0x3C00  }
0xcc: {  	p1 =	sne.s32 s30, s18;
	[sflag:s22] =	ssyncset.done $0x0  }
.Ltmp1:
0xcd: {  	[sflag:s22] =	ssyncadd.s32 $0xFFFFC400;
	(pc) =	sbr.rel @p1 .LBB2_1-.Ltmp1, $4  }
0xce: {  	[hbm4b:s17+s3] =	stream.linear.scatter [tilespmem:s21], [sflag:$0x3], $0x3C00, $0x38;
	[tilespmem:$0x1BE00] =	vst v63  }
0xcf: {  	_ =	swait.ge [sflag:s22], $0x3C00  }
0xd0: {  	[sflag:s22] =	ssyncset.done $0x0  }
0xd1: {  	[sflag:s22] =	ssyncadd.s32 $0xFFFFC400  }
0xd2: {  	_ =	sfence.sel $0x180000  }
0xd3: {  	[bflag:$0x0] =	sbarrier.arrive $0xFFFF  }
0xd4: {  	_ =	strace $0x9000004D  }
0xd5: {  	s0 =	stileid.u32;
	[bflag:$0x2] =	sbarrier.arrive $0xFFFF  }
0xd6: {  	p0 =	sne.s32 s0, $0x0;
	s0 =	rddreg [dreg:$0x3]  }
0xd7: {  	s0 =	sadd.s32 @!p0 $0x100000, s0  }
0xd8: {  	[sflag:s0] =	ssyncadd.tile.s32 @!p0 $0x1;
	_ =	shalt  }
.Lfunc_end2:
_tile_overlayer_lowered:
.L_overlay_start_2:
0xd9: {  	(tag) =	ssettag $0x2  }
0xda: {  	s0 =	rddreg [dreg:$0x0];
	s2 =	stileid.u32  }
0xdb: {  	s1 =	rddreg [dreg:$0x1];
	p0 =	sne.s32 s2, $0x0  }
0xdc: {  	s3 =	rddreg [dreg:$0x2];
	[bflag:$0x3] =	sbarrier.arrive $0xFFFF;
	s2 =	simm.s32 @!p0 $0x1C03  }
0xdd: {  	[timem:s3], [sflag:s2] =	dma.local @!p0 [hbm:s0], s1  }
0xde: {  	s0 =	simm.s32 @!p0 $0x3  }
0xdf: {  	_ =	swait.ge @!p0 [sflag:s0], s1  }
0xe0: {  	s1 =	ssub.s32 @!p0 $0x0, s1;
	[sflag:s0] =	ssyncset.done @!p0 $0x0  }
0xe1: {  	[sflag:s0] =	ssyncadd.s32 @!p0 s1  }
0xe2: {  	[bflag:$0x3] =	sbarrier.arrive $0xFFFF  }
0xe3: {  	_ =	shalt  }

// kernel: kernel.7.cloned.1.call-start
scs
__scs_entry_jumppad:
0x0: {  	(pc) =	sbr.rel $0x88, $3  }
0x1: {  	(tag) =	ssettag $0x0;
	lr =	simm.s32 $0x1  }
0x2: {  	[smem:$0x3F99] =	sst lr;
	_ =	strace $0xD0000000  }
0x3: {  	_ = 	snop  }
0x4: {  	_ = 	snop  }
0x5: {  	_ = 	snop  }
0x6: {  	_ = 	snop  }
0x7: {  	_ = 	snop  }
__scs_overlays_trampoline_lowered:
0x8: {  	[smem:$0x3FA8] =	sst s0  }
0x9: {  	[smem:$0x3FA9] =	sst s1  }
0xa: {  	[smem:$0x3FAA] =	sst s2  }
0xb: {  	[smem:$0x3FAB] =	sst s3  }
0xc: {  	[smem:$0x3FAC] =	sst s4  }
0xd: {  	[smem:$0x3FAD] =	sst s5  }
0xe: {  	[smem:$0x3FAE] =	sst s6  }
0xf: {  	[smem:$0x3FAF] =	sst s7  }
0x10: {  	[smem:$0x3FB0] =	sst s8  }
0x11: {  	[smem:$0x3FB1] =	sst s9;
	s0 =	simm.s32 @!p0 $0x0  }
0x12: {  	s1 =	sld [smem:$0x3F97];
	s0 =	simm.s32 @p0 $0x1  }
0x13: {  	[smem:$0x3FB2] =	sst s0;
	s0 =	simm.s32 @!p1 $0x0  }
0x14: {  	s2 =	sld [smem:$0x3F96];
	s0 =	simm.s32 @p1 $0x1  }
0x15: {  	[smem:$0x3FB3] =	sst s0;
	s0 =	simm.s32 @!p2 $0x0  }
0x16: {  	s3 =	sld [smem:$0x3FDB];
	s0 =	simm.s32 @p2 $0x1  }
0x17: {  	s4 =	simm.s32 $0x1BF5;
	[smem:$0x3FB5] =	sst s0  }
0x18: {  	s0 =	sld [smem:$0x3F98];
	_ =	swait.ge [sflag:s4], $0x0  }
0x19: {  	s7 =	sld [smem:$0x3F99]  }
0x1a: {  	s8 =	sadd.s32 $0xFFFFE003, lr  }
0x1b: {  	s9 =	sadd.s32 $0xFFFFFEF7, lr;
	s5 =	simm.s32 $0xFFFFFFFF;
	p2 =	slt.u32 s8, $0xFFFFF086  }
0x1c: {  	p1 =	slt.u32 s9, $0xF7A;
	s5 =	simm.s32 @!p2 $0x0  }
0x1d: {  	s5 =	simm.s32 @p1 $0x1;
	p0 =	seq.s32 s7, s2  }
0x1e: {  	s7 =	smul.u32 @!p0 $0xF7A, s2;
	p2 =	seq.s32 @!p0 s5, $0x0  }
0x1f: {  	s9 =	smul.u32 $0xF7A, s1;
	s8 =	simm.s32 @!p0 $0x1BF5;
	p2 =	por !p2, p0  }
0x20: {  	[sflag:s8] =	ssyncset.s32 @!p0 $0xFFFFF086;
	s6 =	sadd.s32 @!p0 s3, s7;
	s7 =	simm.s32 @!p0 $0x108  }
0x21: {  	s3 =	sadd.s32 s3, s9;
	s6 =	sadd.s32 @!p0 $0x88, s6;
	s7 =	simm.s32 @p2 $0x1082  }
0x22: {  	[simem:s7], [sflag:s8] =	dma.local @!p0 [hbm:s6], $0xF7A  }
0x23: {  	s9 =	sor.u32 $0xD0000000, s2;
	s6 =	simm.s32 $0x108;
	_ =	swait.ge @!p0 [sflag:s8], $0x0  }
0x24: {  	s3 =	sadd.s32 $0x88, s3;
	s6 =	simm.s32 @!p1 $0x1082;
	[sflag:s4] =	ssyncset.s32 $0xFFFFF086  }
0x25: {  	[simem:s6], [sflag:s4] =	dma.local [hbm:s3], $0xF7A  }
0x26: {  	[smem:$0x3F99] =	sst s1;
	(tag) =	ssettag s2;
	_ =	strace s9  }
0x27: {  	s1 =	sld [smem:$0x3FA9]  }
0x28: {  	s2 =	sld [smem:$0x3FAA]  }
0x29: {  	s4 =	sld [smem:$0x3FAC]  }
0x2a: {  	p0 =	seq.s32 s5, $0x0;
	s5 =	sld [smem:$0x3FAD]  }
0x2b: {  	s6 =	sld [smem:$0x3FAE]  }
0x2c: {  	s7 =	sld [smem:$0x3FAF]  }
0x2d: {  	s3 =	simm.s32 $0x108;
	s8 =	sld [smem:$0x3FB0]  }
0x2e: {  	s3 =	simm.s32 @!p0 $0x1082;
	s9 =	sld [smem:$0x3FB1]  }
0x2f: {  	lr =	sadd.s32 s0, s3;
	s0 =	sld [smem:$0x3FA8]  }
0x30: {  	s3 =	sld [smem:$0x3FAB]  }
0x31: {  	[smem:$0x3FB4] =	sst s10  }
0x32: {  	s10 =	sld [smem:$0x3FB2];
	_ =	sdelay $0x3  }
0x33: {  	p0 =	seq.s32 s10, $0x1;
	s10 =	sld [smem:$0x3FB4];
	_ =	sdelay $0x3  }
0x34: {  	[smem:$0x3FB4] =	sst s10  }
0x35: {  	s10 =	sld [smem:$0x3FB3];
	_ =	sdelay $0x3  }
0x36: {  	p1 =	seq.s32 s10, $0x1;
	s10 =	sld [smem:$0x3FB4];
	_ =	sdelay $0x3  }
0x37: {  	[smem:$0x3FB4] =	sst s10  }
0x38: {  	s10 =	sld [smem:$0x3FB5]  }
0x39: {  	_ = 	snop;
	(pc) =	sbr.ind lr, $3  }
0x3a: {  	_ = 	snop  }
0x3b: {  	_ = 	snop  }
0x3c: {  	p2 =	seq.s32 s10, $0x1;
	s10 =	sld [smem:$0x3FB4]  }
0x3d: {  	_ =	shalt  }
0x3e: {  	_ =	shalt  }
0x3f: {  	_ =	shalt  }
0x40: {  	_ =	shalt  }
0x41: {  	_ =	shalt  }
0x42: {  	_ =	shalt  }
0x43: {  	_ =	shalt  }
0x44: {  	_ =	shalt  }
0x45: {  	_ =	shalt  }
0x46: {  	_ =	shalt  }
0x47: {  	_ =	shalt  }
0x48: {  	_ =	shalt  }
0x49: {  	_ =	shalt  }
0x4a: {  	_ =	shalt  }
0x4b: {  	_ =	shalt  }
0x4c: {  	_ =	shalt  }
0x4d: {  	_ =	shalt  }
0x4e: {  	_ =	shalt  }
0x4f: {  	_ =	shalt  }
0x50: {  	_ =	shalt  }
0x51: {  	_ =	shalt  }
0x52: {  	_ =	shalt  }
0x53: {  	_ =	shalt  }
0x54: {  	_ =	shalt  }
0x55: {  	_ =	shalt  }
0x56: {  	_ =	shalt  }
0x57: {  	_ =	shalt  }
0x58: {  	_ =	shalt  }
0x59: {  	_ =	shalt  }
0x5a: {  	_ =	shalt  }
0x5b: {  	_ =	shalt  }
0x5c: {  	_ =	shalt  }
0x5d: {  	_ =	shalt  }
0x5e: {  	_ =	shalt  }
0x5f: {  	_ =	shalt  }
0x60: {  	_ =	shalt  }
0x61: {  	_ =	shalt  }
0x62: {  	_ =	shalt  }
0x63: {  	_ =	shalt  }
0x64: {  	_ =	shalt  }
0x65: {  	_ =	shalt  }
0x66: {  	_ =	shalt  }
0x67: {  	_ =	shalt  }
0x68: {  	_ =	shalt  }
0x69: {  	_ =	shalt  }
0x6a: {  	_ =	shalt  }
0x6b: {  	_ =	shalt  }
0x6c: {  	_ =	shalt  }
0x6d: {  	_ =	shalt  }
0x6e: {  	_ =	shalt  }
0x6f: {  	_ =	shalt  }
0x70: {  	_ =	shalt  }
0x71: {  	_ =	shalt  }
0x72: {  	_ =	shalt  }
0x73: {  	_ =	shalt  }
0x74: {  	_ =	shalt  }
0x75: {  	_ =	shalt  }
0x76: {  	_ =	shalt  }
0x77: {  	_ =	shalt  }
0x78: {  	_ =	shalt  }
0x79: {  	_ =	shalt  }
0x7a: {  	_ =	shalt  }
0x7b: {  	_ =	shalt  }
0x7c: {  	_ =	shalt  }
0x7d: {  	_ =	shalt  }
0x7e: {  	_ =	shalt  }
0x7f: {  	_ =	shalt  }
0x80: {  	_ =	shalt  }
0x81: {  	_ =	shalt  }
0x82: {  	_ =	shalt  }
0x83: {  	_ =	shalt  }
0x84: {  	_ =	shalt  }
0x85: {  	_ =	shalt  }
0x86: {  	_ =	shalt  }
0x87: {  	_ =	shalt  }
.Lfunc_end0:
.L_simem_size_0:
called_computation_lowered:
.L_overlay_start_0:
0x88: {  	s2 =	sld [smem:$0x3FD9]  }
0x89: {  	s3 =	sld [smem:$0x3FFE];
	_ =	sdelay $0x1  }
0x8a: {  	s1 =	srdreg.scid  }
0x8b: {  	s0 =	sand.u32 $0x1, s1  }
0x8c: {  	s17 =	sshll.u32 s0, $0xA;
	s2 =	sadd.s32 s3, s2  }
0x8d: {  	s2 =	sadd.s32 s2, s17  }
0x8e: {  	[smem:$0x3FC0] =	sst s2  }
0x8f: {  	_ = 	snop  }
0x90: {  	s18 =	sld [smem:$0x3FD0];
	(tm) =	ssettm $0x1  }
0x91: {  	s19 =	sld [smem:$0x3FFB];
	_ =	sdelay $0x3  }
0x92: {  	_ =	strace s19  }
0x93: {  	s2 =	sld [smem:$0x3FFC];
	_ =	sdelay $0x3  }
0x94: {  	_ =	strace s2  }
0x95: {  	s2 =	sld [smem:$0x3FFD];
	_ =	sdelay $0x3  }
0x96: {  	_ =	strace s2  }
0x97: {  	_ =	strace $0x8FFFFFFF  }
0x98: {  	s20 =	sld [smem:$0x3FDB];
	_ =	sdelay $0x1  }
0x99: {  	s4 =	simm.s32 $_scs_section_size  }
0x9a: {  	s5 =	simm.s32 $_size__tile_overlayer_lowered;
	s6 =	simm.s32 $_tile_overlayer_lowered  }
0x9b: {  	s7 =	simm.s32 $0x1BFF;
	s21 =	sshll.u32 s6, $0x1;
	s4 =	sadd.s32 s4, s20  }
0x9c: {  	s22 =	simm.s32 $0x0;
	s5 =	sshll.u32 s5, $0x1;
	s6 =	sadd.s32 s21, s4  }
0x9d: {  	[timem:s22], [sflag:s7] =	dma.local [hbm:s6], s5  }
0x9e: {  	_ =	swait.ge [sflag:s7], s5  }
0x9f: {  	s5 =	ssub.s32 $0x0, s5;
	[sflag:s7] =	ssyncset.done $0x0  }
0xa0: {  	[sflag:s7] =	ssyncadd.s32 s5;
	_ =	sdelay $0x1  }
0xa1: {  	s23 =	simm.s32 $0x1B8B  }
0xa2: {  	_ =	swait.ge [sflag:s23], $0x1  }
0xa3: {  	[sflag:s23] =	ssyncset.done $0x0  }
0xa4: {  	[sflag:s23] =	ssyncadd.s32 $0xFFFFFFFF  }
0xa5: {  	s5 =	sld [smem:$0x0]  }
0xa6: {  	s6 =	sand.u32 $0xFFFFFFFE, s1  }
0xa7: {  	p0 =	sne.s32 s1, s6  }
0xa8: {  	s6 =	sshll.u32 @p0 s6, $0xE  }
0xa9: {  	s6 =	sadd.s32 @p0 $0x11B8D, s6;
	s7 =	sshll.u32 @p0 s5, $0x11  }
0xaa: {  	s6 =	sor.u32 @p0 s7, s6  }
0xab: {  	[sflag:s6] =	ssyncadd.remote.s32 @p0 $0x1;
	_ =	sdelay $0x1  }
0xac: {  	s6 =	simm.s32 @p0 $0x1B8D  }
0xad: {  	_ =	swait.eq @p0 [sflag:s6], $0x1  }
0xae: {  	[sflag:s6] =	ssyncadd.s32 @p0 $0xFFFFFFFF  }
0xaf: {  	s7 =	sshll.u32 @!p0 s1, $0xE  }
0xb0: {  	s7 =	sor.u32 @!p0 $0x4000, s7;
	s6 =	simm.s32 @!p0 $0x1B8D  }
0xb1: {  	s5 =	sshll.u32 @!p0 s5, $0x11;
	s7 =	sadd.s32 @!p0 $0x11B8D, s7;
	_ =	swait.eq @!p0 [sflag:s6], $0x1  }
0xb2: {  	s5 =	sor.u32 @!p0 s5, s7;
	[sflag:s6] =	ssyncadd.s32 @!p0 $0xFFFFFFFF  }
0xb3: {  	s25 =	simm.s32 $0x1B8E;
	s24 =	sld [smem:$0x3FFE];
	[sflag:s5] =	ssyncadd.remote.s32 @!p0 $0x1  }
0xb4: {  	s26 =	simm.s32 $execute0_lowered;
	[smem:$0x3FD2] =	sst s25  }
0xb5: {  	s6 =	sshll.u32 s26, $0x1;
	_ =	strace $0x80000049;
	[dreg:$0x1] =	wrdreg $0xFFFFFFFF  }
0xb6: {  	s28 =	simm.s32 $_size_execute0_lowered;
	s4 =	sadd.s32 s4, s6;
	[dreg:$0x0] =	wrdreg $0x0  }
0xb7: {  	s6 =	sshll.u32 s28, $0x1;
	[dreg:$0x2] =	wrdreg s4  }
0xb8: {  	[dreg:$0x3] =	wrdreg s6  }
0xb9: {  	[dreg:$0x4] =	wrdreg $0xC0  }
0xba: {  	_ =	task [dreg:s22], $0x5FFFF  }
0xbb: {  	[dreg:$0x1] =	wrdreg $0xFFFFFFFF  }
0xbc: {  	[dreg:$0x0] =	wrdreg $0x60  }
0xbd: {  	[dreg:$0x2] =	wrdreg s18  }
0xbe: {  	[dreg:$0x3] =	wrdreg s24  }
0xbf: {  	[dreg:$0x4] =	wrdreg $0x41000  }
0xc0: {  	[dreg:$0x5] =	wrdreg $0x9  }
0xc1: {  	_ =	task.clear_ibuf [dreg:s22], $0x6FFFF;
	_ =	strace $0x90000049  }
0xc2: {  	s29 =	simm.s32 $0x9;
	_ =	strace $0x8000004B  }
0xc3: {  	_ =	swait.ge [sflag:s29], $0x1  }
0xc4: {  	[sflag:s29] =	ssyncadd.s32 $0xFFFFFFFF  }
0xc5: {  	_ =	strace $0x9000004B  }
0xc6: {  	_ =	sfence  }
0xc7: {  	s30 =	sld [smem:$0x0];
	_ =	sdelay $0x2  }
0xc8: {  	s31 =	sshll.u32 s1, $0xD;
	s1 =	sshrl.u32 s1, $0x2  }
0xc9: {  	s4 =	sand.u32 $0x4000, s31;
	s1 =	sadd.s32 s1, s30  }
0xca: {  	s0 =	sor.u32 s4, s0;
	s1 =	sshll.u32 s1, $0x11  }
0xcb: {  	s0 =	sor.u32 s1, s0  }
0xcc: {  	s0 =	sadd.s32 $0x8F2B, s0  }
0xcd: {  	[sflag:s0] =	ssyncadd.remote.s32 $0x1  }
0xce: {  	_ =	sfence.sel $0xFFFF  }
0xcf: {  	[dreg:$0x0] =	wrdreg $0xFFFFFFFF;
	(pc) =	sbr.abs _section_cstart, $3  }
0xd0: {  	[dreg:$0x1] =	wrdreg $0xFFFFFFFF  }
0xd1: {  	_ =	task.clear_ibuf [dreg:s22], $0x2FFFF;
	_ =	strace $0x9FFFFFFF  }
0xd2: {  	(tm) =	ssettm $0x7FFFFFFF  }
0xd3: {  	_ =	shalt  }
tec
execute0_lowered:
.L_overlay_start_1:
0x0: {  	(tag) =	ssettag $0x1  }
0x1: {  	s9 =	rddreg [dreg:$0x0]  }
0x2: {  	s6 =	rddreg [dreg:$0x1];
	s1 =	srdreg.scid  }
0x3: {  	s0 =	stileid.u32;
	s2 =	rddreg [dreg:$0x2]  }
0x4: {  	s3 =	simm.s32 $0x0;
	s21 =	simm.s32 $0x80;
	s22 =	simm.s32 $0x1  }
0x5: {  	s17 =	sand.u32 $0x1, s1;
	s5 =	smul.u32 $0x278, s0;
	s1 =	rddreg [dreg:$0x3]  }
0x6: {  	s23 =	simm.s32 $0x2;
	[smem:$0x7FF] =	sst s3;
	s10 =	smul.u32 $0x4F000, s0  }
0x7: {  	s4 =	sadd.s32 $0xBE00, s6;
	s31 =	sshll.u32 s0, $0x4;
	s7 =	smul.u32 $0x2780, s17  }
0x8: {  	_ =	strace $0x8000004A;
	s8 =	ssub.s32 $0x2, s17;
	s29 =	sshll.u32 s17, $0x4  }
0x9: {  	s19 =	sadd.s32 s31, s9;
	s20 =	sshll.u32 s17, $0x8;
	s28 =	sshrl.u32 s8, $0x1  }
0xa: {  	s30 =	sshrl.u32 s10, $0x2;
	s24 =	sor.u32 s0, s29;
	s11 =	sadd.s32 $0x9C00, s19  }
0xb: {  	s5 =	sadd.s32 s5, s7;
	s18 =	ssub.s32 s8, s28;
	p0 =	sgt.u32 s24, $0x3  }
0xc: {  	s24 =	simm.s32 $0x0;
	s7 =	sshll.u32 s5, $0x4;
	s5 =	sadd.s32 $0x5B600, s6  }
0xd: {  	s17 =	smax.u32 s18, $0x1;
	s18 =	sadd.s32 s20, s19;
	s19 =	simm.s32 $0x100  }
0xe: {  	s20 =	simm.s32 $0x3;
	s16 =	sadd.s32 s7, s6;
	s6 =	sadd.s32 s30, s2  }
0xf: {  	s7 =	sadd.s32 $0x4000, s6;
	s8 =	sadd.s32 $0x8000, s6;
	s9 =	sadd.s32 $0xC000, s6  }
0x10: {  	s10 =	sadd.s32 $0x10000, s6;
	s12 =	sadd.s32 $0x5BE00, s16;
	s13 =	sadd.s32 $0x5C600, s16  }
0x11: {  	s14 =	sadd.s32 $0x5CE00, s16;
	s15 =	sadd.s32 $0x5D600, s16;
	s16 =	sadd.s32 $0x5DE00, s16  }
.LBB2_1:
0x12: {  	[tilespmem:s19], [sflag:$0x3] =	stream.linear.gather [hbm4b:s4+s3], $0x4000, $0x38;
	[tilespmem:$0x17D00] =	vst v63  }
0x13: {  	_ =	swait.ge [sflag:s20], $0x4000  }
0x14: {  	[sflag:s20] =	ssyncset.done $0x0  }
0x15: {  	[sflag:s20] =	ssyncadd.s32 $0xFFFFC000  }
0x16: {  	[spmem:s6] =	stream.linear.scatter [tilespmem:s19], [sflag:$0x3], $0x4000, $0x38;
	[tilespmem:$0x17D00] =	vst v63  }
0x17: {  	_ =	swait.ge [sflag:s20], $0x4000  }
0x18: {  	[sflag:s20] =	ssyncset.done $0x0  }
0x19: {  	[sflag:s20] =	ssyncadd.s32 $0xFFFFC000  }
0x1a: {  	[spmem:s7] =	stream.linear.scatter [tilespmem:s19], [sflag:$0x3], $0x4000, $0x38;
	[tilespmem:$0x17D00] =	vst v63  }
0x1b: {  	_ =	swait.ge [sflag:s20], $0x4000  }
0x1c: {  	[sflag:s20] =	ssyncset.done $0x0  }
0x1d: {  	[sflag:s20] =	ssyncadd.s32 $0xFFFFC000  }
0x1e: {  	[spmem:s8] =	stream.linear.scatter [tilespmem:s19], [sflag:$0x3], $0x4000, $0x38;
	[tilespmem:$0x17D00] =	vst v63  }
0x1f: {  	_ =	swait.ge [sflag:s20], $0x4000  }
0x20: {  	[sflag:s20] =	ssyncset.done $0x0  }
0x21: {  	[sflag:s20] =	ssyncadd.s32 $0xFFFFC000  }
0x22: {  	[spmem:s9] =	stream.linear.scatter [tilespmem:s19], [sflag:$0x3], $0x4000, $0x38;
	[tilespmem:$0x17D00] =	vst v63  }
0x23: {  	_ =	swait.ge [sflag:s20], $0x4000  }
0x24: {  	[sflag:s20] =	ssyncset.done $0x0  }
0x25: {  	[sflag:s20] =	ssyncadd.s32 $0xFFFFC000  }
0x26: {  	[spmem:s10] =	stream.linear.scatter [tilespmem:s19], [sflag:$0x3], $0x3C00, $0x38;
	[tilespmem:$0x17D00] =	vst v63  }
0x27: {  	_ =	swait.ge [sflag:s20], $0x3C00  }
0x28: {  	[sflag:s20] =	ssyncset.done $0x0  }
0x29: {  	[sflag:s20] =	ssyncadd.s32 $0xFFFFC400  }
0x2a: {  	[tilespmem:s19], [sflag:$0x3] =	stream.linear.gather [hbm4b:s5+s3], $0x4000, $0x38;
	[tilespmem:$0x17D00] =	vst v63  }
0x2b: {  	_ =	swait.ge [sflag:s20], $0x4000  }
0x2c: {  	[sflag:s20] =	ssyncset.done $0x0  }
0x2d: {  	[sflag:s20] =	ssyncadd.s32 $0xFFFFC000  }
0x2e: {  	s25 =	sadd.s32 $0x0, s18;
	[bflag:$0x0] =	sbarrier.arrive $0xFFFF  }
0x2f: {  	[tilespmem:s3], [sflag:$0x1] =	stream.linear.gather [hbm4b:s25+s3], $0x80, $0x38;
	[tilespmem:$0x17D00] =	vst v63  }
0x30: {  	s25 =	sadd.s32 $0x200, s25  }
0x31: {  	[tilespmem:s21], [sflag:$0x2] =	stream.linear.gather [hbm4b:s25+s3], $0x80, $0x38;
	[tilespmem:$0x17D00] =	vst v63  }
0x32: {  	_ =	swait.ge [sflag:s22], $0x80  }
0x33: {  	[sflag:s22] =	ssyncset.done $0x0  }
0x34: {  	[sflag:s22] =	ssyncadd.s32 $0xFFFFFF80  }
0x35: {  	[spmem:s2] =	stream.indirect.scatter.add.f32 [tilespmem:s19], [sflag:$0x3], $0x80, s3, s21, $0xb8;
	[tilespmem:$0x17D00] =	vst v63  }
0x36: {  	_ =	swait.ge [sflag:s20], $0x4000  }
0x37: {  	[sflag:s20] =	ssyncset.done $0x0  }
0x38: {  	[sflag:s20] =	ssyncadd.s32 $0xFFFFC000  }
0x39: {  	_ =	swait.ge [sflag:s23], $0x80  }
0x3a: {  	[sflag:s23] =	ssyncset.done $0x0  }
0x3b: {  	[sflag:s23] =	ssyncadd.s32 $0xFFFFFF80  }
0x3c: {  	[spmem:s2] =	stream.indirect.scatter.add.f32 [tilespmem:s19], [sflag:$0x3], $0x80, s21, s21, $0xb8;
	[tilespmem:$0x17D00] =	vst v63  }
0x3d: {  	_ =	swait.ge [sflag:s20], $0x4000  }
0x3e: {  	s26 =	simm.s32 $0x800;
	s25 =	simm.s32 $0x400;
	[sflag:s20] =	ssyncset.done $0x0  }
.LBB2_2:
0x3f: {  	s28 =	sadd.s32 s25, s18  }
0x40: {  	[sflag:s20] =	ssyncadd.s32 $0xFFFFC000;
	s25 =	smov.u32 s26;
	s29 =	sadd.s32 $0x400, s26  }
0x41: {  	[tilespmem:s3], [sflag:$0x1] =	stream.linear.gather [hbm4b:s28+s3], $0x80, $0x38;
	[tilespmem:$0x17D00] =	vst v63  }
0x42: {  	p1 =	sne.s32 s26, $0x9800;
	s26 =	sadd.s32 $0x200, s28  }
0x43: {  	[tilespmem:s21], [sflag:$0x2] =	stream.linear.gather [hbm4b:s26+s3], $0x80, $0x38;
	[tilespmem:$0x17D00] =	vst v63  }
0x44: {  	_ =	swait.ge [sflag:s22], $0x80  }
0x45: {  	[sflag:s22] =	ssyncset.done $0x0  }
0x46: {  	[sflag:s22] =	ssyncadd.s32 $0xFFFFFF80  }
0x47: {  	[spmem:s2] =	stream.indirect.scatter.add.f32 [tilespmem:s19], [sflag:$0x3], $0x80, s3, s21, $0xb8;
	[tilespmem:$0x17D00] =	vst v63  }
0x48: {  	_ =	swait.ge [sflag:s20], $0x4000  }
0x49: {  	[sflag:s20] =	ssyncset.done $0x0  }
0x4a: {  	[sflag:s20] =	ssyncadd.s32 $0xFFFFC000  }
0x4b: {  	_ =	swait.ge [sflag:s23], $0x80  }
.Ltmp0:
0x4c: {  	[sflag:s23] =	ssyncset.done $0x0;
	(pc) =	sbr.rel @p1 .LBB2_2-.Ltmp0, $4  }
0x4d: {  	[sflag:s23] =	ssyncadd.s32 $0xFFFFFF80  }
0x4e: {  	[spmem:s2] =	stream.indirect.scatter.add.f32 [tilespmem:s19], [sflag:$0x3], $0x80, s21, s21, $0xb8;
	[tilespmem:$0x17D00] =	vst v63  }
0x4f: {  	_ =	swait.ge [sflag:s20], $0x4000  }
0x50: {  	s26 =	smov.u32 s29;
	[sflag:s20] =	ssyncset.done $0x0  }
0x51: {  	s25 =	sadd.s32 s25, s18;
	[sflag:s20] =	ssyncadd.s32 $0xFFFFC000  }
0x52: {  	[tilespmem:s3], [sflag:$0x1] =	stream.linear.gather [hbm4b:s25+s3], $0x80, $0x38;
	[tilespmem:$0x17D00] =	vst v63  }
0x53: {  	s25 =	sadd.s32 $0x200, s25  }
0x54: {  	[tilespmem:s21], [sflag:$0x2] =	stream.linear.gather [hbm4b:s25+s3], $0x80, $0x38;
	[tilespmem:$0x17D00] =	vst v63  }
0x55: {  	_ =	swait.ge [sflag:s22], $0x80  }
0x56: {  	[sflag:s22] =	ssyncset.done $0x0  }
0x57: {  	[sflag:s22] =	ssyncadd.s32 $0xFFFFFF80  }
0x58: {  	[spmem:s2] =	stream.indirect.scatter.add.f32 [tilespmem:s19], [sflag:$0x3], $0x80, s3, s21, $0xb8;
	[tilespmem:$0x17D00] =	vst v63  }
0x59: {  	_ =	swait.ge [sflag:s20], $0x4000  }
0x5a: {  	[sflag:s20] =	ssyncset.done $0x0  }
0x5b: {  	[sflag:s20] =	ssyncadd.s32 $0xFFFFC000  }
0x5c: {  	_ =	swait.ge [sflag:s23], $0x80  }
0x5d: {  	[sflag:s23] =	ssyncset.done $0x0  }
0x5e: {  	[sflag:s23] =	ssyncadd.s32 $0xFFFFFF80  }
0x5f: {  	[spmem:s2] =	stream.indirect.scatter.add.f32 [tilespmem:s19], [sflag:$0x3], $0x80, s21, s21, $0xb8;
	[tilespmem:$0x17D00] =	vst v63  }
0x60: {  	_ =	swait.ge [sflag:s20], $0x4000  }
0x61: {  	[sflag:s20] =	ssyncset.done $0x0  }
0x62: {  	s26 =	simm.s32 @!p0 $0x3;
	s25 =	simm.s32 @!p0 $0x0;
	[sflag:s20] =	ssyncadd.s32 $0xFFFFC000  }
0x63: {  	[tilespmem:s25], [sflag:$0x3] =	stream.linear.gather @!p0 [hbm4b:s11+s25], $0x80, $0x38;
	[tilespmem:$0x17D00] =	vst v63  }
0x64: {  	_ =	swait.ge @!p0 [sflag:s26], $0x80  }
0x65: {  	[sflag:s26] =	ssyncset.done @!p0 $0x0  }
0x66: {  	s28 =	simm.s32 @!p0 $0x80;
	s29 =	simm.s32 @!p0 $0x100;
	[sflag:s26] =	ssyncadd.s32 @!p0 $0xFFFFFF80  }
0x67: {  	[spmem:s2] =	stream.indirect.scatter.add.f32 @!p0 [tilespmem:s29], [sflag:$0x3], $0x80, s25, s28, $0xb8;
	[tilespmem:$0x17D00] =	vst v63  }
0x68: {  	_ =	swait.ge @!p0 [sflag:s26], $0x4000  }
0x69: {  	[sflag:s26] =	ssyncset.done @!p0 $0x0  }
0x6a: {  	[sflag:s26] =	ssyncadd.s32 @!p0 $0xFFFFC000  }
0x6b: {  	[bflag:$0x0] =	sbarrier.arrive $0xFFFF  }
0x6c: {  	[tilespmem:s19], [sflag:$0x3] =	stream.linear.gather [spmem:s6], $0x4000, $0x38;
	[tilespmem:$0x17D00] =	vst v63  }
0x6d: {  	_ =	swait.ge [sflag:s20], $0x4000  }
0x6e: {  	[sflag:s20] =	ssyncset.done $0x0  }
0x6f: {  	[sflag:s20] =	ssyncadd.s32 $0xFFFFC000  }
0x70: {  	[hbm4b:s12+s3] =	stream.linear.scatter [tilespmem:s19], [sflag:$0x3], $0x4000, $0x38;
	[tilespmem:$0x17D00] =	vst v63  }
0x71: {  	_ =	swait.ge [sflag:s20], $0x4000  }
0x72: {  	[sflag:s20] =	ssyncset.done $0x0  }
0x73: {  	[sflag:s20] =	ssyncadd.s32 $0xFFFFC000  }
0x74: {  	[tilespmem:s19], [sflag:$0x3] =	stream.linear.gather [spmem:s7], $0x4000, $0x38;
	[tilespmem:$0x17D00] =	vst v63  }
0x75: {  	_ =	swait.ge [sflag:s20], $0x4000  }
0x76: {  	[sflag:s20] =	ssyncset.done $0x0  }
0x77: {  	[sflag:s20] =	ssyncadd.s32 $0xFFFFC000  }
0x78: {  	[hbm4b:s13+s3] =	stream.linear.scatter [tilespmem:s19], [sflag:$0x3], $0x4000, $0x38;
	[tilespmem:$0x17D00] =	vst v63  }
0x79: {  	_ =	swait.ge [sflag:s20], $0x4000  }
0x7a: {  	[sflag:s20] =	ssyncset.done $0x0  }
0x7b: {  	[sflag:s20] =	ssyncadd.s32 $0xFFFFC000  }
0x7c: {  	[tilespmem:s19], [sflag:$0x3] =	stream.linear.gather [spmem:s8], $0x4000, $0x38;
	[tilespmem:$0x17D00] =	vst v63  }
0x7d: {  	_ =	swait.ge [sflag:s20], $0x4000  }
0x7e: {  	[sflag:s20] =	ssyncset.done $0x0  }
0x7f: {  	[sflag:s20] =	ssyncadd.s32 $0xFFFFC000  }
0x80: {  	[hbm4b:s14+s3] =	stream.linear.scatter [tilespmem:s19], [sflag:$0x3], $0x4000, $0x38;
	[tilespmem:$0x17D00] =	vst v63  }
0x81: {  	_ =	swait.ge [sflag:s20], $0x4000  }
0x82: {  	[sflag:s20] =	ssyncset.done $0x0  }
0x83: {  	[sflag:s20] =	ssyncadd.s32 $0xFFFFC000  }
0x84: {  	[tilespmem:s19], [sflag:$0x3] =	stream.linear.gather [spmem:s9], $0x4000, $0x38;
	[tilespmem:$0x17D00] =	vst v63  }
0x85: {  	_ =	swait.ge [sflag:s20], $0x4000  }
0x86: {  	[sflag:s20] =	ssyncset.done $0x0  }
0x87: {  	[sflag:s20] =	ssyncadd.s32 $0xFFFFC000  }
0x88: {  	[hbm4b:s15+s3] =	stream.linear.scatter [tilespmem:s19], [sflag:$0x3], $0x4000, $0x38;
	[tilespmem:$0x17D00] =	vst v63  }
0x89: {  	_ =	swait.ge [sflag:s20], $0x4000  }
0x8a: {  	[sflag:s20] =	ssyncset.done $0x0  }
0x8b: {  	[sflag:s20] =	ssyncadd.s32 $0xFFFFC000  }
0x8c: {  	[tilespmem:s19], [sflag:$0x3] =	stream.linear.gather [spmem:s10], $0x3C00, $0x38;
	[tilespmem:$0x17D00] =	vst v63  }
0x8d: {  	s24 =	sadd.s32 $0x1, s24;
	_ =	swait.ge [sflag:s20], $0x3C00  }
0x8e: {  	p1 =	sne.s32 s24, s17;
	[sflag:s20] =	ssyncset.done $0x0  }
.Ltmp1:
0x8f: {  	[sflag:s20] =	ssyncadd.s32 $0xFFFFC400;
	(pc) =	sbr.rel @p1 .LBB2_1-.Ltmp1, $4  }
0x90: {  	[hbm4b:s16+s3] =	stream.linear.scatter [tilespmem:s19], [sflag:$0x3], $0x3C00, $0x38;
	[tilespmem:$0x17D00] =	vst v63  }
0x91: {  	_ =	swait.ge [sflag:s20], $0x3C00  }
0x92: {  	[sflag:s20] =	ssyncset.done $0x0  }
0x93: {  	[sflag:s20] =	ssyncadd.s32 $0xFFFFC400  }
0x94: {  	_ =	sfence.sel $0x180000  }
0x95: {  	[bflag:$0x0] =	sbarrier.arrive $0xFFFF  }
0x96: {  	p0 =	sne.s32 s0, $0x0;
	_ =	strace $0x9000004A  }
0x97: {  	s0 =	sadd.s32 @!p0 $0x100000, s1;
	[bflag:$0x2] =	sbarrier.arrive $0xFFFF  }
0x98: {  	[sflag:s0] =	ssyncadd.tile.s32 @!p0 $0x1;
	_ =	shalt  }
.Lfunc_end2:
_tile_overlayer_lowered:
.L_overlay_start_2:
0x99: {  	(tag) =	ssettag $0x2  }
0x9a: {  	s0 =	rddreg [dreg:$0x0];
	s2 =	stileid.u32  }
0x9b: {  	s1 =	rddreg [dreg:$0x1];
	p0 =	sne.s32 s2, $0x0  }
0x9c: {  	s3 =	rddreg [dreg:$0x2];
	[bflag:$0x3] =	sbarrier.arrive $0xFFFF;
	s2 =	simm.s32 @!p0 $0x1C03  }
0x9d: {  	[timem:s3], [sflag:s2] =	dma.local @!p0 [hbm:s0], s1  }
0x9e: {  	s0 =	simm.s32 @!p0 $0x3  }
0x9f: {  	_ =	swait.ge @!p0 [sflag:s0], s1  }
0xa0: {  	s1 =	ssub.s32 @!p0 $0x0, s1;
	[sflag:s0] =	ssyncset.done @!p0 $0x0  }
0xa1: {  	[sflag:s0] =	ssyncadd.s32 @!p0 s1  }
0xa2: {  	[bflag:$0x3] =	sbarrier.arrive $0xFFFF  }
0xa3: {  	_ =	shalt  }

</sc_bundles>
